<compile_context>
chip_gen: v7x
topology: tpu7x:2x2x1
jax: 0.10.2.dev20260603
libtpu: 0.0.44.dev20260713+nightly
codegen_flags: <defaults>
</compile_context>

<pallas_src>
import functools

import jax
import jax.numpy as jnp
from jax import lax
from jax.experimental import pallas as pl
from jax.experimental.pallas import tpu as pltpu
from jax.experimental.pallas import tpu_sc as plsc

_EMB = 128
_N = 100000
_T1_ROWS = 4 * 12 * 12
_T2_ROWS = 10 * 6 * 6 * 2 * 2

_NC, _NS = 2, 16
_NW = _NC * _NS
_B = 128
_NF = 9
_FULL_CHUNKS = _N // _B
_REM = _N - _FULL_CHUNKS * _B
_CHUNKS = _FULL_CHUNKS + 1
_NPAD = _CHUNKS * _B


def _build_tables_body(w1, w2, w3, w4, w5, w6, w7, w8, t1, t2):
    a = (w1[...][:, None, :] + w2[...][None, :, :]).reshape(48, _EMB)
    t1[...] = (a[:, None, :] + w3[...][None, :, :]).reshape(_T1_ROWS, _EMB)
    b = (w4[...][:, None, :] + w5[...][None, :, :]).reshape(60, _EMB)
    b = (b[:, None, :] + w6[...][None, :, :]).reshape(360, _EMB)
    b = (b[:, None, :] + w7[...][None, :, :]).reshape(720, _EMB)
    t2[...] = (b[:, None, :] + w8[...][None, :, :]).reshape(_T2_ROWS, _EMB)


def _build_tables(w1, w2, w3, w4, w5, w6, w7, w8):
    return pl.pallas_call(
        _build_tables_body,
        out_shape=[
            jax.ShapeDtypeStruct((_T1_ROWS, _EMB), jnp.float32),
            jax.ShapeDtypeStruct((_T2_ROWS, _EMB), jnp.float32),
        ],
    )(w1, w2, w3, w4, w5, w6, w7, w8)


_FUSE_M = [
    [1, 0, 0, 0, 0, 0, 0, 0, 0],
    [0, 144, 12, 1, 0, 0, 0, 0, 0],
    [0, 0, 0, 0, 144, 24, 4, 2, 1],
]


def _fuse_selector():
    import numpy as np
    sel = np.zeros((_B * _NF, 3 * _B), np.float32)
    for n in range(_B):
        for j in range(3):
            for i in range(_NF):
                sel[9 * n + i, j * _B + n] = _FUSE_M[j][i]
    return jnp.asarray(sel)


def _prep_body(x_ref, sel_ref, w1, w2, w3, w4, w5, w6, w7, w8,
               t1, t2, cc_ref):
    _build_tables_body(w1, w2, w3, w4, w5, w6, w7, w8, t1, t2)
    xf = x_ref[...].astype(jnp.float32)
    y = jax.lax.dot_general(xf, sel_ref[...], (((1,), (0,)), ((), ())),
                            preferred_element_type=jnp.float32)
    cc_ref[...] = y.astype(jnp.int32)


def _prep(xp, w1, w2, w3, w4, w5, w6, w7, w8):
    return pl.pallas_call(
        _prep_body,
        out_shape=[
            jax.ShapeDtypeStruct((_T1_ROWS, _EMB), jnp.float32),
            jax.ShapeDtypeStruct((_T2_ROWS, _EMB), jnp.float32),
            jax.ShapeDtypeStruct((_CHUNKS, 3 * _B), jnp.int32),
        ],
    )(xp, _fuse_selector(), w1, w2, w3, w4, w5, w6, w7, w8)


def _start_gathers(j, w0, t1, t2, cva, r0, r1, r2, sem):
    base = j * 3 * _B
    pltpu.async_copy(w0.at[cva.at[pl.ds(base, _B)]], r0, sem)
    pltpu.async_copy(t1.at[cva.at[pl.ds(base + _B, _B)]], r1, sem)
    pltpu.async_copy(t2.at[cva.at[pl.ds(base + 2 * _B, _B)]], r2, sem)


def _wait_gathers(j, w0, t1, t2, cva, r0, r1, r2, sem):
    base = j * 3 * _B
    pltpu.make_async_copy(w0.at[cva.at[pl.ds(base, _B)]], r0, sem).wait()
    pltpu.make_async_copy(t1.at[cva.at[pl.ds(base + _B, _B)]], r1,
                          sem).wait()
    pltpu.make_async_copy(t2.at[cva.at[pl.ds(base + 2 * _B, _B)]], r2,
                          sem).wait()


def _accumulate(r0, r1, r2, nrows):
    def acc_row(r):
        for l in range(_EMB // 16):
            sl = pl.ds(l * 16, 16)
            r0[r, sl] = r0[r, sl] + r1[r, sl] + r2[r, sl]

    plsc.parallel_loop(0, nrows, 1, unroll=4)(acc_row)


def _sc_lookup(ccp, w0, t1, t2):
    mesh = plsc.VectorSubcoreMesh(
        core_axis_name="c", subcore_axis_name="s",
        num_cores=_NC, num_subcores=_NS)

    @functools.partial(
        pl.kernel,
        out_type=jax.ShapeDtypeStruct((_N, _EMB), jnp.float32),
        mesh=mesh,
        scratch_types=dict(
            cva=pltpu.VMEM((25 * 3 * _B,), jnp.int32),
            a0=pltpu.VMEM((_B, _EMB), jnp.float32),
            a1=pltpu.VMEM((_B, _EMB), jnp.float32),
            a2=pltpu.VMEM((_B, _EMB), jnp.float32),
            b0=pltpu.VMEM((_B, _EMB), jnp.float32),
            b1=pltpu.VMEM((_B, _EMB), jnp.float32),
            b2=pltpu.VMEM((_B, _EMB), jnp.float32),
            ts0=pltpu.VMEM_SHARED((119, _EMB), jnp.float32),
            ts1=pltpu.VMEM_SHARED((_T1_ROWS, _EMB), jnp.float32),
            ts2=pltpu.VMEM_SHARED((_T2_ROWS, _EMB), jnp.float32),
            sem0=pltpu.SemaphoreType.DMA,
            sem1=pltpu.SemaphoreType.DMA,
            isem=pltpu.SemaphoreType.DMA,
            wsem0=pltpu.SemaphoreType.DMA,
            wsem1=pltpu.SemaphoreType.DMA,
        ),
    )
    def k(ccp_hbm, w0_hbm, t1_hbm, t2_hbm, out_hbm,
          cva, a0, a1, a2, b0, b1, b2, ts0, ts1, ts2,
          sem0, sem1, isem, wsem0, wsem1):
        sid = lax.axis_index("s")
        wid = sid * _NC + lax.axis_index("c")

        @pl.when(sid == 0)
        def _():
            pltpu.sync_copy(w0_hbm, ts0)
            pltpu.sync_copy(t1_hbm, ts1)
            pltpu.sync_copy(t2_hbm, ts2)

        plsc.subcore_barrier()
        nj = (_FULL_CHUNKS - wid + _NW - 1) // _NW

        def chunk_id(j):
            return wid + j * _NW

        def stage_idx(j, _):
            off = pl.multiple_of(chunk_id(j) * 3 * _B, 8)
            pltpu.async_copy(ccp_hbm.at[pl.ds(off, 3 * _B)],
                             cva.at[pl.ds(j * 3 * _B, 3 * _B)], isem)
            return 0

        def wait_idx(j, _):
            pltpu.make_async_copy(ccp_hbm.at[pl.ds(0, 3 * _B)],
                                  cva.at[pl.ds(0, 3 * _B)], isem).wait()
            return 0

        lax.fori_loop(0, nj, stage_idx, 0)
        lax.fori_loop(0, nj, wait_idx, 0)

        def wb(c, r0, wsem):
            pltpu.async_copy(
                r0, out_hbm.at[pl.ds(pl.multiple_of(c * _B, 8), _B)], wsem)

        def drain_wb(r0, wsem):
            pltpu.make_async_copy(r0, out_hbm.at[pl.ds(0, _B)], wsem).wait()

        def finish(j, r0, r1, r2, sem, wsem):
            _wait_gathers(j, ts0, ts1, ts2, cva, r0, r1, r2, sem)
            _accumulate(r0, r1, r2, _B)
            wb(chunk_id(j), r0, wsem)

        _start_gathers(0, ts0, ts1, ts2, cva, a0, a1, a2, sem0)

        def pair(jj, _):
            ja, jb, jc = 2 * jj, 2 * jj + 1, 2 * jj + 2

            @pl.when(jb < nj)
            def _():
                @pl.when(jj > 0)
                def _():
                    drain_wb(b0, wsem1)

                _start_gathers(jb, ts0, ts1, ts2, cva, b0, b1, b2, sem1)

            @pl.when(ja < nj)
            def _():
                finish(ja, a0, a1, a2, sem0, wsem0)

            @pl.when(jc < nj)
            def _():
                drain_wb(a0, wsem0)
                _start_gathers(jc, ts0, ts1, ts2, cva, a0, a1, a2, sem0)

            @pl.when(jb < nj)
            def _():
                finish(jb, b0, b1, b2, sem1, wsem1)

            return 0

        lax.fori_loop(0, (nj + 1) // 2, pair, 0)
        drain_wb(a0, wsem0)
        drain_wb(b0, wsem1)

        @pl.when(wid == _FULL_CHUNKS % _NW)
        def _():
            pltpu.sync_copy(ccp_hbm.at[pl.ds(_FULL_CHUNKS * 3 * _B, 3 * _B)],
                            cva.at[pl.ds(24 * 3 * _B, 3 * _B)])
            _start_gathers(24, ts0, ts1, ts2, cva, a0, a1, a2, sem0)
            _wait_gathers(24, ts0, ts1, ts2, cva, a0, a1, a2, sem0)
            _accumulate(a0, a1, a2, _REM)
            pltpu.sync_copy(a0.at[pl.ds(0, _REM)],
                            out_hbm.at[pl.ds(_FULL_CHUNKS * _B, _REM)])

    return k(ccp, w0, t1, t2)


def kernel(x, W0, W1, W2, W3, W4, W5, W6, W7, W8):
    xp = jnp.pad(x.astype(jnp.int32), ((0, _NPAD - _N), (0, 0)))
    xc = xp.reshape(_CHUNKS, _B * _NF)
    t1, t2, ccp = _prep(xc, W1, W2, W3, W4, W5, W6, W7, W8)
    return _sc_lookup(ccp.reshape(-1), W0, t1, t2)

# --- scband reference (transcript-rebuilt; emitter-appended) ---
"""Pipeline reference for scband-ogbgatom-encoder-28991029248742 (READ-ONLY COPY).

The authoritative reference and input builder live on the scoring server;
editing this copy changes nothing except your own understanding.
"""

import jax, jax.numpy as jnp
import numpy as np

FEATURE_DIMS = [119, 4, 12, 12, 10, 6, 6, 2, 2]
EMB_DIM = 128
NUM_NODES = 100000


def _xavier_uniform(key, fan_in, fan_out):
    bound = float(np.sqrt(6.0 / (fan_in + fan_out)))
    return jax.random.uniform(key, (fan_in, fan_out), dtype=jnp.float32, minval=-bound, maxval=bound)


def setup_inputs(seed: int = 0) -> dict:
    key = jax.random.key(seed)
    kx, key = jax.random.split(key)
    # values in [0, 2) are valid rows for every per-feature vocab (min vocab = 2)
    x = jax.random.randint(kx, (NUM_NODES, len(FEATURE_DIMS)), 0, 2)
    inp = {"x": x}
    for i, dim in enumerate(FEATURE_DIMS):
        kw, key = jax.random.split(key)
        inp[f"W{i}"] = _xavier_uniform(kw, dim, EMB_DIM)
    return inp


def reference(x, W0, W1, W2, W3, W4, W5, W6, W7, W8):
    Ws = (W0, W1, W2, W3, W4, W5, W6, W7, W8)
    x = x.astype(jnp.int32)
    x_emb = jnp.zeros((x.shape[0], EMB_DIM), dtype=jnp.float32)
    for i in range(x.shape[1]):
        x_emb = x_emb + jnp.take(Ws[i], x[:, i], axis=0)
    return x_emb

if __name__ == "__main__":
    import jax
    _d = setup_inputs()
    print(jax.jit(kernel)(*tuple(_d.values())))

</pallas_src>

<mosaic_0001>
#map = affine_map<(d0, d1) -> (0)>
#map1 = affine_map<(d0, d1) -> (0, 0)>
module attributes {stable_mosaic.version = 14 : i64} {
  func.func @k(%arg0: i32, %arg1: i32, %arg2: memref<300288xi32, #tpu.memory_space<hbm>>, %arg3: memref<119x128xf32, #tpu.memory_space<hbm>>, %arg4: memref<576x128xf32, #tpu.memory_space<hbm>>, %arg5: memref<1440x128xf32, #tpu.memory_space<hbm>>, %arg6: memref<100000x128xf32, #tpu.memory_space<hbm>>, %arg7: memref<128x128xf32, #tpu.memory_space<vmem>>, %arg8: memref<128x128xf32, #tpu.memory_space<vmem>>, %arg9: memref<128x128xf32, #tpu.memory_space<vmem>>, %arg10: memref<128x128xf32, #tpu.memory_space<vmem>>, %arg11: memref<128x128xf32, #tpu.memory_space<vmem>>, %arg12: memref<128x128xf32, #tpu.memory_space<vmem>>, %arg13: memref<9600xi32, #tpu.memory_space<vmem>>, %arg14: memref<!tpu.dma_semaphore, #tpu.memory_space<semaphore_mem>>, %arg15: memref<!tpu.dma_semaphore, #tpu.memory_space<semaphore_mem>>, %arg16: memref<!tpu.dma_semaphore, #tpu.memory_space<semaphore_mem>>, %arg17: memref<119x128xf32, #tpu.memory_space<vmem_shared>>, %arg18: memref<576x128xf32, #tpu.memory_space<vmem_shared>>, %arg19: memref<1440x128xf32, #tpu.memory_space<vmem_shared>>, %arg20: memref<!tpu.dma_semaphore, #tpu.memory_space<semaphore_mem>>, %arg21: memref<!tpu.dma_semaphore, #tpu.memory_space<semaphore_mem>>) attributes {dimension_semantics = [#tpu.dimension_semantics<core_parallel>, #tpu.dimension_semantics<subcore_parallel>], iteration_bounds = array<i64: 2, 16>, scalar_prefetch = 0 : i64, scratch_operands = 15 : i64, tpu.core_type = #tpu.core_type<sc_vector_subcore>, window_params = [{transform_indices = #map}, {transform_indices = #map1}, {transform_indices = #map1}, {transform_indices = #map1}, {transform_indices = #map1}]} {
    %mul3A = arith.constant 2 : i32
    %mul3A_0 = arith.muli %arg1, %mul3A : i32
    %add3A = arith.addi %mul3A_0, %arg0 : i32
    %eq3A = arith.constant 0 : i32
    %eq3A_1 = arith.cmpi eq, %arg1, %eq3A : i32
    %convert_element_type3A = arith.extui %eq3A_1 : i1 to i32
    %cond3A = arith.constant 0 : i32
    %cond3A_2 = arith.cmpi ne, %convert_element_type3A, %cond3A : i32
    scf.if %cond3A_2 {
      "tpu.region"() ({
        %run_scoped3A = tpu.sem_alloc : memref<!tpu.dma_semaphore, #tpu.memory_space<semaphore_mem>>
        tpu.enqueue_dma source(%arg3 : memref<119x128xf32, #tpu.memory_space<hbm>>) target(%arg17 : memref<119x128xf32, #tpu.memory_space<vmem_shared>>) target_semaphore(%run_scoped3A : memref<!tpu.dma_semaphore, #tpu.memory_space<semaphore_mem>>)
        tpu.wait_dma2 semaphore(%run_scoped3A : memref<!tpu.dma_semaphore, #tpu.memory_space<semaphore_mem>>) src(%arg3 : memref<119x128xf32, #tpu.memory_space<hbm>>) dst(%arg17 : memref<119x128xf32, #tpu.memory_space<vmem_shared>>)
        tpu.yield
      }) : () -> ()
      "tpu.region"() ({
        %run_scoped3A = tpu.sem_alloc : memref<!tpu.dma_semaphore, #tpu.memory_space<semaphore_mem>>
        tpu.enqueue_dma source(%arg4 : memref<576x128xf32, #tpu.memory_space<hbm>>) target(%arg18 : memref<576x128xf32, #tpu.memory_space<vmem_shared>>) target_semaphore(%run_scoped3A : memref<!tpu.dma_semaphore, #tpu.memory_space<semaphore_mem>>)
        tpu.wait_dma2 semaphore(%run_scoped3A : memref<!tpu.dma_semaphore, #tpu.memory_space<semaphore_mem>>) src(%arg4 : memref<576x128xf32, #tpu.memory_space<hbm>>) dst(%arg18 : memref<576x128xf32, #tpu.memory_space<vmem_shared>>)
        tpu.yield
      }) : () -> ()
      "tpu.region"() ({
        %run_scoped3A = tpu.sem_alloc : memref<!tpu.dma_semaphore, #tpu.memory_space<semaphore_mem>>
        tpu.enqueue_dma source(%arg5 : memref<1440x128xf32, #tpu.memory_space<hbm>>) target(%arg19 : memref<1440x128xf32, #tpu.memory_space<vmem_shared>>) target_semaphore(%run_scoped3A : memref<!tpu.dma_semaphore, #tpu.memory_space<semaphore_mem>>)
        tpu.wait_dma2 semaphore(%run_scoped3A : memref<!tpu.dma_semaphore, #tpu.memory_space<semaphore_mem>>) src(%arg5 : memref<1440x128xf32, #tpu.memory_space<hbm>>) dst(%arg19 : memref<1440x128xf32, #tpu.memory_space<vmem_shared>>)
        tpu.yield
      }) : () -> ()
    } else {
    }
    %barrier3A = arith.constant 0 : index
    tpu.barrier barrier_id(%barrier3A)
    %sub3A = arith.constant 781 : i32
    %sub3A_3 = arith.subi %sub3A, %add3A : i32
    %add3A_4 = arith.constant 32 : i32
    %add3A_5 = arith.addi %sub3A_3, %add3A_4 : i32
    %sub3A_6 = arith.constant 1 : i32
    %sub3A_7 = arith.subi %add3A_5, %sub3A_6 : i32
    %jit3A = arith.constant 32 : i32
    %div3A = arith.divsi %sub3A_7, %jit3A : i32
    %sign3A = arith.constant 0 : i32
    %sign3A_8 = arith.cmpi sgt, %sub3A_7, %sign3A : i32
    %sign3A_9 = arith.extui %sign3A_8 : i1 to i32
    %sign3A_10 = arith.constant 0 : i32
    %sign3A_11 = arith.cmpi slt, %sub3A_7, %sign3A_10 : i32
    %sign3A_12 = arith.extui %sign3A_11 : i1 to i32
    %sign3A_13 = arith.subi %sign3A_9, %sign3A_12 : i32
    %sign3A_14 = arith.constant 0 : i32
    %sign3A_15 = arith.cmpi sgt, %jit3A, %sign3A_14 : i32
    %sign3A_16 = arith.extui %sign3A_15 : i1 to i32
    %sign3A_17 = arith.constant 0 : i32
    %sign3A_18 = arith.cmpi slt, %jit3A, %sign3A_17 : i32
    %sign3A_19 = arith.extui %sign3A_18 : i1 to i32
    %sign3A_20 = arith.subi %sign3A_16, %sign3A_19 : i32
    %ne3A = arith.cmpi ne, %sign3A_13, %sign3A_20 : i32
    %rem3A = arith.remsi %sub3A_7, %jit3A : i32
    %ne3A_21 = arith.constant 0 : i32
    %ne3A_22 = arith.cmpi ne, %rem3A, %ne3A_21 : i32
    %and3A = arith.andi %ne3A, %ne3A_22 : i1
    %sub3A_23 = arith.constant 1 : i32
    %sub3A_24 = arith.subi %div3A, %sub3A_23 : i32
    %select_n3A = arith.select %and3A, %sub3A_24, %div3A : i32
    %while3A = arith.constant 0 : i32
    %while3A_25 = arith.constant 0 : i32
    %while3A_26 = arith.subi %select_n3A, %while3A : i32
    %while3A_27 = arith.addi %while3A, %while3A_26 : i32
    %while3A_28 = arith.constant 1 : i32
    %while3A_29 = arith.divsi %while3A_26, %while3A_28 : i32
    %while3A_30 = arith.muli %while3A_29, %while3A_28 : i32
    %while3A_31 = arith.addi %while3A, %while3A_30 : i32
    %while3A_32 = arith.constant 1 : i32
    %while3A_33 = scf.for %while3A_116 = %while3A to %while3A_31 step %while3A_32 iter_args(%while3A_117 = %while3A_25) -> (i32)  : i32 {
      %mul3A_118 = arith.constant 32 : i32
      %mul3A_119 = arith.muli %while3A_116, %mul3A_118 : i32
      %add3A_120 = arith.addi %add3A, %mul3A_119 : i32
      %mul3A_121 = arith.constant 3 : i32
      %mul3A_122 = arith.muli %add3A_120, %mul3A_121 : i32
      %mul3A_123 = arith.constant 128 : i32
      %mul3A_124 = arith.muli %mul3A_122, %mul3A_123 : i32
      %multiple_of3A = tpu.assume_multiple %mul3A_124, 8 : i32
      %mul3A_125 = arith.constant 3 : i32
      %mul3A_126 = arith.muli %while3A_116, %mul3A_125 : i32
      %mul3A_127 = arith.constant 128 : i32
      %mul3A_128 = arith.muli %mul3A_126, %mul3A_127 : i32
      %dma_start3A_129 = tpu.memref_slice %arg13[%mul3A_128] : memref<9600xi32, #tpu.memory_space<vmem>> -> memref<384xi32, #tpu.memory_space<vmem>>
      %dma_start3A_130 = tpu.memref_slice %arg2[%multiple_of3A] : memref<300288xi32, #tpu.memory_space<hbm>> -> memref<384xi32, #tpu.memory_space<hbm>>
      %dma_start3A_131 = tpu.memref_slice %arg13[%mul3A_128] : memref<9600xi32, #tpu.memory_space<vmem>> -> memref<384xi32, #tpu.memory_space<vmem>>
      %dma_start3A_132 = tpu.memref_slice %arg2[%multiple_of3A] : memref<300288xi32, #tpu.memory_space<hbm>> -> memref<384xi32, #tpu.memory_space<hbm>>
      tpu.enqueue_dma source(%dma_start3A_132 : memref<384xi32, #tpu.memory_space<hbm>>) target(%dma_start3A_131 : memref<384xi32, #tpu.memory_space<vmem>>) target_semaphore(%arg14 : memref<!tpu.dma_semaphore, #tpu.memory_space<semaphore_mem>>)
      %while3A_133 = arith.constant 0 : i32
      scf.yield %while3A_133 : i32
    }
    %while3A_34 = arith.constant 1 : i32
    %while3A_35 = scf.for %while3A_116 = %while3A_31 to %while3A_27 step %while3A_34 iter_args(%while3A_117 = %while3A_33) -> (i32)  : i32 {
      %mul3A_118 = arith.constant 32 : i32
      %mul3A_119 = arith.muli %while3A_116, %mul3A_118 : i32
      %add3A_120 = arith.addi %add3A, %mul3A_119 : i32
      %mul3A_121 = arith.constant 3 : i32
      %mul3A_122 = arith.muli %add3A_120, %mul3A_121 : i32
      %mul3A_123 = arith.constant 128 : i32
      %mul3A_124 = arith.muli %mul3A_122, %mul3A_123 : i32
      %multiple_of3A = tpu.assume_multiple %mul3A_124, 8 : i32
      %mul3A_125 = arith.constant 3 : i32
      %mul3A_126 = arith.muli %while3A_116, %mul3A_125 : i32
      %mul3A_127 = arith.constant 128 : i32
      %mul3A_128 = arith.muli %mul3A_126, %mul3A_127 : i32
      %dma_start3A_129 = tpu.memref_slice %arg13[%mul3A_128] : memref<9600xi32, #tpu.memory_space<vmem>> -> memref<384xi32, #tpu.memory_space<vmem>>
      %dma_start3A_130 = tpu.memref_slice %arg2[%multiple_of3A] : memref<300288xi32, #tpu.memory_space<hbm>> -> memref<384xi32, #tpu.memory_space<hbm>>
      %dma_start3A_131 = tpu.memref_slice %arg13[%mul3A_128] : memref<9600xi32, #tpu.memory_space<vmem>> -> memref<384xi32, #tpu.memory_space<vmem>>
      %dma_start3A_132 = tpu.memref_slice %arg2[%multiple_of3A] : memref<300288xi32, #tpu.memory_space<hbm>> -> memref<384xi32, #tpu.memory_space<hbm>>
      tpu.enqueue_dma source(%dma_start3A_132 : memref<384xi32, #tpu.memory_space<hbm>>) target(%dma_start3A_131 : memref<384xi32, #tpu.memory_space<vmem>>) target_semaphore(%arg14 : memref<!tpu.dma_semaphore, #tpu.memory_space<semaphore_mem>>)
      %while3A_133 = arith.constant 0 : i32
      scf.yield %while3A_133 : i32
    }
    %while3A_36 = arith.constant 0 : i32
    %while3A_37 = arith.constant 0 : i32
    %while3A_38 = arith.subi %select_n3A, %while3A_36 : i32
    %while3A_39 = arith.addi %while3A_36, %while3A_38 : i32
    %while3A_40 = arith.constant 1 : i32
    %while3A_41 = arith.divsi %while3A_38, %while3A_40 : i32
    %while3A_42 = arith.muli %while3A_41, %while3A_40 : i32
    %while3A_43 = arith.addi %while3A_36, %while3A_42 : i32
    %while3A_44 = arith.constant 1 : i32
    %while3A_45 = scf.for %while3A_116 = %while3A_36 to %while3A_43 step %while3A_44 iter_args(%while3A_117 = %while3A_37) -> (i32)  : i32 {
      %dma_wait3A_118 = arith.constant 0 : i32
      %dma_wait3A_119 = tpu.memref_slice %arg13[%dma_wait3A_118] : memref<9600xi32, #tpu.memory_space<vmem>> -> memref<384xi32, #tpu.memory_space<vmem>>
      %dma_wait3A_120 = arith.constant 0 : i32
      %dma_wait3A_121 = tpu.memref_slice %arg2[%dma_wait3A_120] : memref<300288xi32, #tpu.memory_space<hbm>> -> memref<384xi32, #tpu.memory_space<hbm>>
      %dma_wait3A_122 = arith.constant 0 : i32
      %dma_wait3A_123 = tpu.memref_slice %arg13[%dma_wait3A_122] : memref<9600xi32, #tpu.memory_space<vmem>> -> memref<384xi32, #tpu.memory_space<vmem>>
      %dma_wait3A_124 = arith.constant 0 : i32
      %dma_wait3A_125 = tpu.memref_slice %arg2[%dma_wait3A_124] : memref<300288xi32, #tpu.memory_space<hbm>> -> memref<384xi32, #tpu.memory_space<hbm>>
      tpu.wait_dma2 semaphore(%arg14 : memref<!tpu.dma_semaphore, #tpu.memory_space<semaphore_mem>>) src(%dma_wait3A_125 : memref<384xi32, #tpu.memory_space<hbm>>) dst(%dma_wait3A_123 : memref<384xi32, #tpu.memory_space<vmem>>)
      %while3A_126 = arith.constant 0 : i32
      scf.yield %while3A_126 : i32
    }
    %while3A_46 = arith.constant 1 : i32
    %while3A_47 = scf.for %while3A_116 = %while3A_43 to %while3A_39 step %while3A_46 iter_args(%while3A_117 = %while3A_45) -> (i32)  : i32 {
      %dma_wait3A_118 = arith.constant 0 : i32
      %dma_wait3A_119 = tpu.memref_slice %arg13[%dma_wait3A_118] : memref<9600xi32, #tpu.memory_space<vmem>> -> memref<384xi32, #tpu.memory_space<vmem>>
      %dma_wait3A_120 = arith.constant 0 : i32
      %dma_wait3A_121 = tpu.memref_slice %arg2[%dma_wait3A_120] : memref<300288xi32, #tpu.memory_space<hbm>> -> memref<384xi32, #tpu.memory_space<hbm>>
      %dma_wait3A_122 = arith.constant 0 : i32
      %dma_wait3A_123 = tpu.memref_slice %arg13[%dma_wait3A_122] : memref<9600xi32, #tpu.memory_space<vmem>> -> memref<384xi32, #tpu.memory_space<vmem>>
      %dma_wait3A_124 = arith.constant 0 : i32
      %dma_wait3A_125 = tpu.memref_slice %arg2[%dma_wait3A_124] : memref<300288xi32, #tpu.memory_space<hbm>> -> memref<384xi32, #tpu.memory_space<hbm>>
      tpu.wait_dma2 semaphore(%arg14 : memref<!tpu.dma_semaphore, #tpu.memory_space<semaphore_mem>>) src(%dma_wait3A_125 : memref<384xi32, #tpu.memory_space<hbm>>) dst(%dma_wait3A_123 : memref<384xi32, #tpu.memory_space<vmem>>)
      %while3A_126 = arith.constant 0 : i32
      scf.yield %while3A_126 : i32
    }
    %dma_start3A = arith.constant 0 : i32
    %dma_start3A_48 = tpu.memref_slice %arg13[%dma_start3A] : memref<9600xi32, #tpu.memory_space<vmem>> -> memref<128xi32, #tpu.memory_space<vmem>>
    %dma_start3A_49 = arith.constant 0 : i32
    %dma_start3A_50 = arith.constant 0 : i32
    %dma_start3A_51 = tpu.memref_slice %arg17[%dma_start3A_49, %dma_start3A_50] : memref<119x128xf32, #tpu.memory_space<vmem_shared>> -> memref<119x128xf32, #tpu.memory_space<vmem_shared>>
    tpu.enqueue_indirect_dma source(%dma_start3A_51 : memref<119x128xf32, #tpu.memory_space<vmem_shared>>) target(%arg7 : memref<128x128xf32, #tpu.memory_space<vmem>>) offsets(%dma_start3A_48 : memref<128xi32, #tpu.memory_space<vmem>>) semaphore(%arg15 : memref<!tpu.dma_semaphore, #tpu.memory_space<semaphore_mem>>)
    %dma_start3A_52 = arith.constant 128 : i32
    %dma_start3A_53 = tpu.memref_slice %arg13[%dma_start3A_52] : memref<9600xi32, #tpu.memory_space<vmem>> -> memref<128xi32, #tpu.memory_space<vmem>>
    %dma_start3A_54 = arith.constant 0 : i32
    %dma_start3A_55 = arith.constant 0 : i32
    %dma_start3A_56 = tpu.memref_slice %arg18[%dma_start3A_54, %dma_start3A_55] : memref<576x128xf32, #tpu.memory_space<vmem_shared>> -> memref<576x128xf32, #tpu.memory_space<vmem_shared>>
    tpu.enqueue_indirect_dma source(%dma_start3A_56 : memref<576x128xf32, #tpu.memory_space<vmem_shared>>) target(%arg8 : memref<128x128xf32, #tpu.memory_space<vmem>>) offsets(%dma_start3A_53 : memref<128xi32, #tpu.memory_space<vmem>>) semaphore(%arg15 : memref<!tpu.dma_semaphore, #tpu.memory_space<semaphore_mem>>)
    %dma_start3A_57 = arith.constant 256 : i32
    %dma_start3A_58 = tpu.memref_slice %arg13[%dma_start3A_57] : memref<9600xi32, #tpu.memory_space<vmem>> -> memref<128xi32, #tpu.memory_space<vmem>>
    %dma_start3A_59 = arith.constant 0 : i32
    %dma_start3A_60 = arith.constant 0 : i32
    %dma_start3A_61 = tpu.memref_slice %arg19[%dma_start3A_59, %dma_start3A_60] : memref<1440x128xf32, #tpu.memory_space<vmem_shared>> -> memref<1440x128xf32, #tpu.memory_space<vmem_shared>>
    tpu.enqueue_indirect_dma source(%dma_start3A_61 : memref<1440x128xf32, #tpu.memory_space<vmem_shared>>) target(%arg9 : memref<128x128xf32, #tpu.memory_space<vmem>>) offsets(%dma_start3A_58 : memref<128xi32, #tpu.memory_space<vmem>>) semaphore(%arg15 : memref<!tpu.dma_semaphore, #tpu.memory_space<semaphore_mem>>)
    %add3A_62 = arith.constant 1 : i32
    %add3A_63 = arith.addi %select_n3A, %add3A_62 : i32
    %jit3A_64 = arith.constant 2 : i32
    %div3A_65 = arith.divsi %add3A_63, %jit3A_64 : i32
    %sign3A_66 = arith.constant 0 : i32
    %sign3A_67 = arith.cmpi sgt, %add3A_63, %sign3A_66 : i32
    %sign3A_68 = arith.extui %sign3A_67 : i1 to i32
    %sign3A_69 = arith.constant 0 : i32
    %sign3A_70 = arith.cmpi slt, %add3A_63, %sign3A_69 : i32
    %sign3A_71 = arith.extui %sign3A_70 : i1 to i32
    %sign3A_72 = arith.subi %sign3A_68, %sign3A_71 : i32
    %sign3A_73 = arith.constant 0 : i32
    %sign3A_74 = arith.cmpi sgt, %jit3A_64, %sign3A_73 : i32
    %sign3A_75 = arith.extui %sign3A_74 : i1 to i32
    %sign3A_76 = arith.constant 0 : i32
    %sign3A_77 = arith.cmpi slt, %jit3A_64, %sign3A_76 : i32
    %sign3A_78 = arith.extui %sign3A_77 : i1 to i32
    %sign3A_79 = arith.subi %sign3A_75, %sign3A_78 : i32
    %ne3A_80 = arith.cmpi ne, %sign3A_72, %sign3A_79 : i32
    %rem3A_81 = arith.remsi %add3A_63, %jit3A_64 : i32
    %ne3A_82 = arith.constant 0 : i32
    %ne3A_83 = arith.cmpi ne, %rem3A_81, %ne3A_82 : i32
    %and3A_84 = arith.andi %ne3A_80, %ne3A_83 : i1
    %sub3A_85 = arith.constant 1 : i32
    %sub3A_86 = arith.subi %div3A_65, %sub3A_85 : i32
    %select_n3A_87 = arith.select %and3A_84, %sub3A_86, %div3A_65 : i32
    %while3A_88 = arith.constant 0 : i32
    %while3A_89 = arith.constant 0 : i32
    %while3A_90 = arith.subi %select_n3A_87, %while3A_88 : i32
    %while3A_91 = arith.addi %while3A_88, %while3A_90 : i32
    %while3A_92 = arith.constant 1 : i32
    %while3A_93 = arith.divsi %while3A_90, %while3A_92 : i32
    %while3A_94 = arith.muli %while3A_93, %while3A_92 : i32
    %while3A_95 = arith.addi %while3A_88, %while3A_94 : i32
    %while3A_96 = arith.constant 1 : i32
    %while3A_97 = scf.for %while3A_116 = %while3A_88 to %while3A_95 step %while3A_96 iter_args(%while3A_117 = %while3A_89) -> (i32)  : i32 {
      %mul3A_118 = arith.constant 2 : i32
      %mul3A_119 = arith.muli %mul3A_118, %while3A_116 : i32
      %mul3A_120 = arith.constant 2 : i32
      %mul3A_121 = arith.muli %mul3A_120, %while3A_116 : i32
      %add3A_122 = arith.constant 1 : i32
      %add3A_123 = arith.addi %mul3A_121, %add3A_122 : i32
      %mul3A_124 = arith.constant 2 : i32
      %mul3A_125 = arith.muli %mul3A_124, %while3A_116 : i32
      %add3A_126 = arith.constant 2 : i32
      %add3A_127 = arith.addi %mul3A_125, %add3A_126 : i32
      %lt3A = arith.cmpi slt, %add3A_123, %select_n3A : i32
      %convert_element_type3A_128 = arith.extui %lt3A : i1 to i32
      %cond3A_129 = arith.constant 0 : i32
      %cond3A_130 = arith.cmpi ne, %convert_element_type3A_128, %cond3A_129 : i32
      scf.if %cond3A_130 {
        %gt3A = arith.constant 0 : i32
        %gt3A_144 = arith.cmpi sgt, %while3A_116, %gt3A : i32
        %convert_element_type3A_145 = arith.extui %gt3A_144 : i1 to i32
        %cond3A_146 = arith.constant 0 : i32
        %cond3A_147 = arith.cmpi ne, %convert_element_type3A_145, %cond3A_146 : i32
        scf.if %cond3A_147 {
          %dma_wait3A_168 = arith.constant 0 : i32
          %dma_wait3A_169 = arith.constant 0 : i32
          %dma_wait3A_170 = tpu.memref_slice %arg6[%dma_wait3A_168, %dma_wait3A_169] : memref<100000x128xf32, #tpu.memory_space<hbm>> -> memref<128x128xf32, #tpu.memory_space<hbm>>
          %dma_wait3A_171 = arith.constant 0 : i32
          %dma_wait3A_172 = arith.constant 0 : i32
          %dma_wait3A_173 = tpu.memref_slice %arg6[%dma_wait3A_171, %dma_wait3A_172] : memref<100000x128xf32, #tpu.memory_space<hbm>> -> memref<128x128xf32, #tpu.memory_space<hbm>>
          tpu.wait_dma2 semaphore(%arg21 : memref<!tpu.dma_semaphore, #tpu.memory_space<semaphore_mem>>) src(%arg10 : memref<128x128xf32, #tpu.memory_space<vmem>>) dst(%dma_wait3A_173 : memref<128x128xf32, #tpu.memory_space<hbm>>)
        } else {
        }
        %mul3A_148 = arith.constant 3 : i32
        %mul3A_149 = arith.muli %add3A_123, %mul3A_148 : i32
        %mul3A_150 = arith.constant 128 : i32
        %mul3A_151 = arith.muli %mul3A_149, %mul3A_150 : i32
        %dma_start3A_152 = tpu.memref_slice %arg13[%mul3A_151] : memref<9600xi32, #tpu.memory_space<vmem>> -> memref<128xi32, #tpu.memory_space<vmem>>
        %dma_start3A_153 = arith.constant 0 : i32
        %dma_start3A_154 = arith.constant 0 : i32
        %dma_start3A_155 = tpu.memref_slice %arg17[%dma_start3A_153, %dma_start3A_154] : memref<119x128xf32, #tpu.memory_space<vmem_shared>> -> memref<119x128xf32, #tpu.memory_space<vmem_shared>>
        tpu.enqueue_indirect_dma source(%dma_start3A_155 : memref<119x128xf32, #tpu.memory_space<vmem_shared>>) target(%arg10 : memref<128x128xf32, #tpu.memory_space<vmem>>) offsets(%dma_start3A_152 : memref<128xi32, #tpu.memory_space<vmem>>) semaphore(%arg16 : memref<!tpu.dma_semaphore, #tpu.memory_space<semaphore_mem>>)
        %add3A_156 = arith.constant 128 : i32
        %add3A_157 = arith.addi %mul3A_151, %add3A_156 : i32
        %dma_start3A_158 = tpu.memref_slice %arg13[%add3A_157] : memref<9600xi32, #tpu.memory_space<vmem>> -> memref<128xi32, #tpu.memory_space<vmem>>
        %dma_start3A_159 = arith.constant 0 : i32
        %dma_start3A_160 = arith.constant 0 : i32
        %dma_start3A_161 = tpu.memref_slice %arg18[%dma_start3A_159, %dma_start3A_160] : memref<576x128xf32, #tpu.memory_space<vmem_shared>> -> memref<576x128xf32, #tpu.memory_space<vmem_shared>>
        tpu.enqueue_indirect_dma source(%dma_start3A_161 : memref<576x128xf32, #tpu.memory_space<vmem_shared>>) target(%arg11 : memref<128x128xf32, #tpu.memory_space<vmem>>) offsets(%dma_start3A_158 : memref<128xi32, #tpu.memory_space<vmem>>) semaphore(%arg16 : memref<!tpu.dma_semaphore, #tpu.memory_space<semaphore_mem>>)
        %add3A_162 = arith.constant 256 : i32
        %add3A_163 = arith.addi %mul3A_151, %add3A_162 : i32
        %dma_start3A_164 = tpu.memref_slice %arg13[%add3A_163] : memref<9600xi32, #tpu.memory_space<vmem>> -> memref<128xi32, #tpu.memory_space<vmem>>
        %dma_start3A_165 = arith.constant 0 : i32
        %dma_start3A_166 = arith.constant 0 : i32
        %dma_start3A_167 = tpu.memref_slice %arg19[%dma_start3A_165, %dma_start3A_166] : memref<1440x128xf32, #tpu.memory_space<vmem_shared>> -> memref<1440x128xf32, #tpu.memory_space<vmem_shared>>
        tpu.enqueue_indirect_dma source(%dma_start3A_167 : memref<1440x128xf32, #tpu.memory_space<vmem_shared>>) target(%arg12 : memref<128x128xf32, #tpu.memory_space<vmem>>) offsets(%dma_start3A_164 : memref<128xi32, #tpu.memory_space<vmem>>) semaphore(%arg16 : memref<!tpu.dma_semaphore, #tpu.memory_space<semaphore_mem>>)
      } else {
      }
      %lt3A_131 = arith.cmpi slt, %mul3A_119, %select_n3A : i32
      %convert_element_type3A_132 = arith.extui %lt3A_131 : i1 to i32
      %cond3A_133 = arith.constant 0 : i32
      %cond3A_134 = arith.cmpi ne, %convert_element_type3A_132, %cond3A_133 : i32
      scf.if %cond3A_134 {
        %mul3A_144 = arith.constant 3 : i32
        %mul3A_145 = arith.muli %mul3A_119, %mul3A_144 : i32
        %mul3A_146 = arith.constant 128 : i32
        %mul3A_147 = arith.muli %mul3A_145, %mul3A_146 : i32
        %dma_wait3A_148 = tpu.memref_slice %arg13[%mul3A_147] : memref<9600xi32, #tpu.memory_space<vmem>> -> memref<128xi32, #tpu.memory_space<vmem>>
        %dma_wait3A_149 = arith.constant 0 : i32
        %dma_wait3A_150 = arith.constant 0 : i32
        %dma_wait3A_151 = tpu.memref_slice %arg17[%dma_wait3A_149, %dma_wait3A_150] : memref<119x128xf32, #tpu.memory_space<vmem_shared>> -> memref<119x128xf32, #tpu.memory_space<vmem_shared>>
        tpu.wait_indirect_dma semaphore(%arg15 : memref<!tpu.dma_semaphore, #tpu.memory_space<semaphore_mem>>) src(%dma_wait3A_151 : memref<119x128xf32, #tpu.memory_space<vmem_shared>>) dst(%arg7 : memref<128x128xf32, #tpu.memory_space<vmem>>)
        %add3A_152 = arith.constant 128 : i32
        %add3A_153 = arith.addi %mul3A_147, %add3A_152 : i32
        %dma_wait3A_154 = tpu.memref_slice %arg13[%add3A_153] : memref<9600xi32, #tpu.memory_space<vmem>> -> memref<128xi32, #tpu.memory_space<vmem>>
        %dma_wait3A_155 = arith.constant 0 : i32
        %dma_wait3A_156 = arith.constant 0 : i32
        %dma_wait3A_157 = tpu.memref_slice %arg18[%dma_wait3A_155, %dma_wait3A_156] : memref<576x128xf32, #tpu.memory_space<vmem_shared>> -> memref<576x128xf32, #tpu.memory_space<vmem_shared>>
        tpu.wait_indirect_dma semaphore(%arg15 : memref<!tpu.dma_semaphore, #tpu.memory_space<semaphore_mem>>) src(%dma_wait3A_157 : memref<576x128xf32, #tpu.memory_space<vmem_shared>>) dst(%arg8 : memref<128x128xf32, #tpu.memory_space<vmem>>)
        %add3A_158 = arith.constant 256 : i32
        %add3A_159 = arith.addi %mul3A_147, %add3A_158 : i32
        %dma_wait3A_160 = tpu.memref_slice %arg13[%add3A_159] : memref<9600xi32, #tpu.memory_space<vmem>> -> memref<128xi32, #tpu.memory_space<vmem>>
        %dma_wait3A_161 = arith.constant 0 : i32
        %dma_wait3A_162 = arith.constant 0 : i32
        %dma_wait3A_163 = tpu.memref_slice %arg19[%dma_wait3A_161, %dma_wait3A_162] : memref<1440x128xf32, #tpu.memory_space<vmem_shared>> -> memref<1440x128xf32, #tpu.memory_space<vmem_shared>>
        tpu.wait_indirect_dma semaphore(%arg15 : memref<!tpu.dma_semaphore, #tpu.memory_space<semaphore_mem>>) src(%dma_wait3A_163 : memref<1440x128xf32, #tpu.memory_space<vmem_shared>>) dst(%arg9 : memref<128x128xf32, #tpu.memory_space<vmem>>)
        %parallel_loop3A = arith.constant 0 : i32
        %parallel_loop3A_164 = arith.constant 128 : i32
        %parallel_loop3A_165 = arith.constant 1 : i32
        scf.for %parallel_loop3A_175 = %parallel_loop3A to %parallel_loop3A_164 step %parallel_loop3A_165  : i32 {
          %parallel_loop3A_176 = arith.index_cast %parallel_loop3A_175 : i32 to index
          %parallel_loop3A_177 = arith.constant 0 : index
          %parallel_loop3A_178 = tpu.vector_load %arg7[%parallel_loop3A_176, %parallel_loop3A_177] {strides = array<i32>} : memref<128x128xf32, #tpu.memory_space<vmem>>, vector<1x16xf32>,
          %parallel_loop3A_179 = vector.shape_cast %parallel_loop3A_178 : vector<1x16xf32> to vector<16xf32>
          %parallel_loop3A_180 = arith.index_cast %parallel_loop3A_175 : i32 to index
          %parallel_loop3A_181 = arith.constant 0 : index
          %parallel_loop3A_182 = tpu.vector_load %arg8[%parallel_loop3A_180, %parallel_loop3A_181] {strides = array<i32>} : memref<128x128xf32, #tpu.memory_space<vmem>>, vector<1x16xf32>,
          %parallel_loop3A_183 = vector.shape_cast %parallel_loop3A_182 : vector<1x16xf32> to vector<16xf32>
          %parallel_loop3A_184 = arith.addf %parallel_loop3A_179, %parallel_loop3A_183 : vector<16xf32>
          %parallel_loop3A_185 = arith.index_cast %parallel_loop3A_175 : i32 to index
          %parallel_loop3A_186 = arith.constant 0 : index
          %parallel_loop3A_187 = tpu.vector_load %arg9[%parallel_loop3A_185, %parallel_loop3A_186] {strides = array<i32>} : memref<128x128xf32, #tpu.memory_space<vmem>>, vector<1x16xf32>,
          %parallel_loop3A_188 = vector.shape_cast %parallel_loop3A_187 : vector<1x16xf32> to vector<16xf32>
          %parallel_loop3A_189 = arith.addf %parallel_loop3A_184, %parallel_loop3A_188 : vector<16xf32>
          %parallel_loop3A_190 = arith.index_cast %parallel_loop3A_175 : i32 to index
          %parallel_loop3A_191 = arith.constant 0 : index
          %parallel_loop3A_192 = tpu.vector_load %arg7[%parallel_loop3A_190, %parallel_loop3A_191] {strides = array<i32>} : memref<128x128xf32, #tpu.memory_space<vmem>>, vector<1x16xf32>,
          %parallel_loop3A_193 = vector.shape_cast %parallel_loop3A_192 : vector<1x16xf32> to vector<16xf32>
          %parallel_loop3A_194 = vector.shape_cast %parallel_loop3A_189 : vector<16xf32> to vector<1x16xf32>
          tpu.vector_store %arg7[%parallel_loop3A_190, %parallel_loop3A_191], %parallel_loop3A_194 {strides = array<i32>} : memref<128x128xf32, #tpu.memory_space<vmem>>, vector<1x16xf32>,
          %parallel_loop3A_195 = arith.index_cast %parallel_loop3A_175 : i32 to index
          %parallel_loop3A_196 = arith.constant 16 : index
          %parallel_loop3A_197 = tpu.vector_load %arg7[%parallel_loop3A_195, %parallel_loop3A_196] {strides = array<i32>} : memref<128x128xf32, #tpu.memory_space<vmem>>, vector<1x16xf32>,
          %parallel_loop3A_198 = vector.shape_cast %parallel_loop3A_197 : vector<1x16xf32> to vector<16xf32>
          %parallel_loop3A_199 = arith.index_cast %parallel_loop3A_175 : i32 to index
          %parallel_loop3A_200 = arith.constant 16 : index
          %parallel_loop3A_201 = tpu.vector_load %arg8[%parallel_loop3A_199, %parallel_loop3A_200] {strides = array<i32>} : memref<128x128xf32, #tpu.memory_space<vmem>>, vector<1x16xf32>,
          %parallel_loop3A_202 = vector.shape_cast %parallel_loop3A_201 : vector<1x16xf32> to vector<16xf32>
          %parallel_loop3A_203 = arith.addf %parallel_loop3A_198, %parallel_loop3A_202 : vector<16xf32>
          %parallel_loop3A_204 = arith.index_cast %parallel_loop3A_175 : i32 to index
          %parallel_loop3A_205 = arith.constant 16 : index
          %parallel_loop3A_206 = tpu.vector_load %arg9[%parallel_loop3A_204, %parallel_loop3A_205] {strides = array<i32>} : memref<128x128xf32, #tpu.memory_space<vmem>>, vector<1x16xf32>,
          %parallel_loop3A_207 = vector.shape_cast %parallel_loop3A_206 : vector<1x16xf32> to vector<16xf32>
          %parallel_loop3A_208 = arith.addf %parallel_loop3A_203, %parallel_loop3A_207 : vector<16xf32>
          %parallel_loop3A_209 = arith.index_cast %parallel_loop3A_175 : i32 to index
          %parallel_loop3A_210 = arith.constant 16 : index
          %parallel_loop3A_211 = tpu.vector_load %arg7[%parallel_loop3A_209, %parallel_loop3A_210] {strides = array<i32>} : memref<128x128xf32, #tpu.memory_space<vmem>>, vector<1x16xf32>,
          %parallel_loop3A_212 = vector.shape_cast %parallel_loop3A_211 : vector<1x16xf32> to vector<16xf32>
          %parallel_loop3A_213 = vector.shape_cast %parallel_loop3A_208 : vector<16xf32> to vector<1x16xf32>
          tpu.vector_store %arg7[%parallel_loop3A_209, %parallel_loop3A_210], %parallel_loop3A_213 {strides = array<i32>} : memref<128x128xf32, #tpu.memory_space<vmem>>, vector<1x16xf32>,
          %parallel_loop3A_214 = arith.index_cast %parallel_loop3A_175 : i32 to index
          %parallel_loop3A_215 = arith.constant 32 : index
          %parallel_loop3A_216 = tpu.vector_load %arg7[%parallel_loop3A_214, %parallel_loop3A_215] {strides = array<i32>} : memref<128x128xf32, #tpu.memory_space<vmem>>, vector<1x16xf32>,
          %parallel_loop3A_217 = vector.shape_cast %parallel_loop3A_216 : vector<1x16xf32> to vector<16xf32>
          %parallel_loop3A_218 = arith.index_cast %parallel_loop3A_175 : i32 to index
          %parallel_loop3A_219 = arith.constant 32 : index
          %parallel_loop3A_220 = tpu.vector_load %arg8[%parallel_loop3A_218, %parallel_loop3A_219] {strides = array<i32>} : memref<128x128xf32, #tpu.memory_space<vmem>>, vector<1x16xf32>,
          %parallel_loop3A_221 = vector.shape_cast %parallel_loop3A_220 : vector<1x16xf32> to vector<16xf32>
          %parallel_loop3A_222 = arith.addf %parallel_loop3A_217, %parallel_loop3A_221 : vector<16xf32>
          %parallel_loop3A_223 = arith.index_cast %parallel_loop3A_175 : i32 to index
          %parallel_loop3A_224 = arith.constant 32 : index
          %parallel_loop3A_225 = tpu.vector_load %arg9[%parallel_loop3A_223, %parallel_loop3A_224] {strides = array<i32>} : memref<128x128xf32, #tpu.memory_space<vmem>>, vector<1x16xf32>,
          %parallel_loop3A_226 = vector.shape_cast %parallel_loop3A_225 : vector<1x16xf32> to vector<16xf32>
          %parallel_loop3A_227 = arith.addf %parallel_loop3A_222, %parallel_loop3A_226 : vector<16xf32>
          %parallel_loop3A_228 = arith.index_cast %parallel_loop3A_175 : i32 to index
          %parallel_loop3A_229 = arith.constant 32 : index
          %parallel_loop3A_230 = tpu.vector_load %arg7[%parallel_loop3A_228, %parallel_loop3A_229] {strides = array<i32>} : memref<128x128xf32, #tpu.memory_space<vmem>>, vector<1x16xf32>,
          %parallel_loop3A_231 = vector.shape_cast %parallel_loop3A_230 : vector<1x16xf32> to vector<16xf32>
          %parallel_loop3A_232 = vector.shape_cast %parallel_loop3A_227 : vector<16xf32> to vector<1x16xf32>
          tpu.vector_store %arg7[%parallel_loop3A_228, %parallel_loop3A_229], %parallel_loop3A_232 {strides = array<i32>} : memref<128x128xf32, #tpu.memory_space<vmem>>, vector<1x16xf32>,
          %parallel_loop3A_233 = arith.index_cast %parallel_loop3A_175 : i32 to index
          %parallel_loop3A_234 = arith.constant 48 : index
          %parallel_loop3A_235 = tpu.vector_load %arg7[%parallel_loop3A_233, %parallel_loop3A_234] {strides = array<i32>} : memref<128x128xf32, #tpu.memory_space<vmem>>, vector<1x16xf32>,
          %parallel_loop3A_236 = vector.shape_cast %parallel_loop3A_235 : vector<1x16xf32> to vector<16xf32>
          %parallel_loop3A_237 = arith.index_cast %parallel_loop3A_175 : i32 to index
          %parallel_loop3A_238 = arith.constant 48 : index
          %parallel_loop3A_239 = tpu.vector_load %arg8[%parallel_loop3A_237, %parallel_loop3A_238] {strides = array<i32>} : memref<128x128xf32, #tpu.memory_space<vmem>>, vector<1x16xf32>,
          %parallel_loop3A_240 = vector.shape_cast %parallel_loop3A_239 : vector<1x16xf32> to vector<16xf32>
          %parallel_loop3A_241 = arith.addf %parallel_loop3A_236, %parallel_loop3A_240 : vector<16xf32>
          %parallel_loop3A_242 = arith.index_cast %parallel_loop3A_175 : i32 to index
          %parallel_loop3A_243 = arith.constant 48 : index
          %parallel_loop3A_244 = tpu.vector_load %arg9[%parallel_loop3A_242, %parallel_loop3A_243] {strides = array<i32>} : memref<128x128xf32, #tpu.memory_space<vmem>>, vector<1x16xf32>,
          %parallel_loop3A_245 = vector.shape_cast %parallel_loop3A_244 : vector<1x16xf32> to vector<16xf32>
          %parallel_loop3A_246 = arith.addf %parallel_loop3A_241, %parallel_loop3A_245 : vector<16xf32>
          %parallel_loop3A_247 = arith.index_cast %parallel_loop3A_175 : i32 to index
          %parallel_loop3A_248 = arith.constant 48 : index
          %parallel_loop3A_249 = tpu.vector_load %arg7[%parallel_loop3A_247, %parallel_loop3A_248] {strides = array<i32>} : memref<128x128xf32, #tpu.memory_space<vmem>>, vector<1x16xf32>,
          %parallel_loop3A_250 = vector.shape_cast %parallel_loop3A_249 : vector<1x16xf32> to vector<16xf32>
          %parallel_loop3A_251 = vector.shape_cast %parallel_loop3A_246 : vector<16xf32> to vector<1x16xf32>
          tpu.vector_store %arg7[%parallel_loop3A_247, %parallel_loop3A_248], %parallel_loop3A_251 {strides = array<i32>} : memref<128x128xf32, #tpu.memory_space<vmem>>, vector<1x16xf32>,
          %parallel_loop3A_252 = arith.index_cast %parallel_loop3A_175 : i32 to index
          %parallel_loop3A_253 = arith.constant 64 : index
          %parallel_loop3A_254 = tpu.vector_load %arg7[%parallel_loop3A_252, %parallel_loop3A_253] {strides = array<i32>} : memref<128x128xf32, #tpu.memory_space<vmem>>, vector<1x16xf32>,
          %parallel_loop3A_255 = vector.shape_cast %parallel_loop3A_254 : vector<1x16xf32> to vector<16xf32>
          %parallel_loop3A_256 = arith.index_cast %parallel_loop3A_175 : i32 to index
          %parallel_loop3A_257 = arith.constant 64 : index
          %parallel_loop3A_258 = tpu.vector_load %arg8[%parallel_loop3A_256, %parallel_loop3A_257] {strides = array<i32>} : memref<128x128xf32, #tpu.memory_space<vmem>>, vector<1x16xf32>,
          %parallel_loop3A_259 = vector.shape_cast %parallel_loop3A_258 : vector<1x16xf32> to vector<16xf32>
          %parallel_loop3A_260 = arith.addf %parallel_loop3A_255, %parallel_loop3A_259 : vector<16xf32>
          %parallel_loop3A_261 = arith.index_cast %parallel_loop3A_175 : i32 to index
          %parallel_loop3A_262 = arith.constant 64 : index
          %parallel_loop3A_263 = tpu.vector_load %arg9[%parallel_loop3A_261, %parallel_loop3A_262] {strides = array<i32>} : memref<128x128xf32, #tpu.memory_space<vmem>>, vector<1x16xf32>,
          %parallel_loop3A_264 = vector.shape_cast %parallel_loop3A_263 : vector<1x16xf32> to vector<16xf32>
          %parallel_loop3A_265 = arith.addf %parallel_loop3A_260, %parallel_loop3A_264 : vector<16xf32>
          %parallel_loop3A_266 = arith.index_cast %parallel_loop3A_175 : i32 to index
          %parallel_loop3A_267 = arith.constant 64 : index
          %parallel_loop3A_268 = tpu.vector_load %arg7[%parallel_loop3A_266, %parallel_loop3A_267] {strides = array<i32>} : memref<128x128xf32, #tpu.memory_space<vmem>>, vector<1x16xf32>,
          %parallel_loop3A_269 = vector.shape_cast %parallel_loop3A_268 : vector<1x16xf32> to vector<16xf32>
          %parallel_loop3A_270 = vector.shape_cast %parallel_loop3A_265 : vector<16xf32> to vector<1x16xf32>
          tpu.vector_store %arg7[%parallel_loop3A_266, %parallel_loop3A_267], %parallel_loop3A_270 {strides = array<i32>} : memref<128x128xf32, #tpu.memory_space<vmem>>, vector<1x16xf32>,
          %parallel_loop3A_271 = arith.index_cast %parallel_loop3A_175 : i32 to index
          %parallel_loop3A_272 = arith.constant 80 : index
          %parallel_loop3A_273 = tpu.vector_load %arg7[%parallel_loop3A_271, %parallel_loop3A_272] {strides = array<i32>} : memref<128x128xf32, #tpu.memory_space<vmem>>, vector<1x16xf32>,
          %parallel_loop3A_274 = vector.shape_cast %parallel_loop3A_273 : vector<1x16xf32> to vector<16xf32>
          %parallel_loop3A_275 = arith.index_cast %parallel_loop3A_175 : i32 to index
          %parallel_loop3A_276 = arith.constant 80 : index
          %parallel_loop3A_277 = tpu.vector_load %arg8[%parallel_loop3A_275, %parallel_loop3A_276] {strides = array<i32>} : memref<128x128xf32, #tpu.memory_space<vmem>>, vector<1x16xf32>,
          %parallel_loop3A_278 = vector.shape_cast %parallel_loop3A_277 : vector<1x16xf32> to vector<16xf32>
          %parallel_loop3A_279 = arith.addf %parallel_loop3A_274, %parallel_loop3A_278 : vector<16xf32>
          %parallel_loop3A_280 = arith.index_cast %parallel_loop3A_175 : i32 to index
          %parallel_loop3A_281 = arith.constant 80 : index
          %parallel_loop3A_282 = tpu.vector_load %arg9[%parallel_loop3A_280, %parallel_loop3A_281] {strides = array<i32>} : memref<128x128xf32, #tpu.memory_space<vmem>>, vector<1x16xf32>,
          %parallel_loop3A_283 = vector.shape_cast %parallel_loop3A_282 : vector<1x16xf32> to vector<16xf32>
          %parallel_loop3A_284 = arith.addf %parallel_loop3A_279, %parallel_loop3A_283 : vector<16xf32>
          %parallel_loop3A_285 = arith.index_cast %parallel_loop3A_175 : i32 to index
          %parallel_loop3A_286 = arith.constant 80 : index
          %parallel_loop3A_287 = tpu.vector_load %arg7[%parallel_loop3A_285, %parallel_loop3A_286] {strides = array<i32>} : memref<128x128xf32, #tpu.memory_space<vmem>>, vector<1x16xf32>,
          %parallel_loop3A_288 = vector.shape_cast %parallel_loop3A_287 : vector<1x16xf32> to vector<16xf32>
          %parallel_loop3A_289 = vector.shape_cast %parallel_loop3A_284 : vector<16xf32> to vector<1x16xf32>
          tpu.vector_store %arg7[%parallel_loop3A_285, %parallel_loop3A_286], %parallel_loop3A_289 {strides = array<i32>} : memref<128x128xf32, #tpu.memory_space<vmem>>, vector<1x16xf32>,
          %parallel_loop3A_290 = arith.index_cast %parallel_loop3A_175 : i32 to index
          %parallel_loop3A_291 = arith.constant 96 : index
          %parallel_loop3A_292 = tpu.vector_load %arg7[%parallel_loop3A_290, %parallel_loop3A_291] {strides = array<i32>} : memref<128x128xf32, #tpu.memory_space<vmem>>, vector<1x16xf32>,
          %parallel_loop3A_293 = vector.shape_cast %parallel_loop3A_292 : vector<1x16xf32> to vector<16xf32>
          %parallel_loop3A_294 = arith.index_cast %parallel_loop3A_175 : i32 to index
          %parallel_loop3A_295 = arith.constant 96 : index
          %parallel_loop3A_296 = tpu.vector_load %arg8[%parallel_loop3A_294, %parallel_loop3A_295] {strides = array<i32>} : memref<128x128xf32, #tpu.memory_space<vmem>>, vector<1x16xf32>,
          %parallel_loop3A_297 = vector.shape_cast %parallel_loop3A_296 : vector<1x16xf32> to vector<16xf32>
          %parallel_loop3A_298 = arith.addf %parallel_loop3A_293, %parallel_loop3A_297 : vector<16xf32>
          %parallel_loop3A_299 = arith.index_cast %parallel_loop3A_175 : i32 to index
          %parallel_loop3A_300 = arith.constant 96 : index
          %parallel_loop3A_301 = tpu.vector_load %arg9[%parallel_loop3A_299, %parallel_loop3A_300] {strides = array<i32>} : memref<128x128xf32, #tpu.memory_space<vmem>>, vector<1x16xf32>,
          %parallel_loop3A_302 = vector.shape_cast %parallel_loop3A_301 : vector<1x16xf32> to vector<16xf32>
          %parallel_loop3A_303 = arith.addf %parallel_loop3A_298, %parallel_loop3A_302 : vector<16xf32>
          %parallel_loop3A_304 = arith.index_cast %parallel_loop3A_175 : i32 to index
          %parallel_loop3A_305 = arith.constant 96 : index
          %parallel_loop3A_306 = tpu.vector_load %arg7[%parallel_loop3A_304, %parallel_loop3A_305] {strides = array<i32>} : memref<128x128xf32, #tpu.memory_space<vmem>>, vector<1x16xf32>,
          %parallel_loop3A_307 = vector.shape_cast %parallel_loop3A_306 : vector<1x16xf32> to vector<16xf32>
          %parallel_loop3A_308 = vector.shape_cast %parallel_loop3A_303 : vector<16xf32> to vector<1x16xf32>
          tpu.vector_store %arg7[%parallel_loop3A_304, %parallel_loop3A_305], %parallel_loop3A_308 {strides = array<i32>} : memref<128x128xf32, #tpu.memory_space<vmem>>, vector<1x16xf32>,
          %parallel_loop3A_309 = arith.index_cast %parallel_loop3A_175 : i32 to index
          %parallel_loop3A_310 = arith.constant 112 : index
          %parallel_loop3A_311 = tpu.vector_load %arg7[%parallel_loop3A_309, %parallel_loop3A_310] {strides = array<i32>} : memref<128x128xf32, #tpu.memory_space<vmem>>, vector<1x16xf32>,
          %parallel_loop3A_312 = vector.shape_cast %parallel_loop3A_311 : vector<1x16xf32> to vector<16xf32>
          %parallel_loop3A_313 = arith.index_cast %parallel_loop3A_175 : i32 to index
          %parallel_loop3A_314 = arith.constant 112 : index
          %parallel_loop3A_315 = tpu.vector_load %arg8[%parallel_loop3A_313, %parallel_loop3A_314] {strides = array<i32>} : memref<128x128xf32, #tpu.memory_space<vmem>>, vector<1x16xf32>,
          %parallel_loop3A_316 = vector.shape_cast %parallel_loop3A_315 : vector<1x16xf32> to vector<16xf32>
          %parallel_loop3A_317 = arith.addf %parallel_loop3A_312, %parallel_loop3A_316 : vector<16xf32>
          %parallel_loop3A_318 = arith.index_cast %parallel_loop3A_175 : i32 to index
          %parallel_loop3A_319 = arith.constant 112 : index
          %parallel_loop3A_320 = tpu.vector_load %arg9[%parallel_loop3A_318, %parallel_loop3A_319] {strides = array<i32>} : memref<128x128xf32, #tpu.memory_space<vmem>>, vector<1x16xf32>,
          %parallel_loop3A_321 = vector.shape_cast %parallel_loop3A_320 : vector<1x16xf32> to vector<16xf32>
          %parallel_loop3A_322 = arith.addf %parallel_loop3A_317, %parallel_loop3A_321 : vector<16xf32>
          %parallel_loop3A_323 = arith.index_cast %parallel_loop3A_175 : i32 to index
          %parallel_loop3A_324 = arith.constant 112 : index
          %parallel_loop3A_325 = tpu.vector_load %arg7[%parallel_loop3A_323, %parallel_loop3A_324] {strides = array<i32>} : memref<128x128xf32, #tpu.memory_space<vmem>>, vector<1x16xf32>,
          %parallel_loop3A_326 = vector.shape_cast %parallel_loop3A_325 : vector<1x16xf32> to vector<16xf32>
          %parallel_loop3A_327 = vector.shape_cast %parallel_loop3A_322 : vector<16xf32> to vector<1x16xf32>
          tpu.vector_store %arg7[%parallel_loop3A_323, %parallel_loop3A_324], %parallel_loop3A_327 {strides = array<i32>} : memref<128x128xf32, #tpu.memory_space<vmem>>, vector<1x16xf32>,
        } {sc.loop_unroll_factor = 4 : i64, sc.parallel_access}
        %mul3A_166 = arith.constant 32 : i32
        %mul3A_167 = arith.muli %mul3A_119, %mul3A_166 : i32
        %add3A_168 = arith.addi %add3A, %mul3A_167 : i32
        %mul3A_169 = arith.constant 128 : i32
        %mul3A_170 = arith.muli %add3A_168, %mul3A_169 : i32
        %multiple_of3A = tpu.assume_multiple %mul3A_170, 8 : i32
        %dma_start3A_171 = arith.constant 0 : i32
        %dma_start3A_172 = tpu.memref_slice %arg6[%multiple_of3A, %dma_start3A_171] : memref<100000x128xf32, #tpu.memory_space<hbm>> -> memref<128x128xf32, #tpu.memory_space<hbm>>
        %dma_start3A_173 = arith.constant 0 : i32
        %dma_start3A_174 = tpu.memref_slice %arg6[%multiple_of3A, %dma_start3A_173] : memref<100000x128xf32, #tpu.memory_space<hbm>> -> memref<128x128xf32, #tpu.memory_space<hbm>>
        tpu.enqueue_dma source(%arg7 : memref<128x128xf32, #tpu.memory_space<vmem>>) target(%dma_start3A_174 : memref<128x128xf32, #tpu.memory_space<hbm>>) target_semaphore(%arg20 : memref<!tpu.dma_semaphore, #tpu.memory_space<semaphore_mem>>)
      } else {
      }
      %lt3A_135 = arith.cmpi slt, %add3A_127, %select_n3A : i32
      %convert_element_type3A_136 = arith.extui %lt3A_135 : i1 to i32
      %cond3A_137 = arith.constant 0 : i32
      %cond3A_138 = arith.cmpi ne, %convert_element_type3A_136, %cond3A_137 : i32
      scf.if %cond3A_138 {
        %dma_wait3A_144 = arith.constant 0 : i32
        %dma_wait3A_145 = arith.constant 0 : i32
        %dma_wait3A_146 = tpu.memref_slice %arg6[%dma_wait3A_144, %dma_wait3A_145] : memref<100000x128xf32, #tpu.memory_space<hbm>> -> memref<128x128xf32, #tpu.memory_space<hbm>>
        %dma_wait3A_147 = arith.constant 0 : i32
        %dma_wait3A_148 = arith.constant 0 : i32
        %dma_wait3A_149 = tpu.memref_slice %arg6[%dma_wait3A_147, %dma_wait3A_148] : memref<100000x128xf32, #tpu.memory_space<hbm>> -> memref<128x128xf32, #tpu.memory_space<hbm>>
        tpu.wait_dma2 semaphore(%arg20 : memref<!tpu.dma_semaphore, #tpu.memory_space<semaphore_mem>>) src(%arg7 : memref<128x128xf32, #tpu.memory_space<vmem>>) dst(%dma_wait3A_149 : memref<128x128xf32, #tpu.memory_space<hbm>>)
        %mul3A_150 = arith.constant 3 : i32
        %mul3A_151 = arith.muli %add3A_127, %mul3A_150 : i32
        %mul3A_152 = arith.constant 128 : i32
        %mul3A_153 = arith.muli %mul3A_151, %mul3A_152 : i32
        %dma_start3A_154 = tpu.memref_slice %arg13[%mul3A_153] : memref<9600xi32, #tpu.memory_space<vmem>> -> memref<128xi32, #tpu.memory_space<vmem>>
        %dma_start3A_155 = arith.constant 0 : i32
        %dma_start3A_156 = arith.constant 0 : i32
        %dma_start3A_157 = tpu.memref_slice %arg17[%dma_start3A_155, %dma_start3A_156] : memref<119x128xf32, #tpu.memory_space<vmem_shared>> -> memref<119x128xf32, #tpu.memory_space<vmem_shared>>
        tpu.enqueue_indirect_dma source(%dma_start3A_157 : memref<119x128xf32, #tpu.memory_space<vmem_shared>>) target(%arg7 : memref<128x128xf32, #tpu.memory_space<vmem>>) offsets(%dma_start3A_154 : memref<128xi32, #tpu.memory_space<vmem>>) semaphore(%arg15 : memref<!tpu.dma_semaphore, #tpu.memory_space<semaphore_mem>>)
        %add3A_158 = arith.constant 128 : i32
        %add3A_159 = arith.addi %mul3A_153, %add3A_158 : i32
        %dma_start3A_160 = tpu.memref_slice %arg13[%add3A_159] : memref<9600xi32, #tpu.memory_space<vmem>> -> memref<128xi32, #tpu.memory_space<vmem>>
        %dma_start3A_161 = arith.constant 0 : i32
        %dma_start3A_162 = arith.constant 0 : i32
        %dma_start3A_163 = tpu.memref_slice %arg18[%dma_start3A_161, %dma_start3A_162] : memref<576x128xf32, #tpu.memory_space<vmem_shared>> -> memref<576x128xf32, #tpu.memory_space<vmem_shared>>
        tpu.enqueue_indirect_dma source(%dma_start3A_163 : memref<576x128xf32, #tpu.memory_space<vmem_shared>>) target(%arg8 : memref<128x128xf32, #tpu.memory_space<vmem>>) offsets(%dma_start3A_160 : memref<128xi32, #tpu.memory_space<vmem>>) semaphore(%arg15 : memref<!tpu.dma_semaphore, #tpu.memory_space<semaphore_mem>>)
        %add3A_164 = arith.constant 256 : i32
        %add3A_165 = arith.addi %mul3A_153, %add3A_164 : i32
        %dma_start3A_166 = tpu.memref_slice %arg13[%add3A_165] : memref<9600xi32, #tpu.memory_space<vmem>> -> memref<128xi32, #tpu.memory_space<vmem>>
        %dma_start3A_167 = arith.constant 0 : i32
        %dma_start3A_168 = arith.constant 0 : i32
        %dma_start3A_169 = tpu.memref_slice %arg19[%dma_start3A_167, %dma_start3A_168] : memref<1440x128xf32, #tpu.memory_space<vmem_shared>> -> memref<1440x128xf32, #tpu.memory_space<vmem_shared>>
        tpu.enqueue_indirect_dma source(%dma_start3A_169 : memref<1440x128xf32, #tpu.memory_space<vmem_shared>>) target(%arg9 : memref<128x128xf32, #tpu.memory_space<vmem>>) offsets(%dma_start3A_166 : memref<128xi32, #tpu.memory_space<vmem>>) semaphore(%arg15 : memref<!tpu.dma_semaphore, #tpu.memory_space<semaphore_mem>>)
      } else {
      }
      %lt3A_139 = arith.cmpi slt, %add3A_123, %select_n3A : i32
      %convert_element_type3A_140 = arith.extui %lt3A_139 : i1 to i32
      %cond3A_141 = arith.constant 0 : i32
      %cond3A_142 = arith.cmpi ne, %convert_element_type3A_140, %cond3A_141 : i32
      scf.if %cond3A_142 {
        %mul3A_144 = arith.constant 3 : i32
        %mul3A_145 = arith.muli %add3A_123, %mul3A_144 : i32
        %mul3A_146 = arith.constant 128 : i32
        %mul3A_147 = arith.muli %mul3A_145, %mul3A_146 : i32
        %dma_wait3A_148 = tpu.memref_slice %arg13[%mul3A_147] : memref<9600xi32, #tpu.memory_space<vmem>> -> memref<128xi32, #tpu.memory_space<vmem>>
        %dma_wait3A_149 = arith.constant 0 : i32
        %dma_wait3A_150 = arith.constant 0 : i32
        %dma_wait3A_151 = tpu.memref_slice %arg17[%dma_wait3A_149, %dma_wait3A_150] : memref<119x128xf32, #tpu.memory_space<vmem_shared>> -> memref<119x128xf32, #tpu.memory_space<vmem_shared>>
        tpu.wait_indirect_dma semaphore(%arg16 : memref<!tpu.dma_semaphore, #tpu.memory_space<semaphore_mem>>) src(%dma_wait3A_151 : memref<119x128xf32, #tpu.memory_space<vmem_shared>>) dst(%arg10 : memref<128x128xf32, #tpu.memory_space<vmem>>)
        %add3A_152 = arith.constant 128 : i32
        %add3A_153 = arith.addi %mul3A_147, %add3A_152 : i32
        %dma_wait3A_154 = tpu.memref_slice %arg13[%add3A_153] : memref<9600xi32, #tpu.memory_space<vmem>> -> memref<128xi32, #tpu.memory_space<vmem>>
        %dma_wait3A_155 = arith.constant 0 : i32
        %dma_wait3A_156 = arith.constant 0 : i32
        %dma_wait3A_157 = tpu.memref_slice %arg18[%dma_wait3A_155, %dma_wait3A_156] : memref<576x128xf32, #tpu.memory_space<vmem_shared>> -> memref<576x128xf32, #tpu.memory_space<vmem_shared>>
        tpu.wait_indirect_dma semaphore(%arg16 : memref<!tpu.dma_semaphore, #tpu.memory_space<semaphore_mem>>) src(%dma_wait3A_157 : memref<576x128xf32, #tpu.memory_space<vmem_shared>>) dst(%arg11 : memref<128x128xf32, #tpu.memory_space<vmem>>)
        %add3A_158 = arith.constant 256 : i32
        %add3A_159 = arith.addi %mul3A_147, %add3A_158 : i32
        %dma_wait3A_160 = tpu.memref_slice %arg13[%add3A_159] : memref<9600xi32, #tpu.memory_space<vmem>> -> memref<128xi32, #tpu.memory_space<vmem>>
        %dma_wait3A_161 = arith.constant 0 : i32
        %dma_wait3A_162 = arith.constant 0 : i32
        %dma_wait3A_163 = tpu.memref_slice %arg19[%dma_wait3A_161, %dma_wait3A_162] : memref<1440x128xf32, #tpu.memory_space<vmem_shared>> -> memref<1440x128xf32, #tpu.memory_space<vmem_shared>>
        tpu.wait_indirect_dma semaphore(%arg16 : memref<!tpu.dma_semaphore, #tpu.memory_space<semaphore_mem>>) src(%dma_wait3A_163 : memref<1440x128xf32, #tpu.memory_space<vmem_shared>>) dst(%arg12 : memref<128x128xf32, #tpu.memory_space<vmem>>)
        %parallel_loop3A = arith.constant 0 : i32
        %parallel_loop3A_164 = arith.constant 128 : i32
        %parallel_loop3A_165 = arith.constant 1 : i32
        scf.for %parallel_loop3A_175 = %parallel_loop3A to %parallel_loop3A_164 step %parallel_loop3A_165  : i32 {
          %parallel_loop3A_176 = arith.index_cast %parallel_loop3A_175 : i32 to index
          %parallel_loop3A_177 = arith.constant 0 : index
          %parallel_loop3A_178 = tpu.vector_load %arg10[%parallel_loop3A_176, %parallel_loop3A_177] {strides = array<i32>} : memref<128x128xf32, #tpu.memory_space<vmem>>, vector<1x16xf32>,
          %parallel_loop3A_179 = vector.shape_cast %parallel_loop3A_178 : vector<1x16xf32> to vector<16xf32>
          %parallel_loop3A_180 = arith.index_cast %parallel_loop3A_175 : i32 to index
          %parallel_loop3A_181 = arith.constant 0 : index
          %parallel_loop3A_182 = tpu.vector_load %arg11[%parallel_loop3A_180, %parallel_loop3A_181] {strides = array<i32>} : memref<128x128xf32, #tpu.memory_space<vmem>>, vector<1x16xf32>,
          %parallel_loop3A_183 = vector.shape_cast %parallel_loop3A_182 : vector<1x16xf32> to vector<16xf32>
          %parallel_loop3A_184 = arith.addf %parallel_loop3A_179, %parallel_loop3A_183 : vector<16xf32>
          %parallel_loop3A_185 = arith.index_cast %parallel_loop3A_175 : i32 to index
          %parallel_loop3A_186 = arith.constant 0 : index
          %parallel_loop3A_187 = tpu.vector_load %arg12[%parallel_loop3A_185, %parallel_loop3A_186] {strides = array<i32>} : memref<128x128xf32, #tpu.memory_space<vmem>>, vector<1x16xf32>,
          %parallel_loop3A_188 = vector.shape_cast %parallel_loop3A_187 : vector<1x16xf32> to vector<16xf32>
          %parallel_loop3A_189 = arith.addf %parallel_loop3A_184, %parallel_loop3A_188 : vector<16xf32>
          %parallel_loop3A_190 = arith.index_cast %parallel_loop3A_175 : i32 to index
          %parallel_loop3A_191 = arith.constant 0 : index
          %parallel_loop3A_192 = tpu.vector_load %arg10[%parallel_loop3A_190, %parallel_loop3A_191] {strides = array<i32>} : memref<128x128xf32, #tpu.memory_space<vmem>>, vector<1x16xf32>,
          %parallel_loop3A_193 = vector.shape_cast %parallel_loop3A_192 : vector<1x16xf32> to vector<16xf32>
          %parallel_loop3A_194 = vector.shape_cast %parallel_loop3A_189 : vector<16xf32> to vector<1x16xf32>
          tpu.vector_store %arg10[%parallel_loop3A_190, %parallel_loop3A_191], %parallel_loop3A_194 {strides = array<i32>} : memref<128x128xf32, #tpu.memory_space<vmem>>, vector<1x16xf32>,
          %parallel_loop3A_195 = arith.index_cast %parallel_loop3A_175 : i32 to index
          %parallel_loop3A_196 = arith.constant 16 : index
          %parallel_loop3A_197 = tpu.vector_load %arg10[%parallel_loop3A_195, %parallel_loop3A_196] {strides = array<i32>} : memref<128x128xf32, #tpu.memory_space<vmem>>, vector<1x16xf32>,
          %parallel_loop3A_198 = vector.shape_cast %parallel_loop3A_197 : vector<1x16xf32> to vector<16xf32>
          %parallel_loop3A_199 = arith.index_cast %parallel_loop3A_175 : i32 to index
          %parallel_loop3A_200 = arith.constant 16 : index
          %parallel_loop3A_201 = tpu.vector_load %arg11[%parallel_loop3A_199, %parallel_loop3A_200] {strides = array<i32>} : memref<128x128xf32, #tpu.memory_space<vmem>>, vector<1x16xf32>,
          %parallel_loop3A_202 = vector.shape_cast %parallel_loop3A_201 : vector<1x16xf32> to vector<16xf32>
          %parallel_loop3A_203 = arith.addf %parallel_loop3A_198, %parallel_loop3A_202 : vector<16xf32>
          %parallel_loop3A_204 = arith.index_cast %parallel_loop3A_175 : i32 to index
          %parallel_loop3A_205 = arith.constant 16 : index
          %parallel_loop3A_206 = tpu.vector_load %arg12[%parallel_loop3A_204, %parallel_loop3A_205] {strides = array<i32>} : memref<128x128xf32, #tpu.memory_space<vmem>>, vector<1x16xf32>,
          %parallel_loop3A_207 = vector.shape_cast %parallel_loop3A_206 : vector<1x16xf32> to vector<16xf32>
          %parallel_loop3A_208 = arith.addf %parallel_loop3A_203, %parallel_loop3A_207 : vector<16xf32>
          %parallel_loop3A_209 = arith.index_cast %parallel_loop3A_175 : i32 to index
          %parallel_loop3A_210 = arith.constant 16 : index
          %parallel_loop3A_211 = tpu.vector_load %arg10[%parallel_loop3A_209, %parallel_loop3A_210] {strides = array<i32>} : memref<128x128xf32, #tpu.memory_space<vmem>>, vector<1x16xf32>,
          %parallel_loop3A_212 = vector.shape_cast %parallel_loop3A_211 : vector<1x16xf32> to vector<16xf32>
          %parallel_loop3A_213 = vector.shape_cast %parallel_loop3A_208 : vector<16xf32> to vector<1x16xf32>
          tpu.vector_store %arg10[%parallel_loop3A_209, %parallel_loop3A_210], %parallel_loop3A_213 {strides = array<i32>} : memref<128x128xf32, #tpu.memory_space<vmem>>, vector<1x16xf32>,
          %parallel_loop3A_214 = arith.index_cast %parallel_loop3A_175 : i32 to index
          %parallel_loop3A_215 = arith.constant 32 : index
          %parallel_loop3A_216 = tpu.vector_load %arg10[%parallel_loop3A_214, %parallel_loop3A_215] {strides = array<i32>} : memref<128x128xf32, #tpu.memory_space<vmem>>, vector<1x16xf32>,
          %parallel_loop3A_217 = vector.shape_cast %parallel_loop3A_216 : vector<1x16xf32> to vector<16xf32>
          %parallel_loop3A_218 = arith.index_cast %parallel_loop3A_175 : i32 to index
          %parallel_loop3A_219 = arith.constant 32 : index
          %parallel_loop3A_220 = tpu.vector_load %arg11[%parallel_loop3A_218, %parallel_loop3A_219] {strides = array<i32>} : memref<128x128xf32, #tpu.memory_space<vmem>>, vector<1x16xf32>,
          %parallel_loop3A_221 = vector.shape_cast %parallel_loop3A_220 : vector<1x16xf32> to vector<16xf32>
          %parallel_loop3A_222 = arith.addf %parallel_loop3A_217, %parallel_loop3A_221 : vector<16xf32>
          %parallel_loop3A_223 = arith.index_cast %parallel_loop3A_175 : i32 to index
          %parallel_loop3A_224 = arith.constant 32 : index
          %parallel_loop3A_225 = tpu.vector_load %arg12[%parallel_loop3A_223, %parallel_loop3A_224] {strides = array<i32>} : memref<128x128xf32, #tpu.memory_space<vmem>>, vector<1x16xf32>,
          %parallel_loop3A_226 = vector.shape_cast %parallel_loop3A_225 : vector<1x16xf32> to vector<16xf32>
          %parallel_loop3A_227 = arith.addf %parallel_loop3A_222, %parallel_loop3A_226 : vector<16xf32>
          %parallel_loop3A_228 = arith.index_cast %parallel_loop3A_175 : i32 to index
          %parallel_loop3A_229 = arith.constant 32 : index
          %parallel_loop3A_230 = tpu.vector_load %arg10[%parallel_loop3A_228, %parallel_loop3A_229] {strides = array<i32>} : memref<128x128xf32, #tpu.memory_space<vmem>>, vector<1x16xf32>,
          %parallel_loop3A_231 = vector.shape_cast %parallel_loop3A_230 : vector<1x16xf32> to vector<16xf32>
          %parallel_loop3A_232 = vector.shape_cast %parallel_loop3A_227 : vector<16xf32> to vector<1x16xf32>
          tpu.vector_store %arg10[%parallel_loop3A_228, %parallel_loop3A_229], %parallel_loop3A_232 {strides = array<i32>} : memref<128x128xf32, #tpu.memory_space<vmem>>, vector<1x16xf32>,
          %parallel_loop3A_233 = arith.index_cast %parallel_loop3A_175 : i32 to index
          %parallel_loop3A_234 = arith.constant 48 : index
          %parallel_loop3A_235 = tpu.vector_load %arg10[%parallel_loop3A_233, %parallel_loop3A_234] {strides = array<i32>} : memref<128x128xf32, #tpu.memory_space<vmem>>, vector<1x16xf32>,
          %parallel_loop3A_236 = vector.shape_cast %parallel_loop3A_235 : vector<1x16xf32> to vector<16xf32>
          %parallel_loop3A_237 = arith.index_cast %parallel_loop3A_175 : i32 to index
          %parallel_loop3A_238 = arith.constant 48 : index
          %parallel_loop3A_239 = tpu.vector_load %arg11[%parallel_loop3A_237, %parallel_loop3A_238] {strides = array<i32>} : memref<128x128xf32, #tpu.memory_space<vmem>>, vector<1x16xf32>,
          %parallel_loop3A_240 = vector.shape_cast %parallel_loop3A_239 : vector<1x16xf32> to vector<16xf32>
          %parallel_loop3A_241 = arith.addf %parallel_loop3A_236, %parallel_loop3A_240 : vector<16xf32>
          %parallel_loop3A_242 = arith.index_cast %parallel_loop3A_175 : i32 to index
          %parallel_loop3A_243 = arith.constant 48 : index
          %parallel_loop3A_244 = tpu.vector_load %arg12[%parallel_loop3A_242, %parallel_loop3A_243] {strides = array<i32>} : memref<128x128xf32, #tpu.memory_space<vmem>>, vector<1x16xf32>,
          %parallel_loop3A_245 = vector.shape_cast %parallel_loop3A_244 : vector<1x16xf32> to vector<16xf32>
          %parallel_loop3A_246 = arith.addf %parallel_loop3A_241, %parallel_loop3A_245 : vector<16xf32>
          %parallel_loop3A_247 = arith.index_cast %parallel_loop3A_175 : i32 to index
          %parallel_loop3A_248 = arith.constant 48 : index
          %parallel_loop3A_249 = tpu.vector_load %arg10[%parallel_loop3A_247, %parallel_loop3A_248] {strides = array<i32>} : memref<128x128xf32, #tpu.memory_space<vmem>>, vector<1x16xf32>,
          %parallel_loop3A_250 = vector.shape_cast %parallel_loop3A_249 : vector<1x16xf32> to vector<16xf32>
          %parallel_loop3A_251 = vector.shape_cast %parallel_loop3A_246 : vector<16xf32> to vector<1x16xf32>
          tpu.vector_store %arg10[%parallel_loop3A_247, %parallel_loop3A_248], %parallel_loop3A_251 {strides = array<i32>} : memref<128x128xf32, #tpu.memory_space<vmem>>, vector<1x16xf32>,
          %parallel_loop3A_252 = arith.index_cast %parallel_loop3A_175 : i32 to index
          %parallel_loop3A_253 = arith.constant 64 : index
          %parallel_loop3A_254 = tpu.vector_load %arg10[%parallel_loop3A_252, %parallel_loop3A_253] {strides = array<i32>} : memref<128x128xf32, #tpu.memory_space<vmem>>, vector<1x16xf32>,
          %parallel_loop3A_255 = vector.shape_cast %parallel_loop3A_254 : vector<1x16xf32> to vector<16xf32>
          %parallel_loop3A_256 = arith.index_cast %parallel_loop3A_175 : i32 to index
          %parallel_loop3A_257 = arith.constant 64 : index
          %parallel_loop3A_258 = tpu.vector_load %arg11[%parallel_loop3A_256, %parallel_loop3A_257] {strides = array<i32>} : memref<128x128xf32, #tpu.memory_space<vmem>>, vector<1x16xf32>,
          %parallel_loop3A_259 = vector.shape_cast %parallel_loop3A_258 : vector<1x16xf32> to vector<16xf32>
          %parallel_loop3A_260 = arith.addf %parallel_loop3A_255, %parallel_loop3A_259 : vector<16xf32>
          %parallel_loop3A_261 = arith.index_cast %parallel_loop3A_175 : i32 to index
          %parallel_loop3A_262 = arith.constant 64 : index
          %parallel_loop3A_263 = tpu.vector_load %arg12[%parallel_loop3A_261, %parallel_loop3A_262] {strides = array<i32>} : memref<128x128xf32, #tpu.memory_space<vmem>>, vector<1x16xf32>,
          %parallel_loop3A_264 = vector.shape_cast %parallel_loop3A_263 : vector<1x16xf32> to vector<16xf32>
          %parallel_loop3A_265 = arith.addf %parallel_loop3A_260, %parallel_loop3A_264 : vector<16xf32>
          %parallel_loop3A_266 = arith.index_cast %parallel_loop3A_175 : i32 to index
          %parallel_loop3A_267 = arith.constant 64 : index
          %parallel_loop3A_268 = tpu.vector_load %arg10[%parallel_loop3A_266, %parallel_loop3A_267] {strides = array<i32>} : memref<128x128xf32, #tpu.memory_space<vmem>>, vector<1x16xf32>,
          %parallel_loop3A_269 = vector.shape_cast %parallel_loop3A_268 : vector<1x16xf32> to vector<16xf32>
          %parallel_loop3A_270 = vector.shape_cast %parallel_loop3A_265 : vector<16xf32> to vector<1x16xf32>
          tpu.vector_store %arg10[%parallel_loop3A_266, %parallel_loop3A_267], %parallel_loop3A_270 {strides = array<i32>} : memref<128x128xf32, #tpu.memory_space<vmem>>, vector<1x16xf32>,
          %parallel_loop3A_271 = arith.index_cast %parallel_loop3A_175 : i32 to index
          %parallel_loop3A_272 = arith.constant 80 : index
          %parallel_loop3A_273 = tpu.vector_load %arg10[%parallel_loop3A_271, %parallel_loop3A_272] {strides = array<i32>} : memref<128x128xf32, #tpu.memory_space<vmem>>, vector<1x16xf32>,
          %parallel_loop3A_274 = vector.shape_cast %parallel_loop3A_273 : vector<1x16xf32> to vector<16xf32>
          %parallel_loop3A_275 = arith.index_cast %parallel_loop3A_175 : i32 to index
          %parallel_loop3A_276 = arith.constant 80 : index
          %parallel_loop3A_277 = tpu.vector_load %arg11[%parallel_loop3A_275, %parallel_loop3A_276] {strides = array<i32>} : memref<128x128xf32, #tpu.memory_space<vmem>>, vector<1x16xf32>,
          %parallel_loop3A_278 = vector.shape_cast %parallel_loop3A_277 : vector<1x16xf32> to vector<16xf32>
          %parallel_loop3A_279 = arith.addf %parallel_loop3A_274, %parallel_loop3A_278 : vector<16xf32>
          %parallel_loop3A_280 = arith.index_cast %parallel_loop3A_175 : i32 to index
          %parallel_loop3A_281 = arith.constant 80 : index
          %parallel_loop3A_282 = tpu.vector_load %arg12[%parallel_loop3A_280, %parallel_loop3A_281] {strides = array<i32>} : memref<128x128xf32, #tpu.memory_space<vmem>>, vector<1x16xf32>,
          %parallel_loop3A_283 = vector.shape_cast %parallel_loop3A_282 : vector<1x16xf32> to vector<16xf32>
          %parallel_loop3A_284 = arith.addf %parallel_loop3A_279, %parallel_loop3A_283 : vector<16xf32>
          %parallel_loop3A_285 = arith.index_cast %parallel_loop3A_175 : i32 to index
          %parallel_loop3A_286 = arith.constant 80 : index
          %parallel_loop3A_287 = tpu.vector_load %arg10[%parallel_loop3A_285, %parallel_loop3A_286] {strides = array<i32>} : memref<128x128xf32, #tpu.memory_space<vmem>>, vector<1x16xf32>,
          %parallel_loop3A_288 = vector.shape_cast %parallel_loop3A_287 : vector<1x16xf32> to vector<16xf32>
          %parallel_loop3A_289 = vector.shape_cast %parallel_loop3A_284 : vector<16xf32> to vector<1x16xf32>
          tpu.vector_store %arg10[%parallel_loop3A_285, %parallel_loop3A_286], %parallel_loop3A_289 {strides = array<i32>} : memref<128x128xf32, #tpu.memory_space<vmem>>, vector<1x16xf32>,
          %parallel_loop3A_290 = arith.index_cast %parallel_loop3A_175 : i32 to index
          %parallel_loop3A_291 = arith.constant 96 : index
          %parallel_loop3A_292 = tpu.vector_load %arg10[%parallel_loop3A_290, %parallel_loop3A_291] {strides = array<i32>} : memref<128x128xf32, #tpu.memory_space<vmem>>, vector<1x16xf32>,
          %parallel_loop3A_293 = vector.shape_cast %parallel_loop3A_292 : vector<1x16xf32> to vector<16xf32>
          %parallel_loop3A_294 = arith.index_cast %parallel_loop3A_175 : i32 to index
          %parallel_loop3A_295 = arith.constant 96 : index
          %parallel_loop3A_296 = tpu.vector_load %arg11[%parallel_loop3A_294, %parallel_loop3A_295] {strides = array<i32>} : memref<128x128xf32, #tpu.memory_space<vmem>>, vector<1x16xf32>,
          %parallel_loop3A_297 = vector.shape_cast %parallel_loop3A_296 : vector<1x16xf32> to vector<16xf32>
          %parallel_loop3A_298 = arith.addf %parallel_loop3A_293, %parallel_loop3A_297 : vector<16xf32>
          %parallel_loop3A_299 = arith.index_cast %parallel_loop3A_175 : i32 to index
          %parallel_loop3A_300 = arith.constant 96 : index
          %parallel_loop3A_301 = tpu.vector_load %arg12[%parallel_loop3A_299, %parallel_loop3A_300] {strides = array<i32>} : memref<128x128xf32, #tpu.memory_space<vmem>>, vector<1x16xf32>,
          %parallel_loop3A_302 = vector.shape_cast %parallel_loop3A_301 : vector<1x16xf32> to vector<16xf32>
          %parallel_loop3A_303 = arith.addf %parallel_loop3A_298, %parallel_loop3A_302 : vector<16xf32>
          %parallel_loop3A_304 = arith.index_cast %parallel_loop3A_175 : i32 to index
          %parallel_loop3A_305 = arith.constant 96 : index
          %parallel_loop3A_306 = tpu.vector_load %arg10[%parallel_loop3A_304, %parallel_loop3A_305] {strides = array<i32>} : memref<128x128xf32, #tpu.memory_space<vmem>>, vector<1x16xf32>,
          %parallel_loop3A_307 = vector.shape_cast %parallel_loop3A_306 : vector<1x16xf32> to vector<16xf32>
          %parallel_loop3A_308 = vector.shape_cast %parallel_loop3A_303 : vector<16xf32> to vector<1x16xf32>
          tpu.vector_store %arg10[%parallel_loop3A_304, %parallel_loop3A_305], %parallel_loop3A_308 {strides = array<i32>} : memref<128x128xf32, #tpu.memory_space<vmem>>, vector<1x16xf32>,
          %parallel_loop3A_309 = arith.index_cast %parallel_loop3A_175 : i32 to index
          %parallel_loop3A_310 = arith.constant 112 : index
          %parallel_loop3A_311 = tpu.vector_load %arg10[%parallel_loop3A_309, %parallel_loop3A_310] {strides = array<i32>} : memref<128x128xf32, #tpu.memory_space<vmem>>, vector<1x16xf32>,
          %parallel_loop3A_312 = vector.shape_cast %parallel_loop3A_311 : vector<1x16xf32> to vector<16xf32>
          %parallel_loop3A_313 = arith.index_cast %parallel_loop3A_175 : i32 to index
          %parallel_loop3A_314 = arith.constant 112 : index
          %parallel_loop3A_315 = tpu.vector_load %arg11[%parallel_loop3A_313, %parallel_loop3A_314] {strides = array<i32>} : memref<128x128xf32, #tpu.memory_space<vmem>>, vector<1x16xf32>,
          %parallel_loop3A_316 = vector.shape_cast %parallel_loop3A_315 : vector<1x16xf32> to vector<16xf32>
          %parallel_loop3A_317 = arith.addf %parallel_loop3A_312, %parallel_loop3A_316 : vector<16xf32>
          %parallel_loop3A_318 = arith.index_cast %parallel_loop3A_175 : i32 to index
          %parallel_loop3A_319 = arith.constant 112 : index
          %parallel_loop3A_320 = tpu.vector_load %arg12[%parallel_loop3A_318, %parallel_loop3A_319] {strides = array<i32>} : memref<128x128xf32, #tpu.memory_space<vmem>>, vector<1x16xf32>,
          %parallel_loop3A_321 = vector.shape_cast %parallel_loop3A_320 : vector<1x16xf32> to vector<16xf32>
          %parallel_loop3A_322 = arith.addf %parallel_loop3A_317, %parallel_loop3A_321 : vector<16xf32>
          %parallel_loop3A_323 = arith.index_cast %parallel_loop3A_175 : i32 to index
          %parallel_loop3A_324 = arith.constant 112 : index
          %parallel_loop3A_325 = tpu.vector_load %arg10[%parallel_loop3A_323, %parallel_loop3A_324] {strides = array<i32>} : memref<128x128xf32, #tpu.memory_space<vmem>>, vector<1x16xf32>,
          %parallel_loop3A_326 = vector.shape_cast %parallel_loop3A_325 : vector<1x16xf32> to vector<16xf32>
          %parallel_loop3A_327 = vector.shape_cast %parallel_loop3A_322 : vector<16xf32> to vector<1x16xf32>
          tpu.vector_store %arg10[%parallel_loop3A_323, %parallel_loop3A_324], %parallel_loop3A_327 {strides = array<i32>} : memref<128x128xf32, #tpu.memory_space<vmem>>, vector<1x16xf32>,
        } {sc.loop_unroll_factor = 4 : i64, sc.parallel_access}
        %mul3A_166 = arith.constant 32 : i32
        %mul3A_167 = arith.muli %add3A_123, %mul3A_166 : i32
        %add3A_168 = arith.addi %add3A, %mul3A_167 : i32
        %mul3A_169 = arith.constant 128 : i32
        %mul3A_170 = arith.muli %add3A_168, %mul3A_169 : i32
        %multiple_of3A = tpu.assume_multiple %mul3A_170, 8 : i32
        %dma_start3A_171 = arith.constant 0 : i32
        %dma_start3A_172 = tpu.memref_slice %arg6[%multiple_of3A, %dma_start3A_171] : memref<100000x128xf32, #tpu.memory_space<hbm>> -> memref<128x128xf32, #tpu.memory_space<hbm>>
        %dma_start3A_173 = arith.constant 0 : i32
        %dma_start3A_174 = tpu.memref_slice %arg6[%multiple_of3A, %dma_start3A_173] : memref<100000x128xf32, #tpu.memory_space<hbm>> -> memref<128x128xf32, #tpu.memory_space<hbm>>
        tpu.enqueue_dma source(%arg10 : memref<128x128xf32, #tpu.memory_space<vmem>>) target(%dma_start3A_174 : memref<128x128xf32, #tpu.memory_space<hbm>>) target_semaphore(%arg21 : memref<!tpu.dma_semaphore, #tpu.memory_space<semaphore_mem>>)
      } else {
      }
      %while3A_143 = arith.constant 0 : i32
      scf.yield %while3A_143 : i32
    }
    %while3A_98 = arith.constant 1 : i32
    %while3A_99 = scf.for %while3A_116 = %while3A_95 to %while3A_91 step %while3A_98 iter_args(%while3A_117 = %while3A_97) -> (i32)  : i32 {
      %mul3A_118 = arith.constant 2 : i32
      %mul3A_119 = arith.muli %mul3A_118, %while3A_116 : i32
      %mul3A_120 = arith.constant 2 : i32
      %mul3A_121 = arith.muli %mul3A_120, %while3A_116 : i32
      %add3A_122 = arith.constant 1 : i32
      %add3A_123 = arith.addi %mul3A_121, %add3A_122 : i32
      %mul3A_124 = arith.constant 2 : i32
      %mul3A_125 = arith.muli %mul3A_124, %while3A_116 : i32
      %add3A_126 = arith.constant 2 : i32
      %add3A_127 = arith.addi %mul3A_125, %add3A_126 : i32
      %lt3A = arith.cmpi slt, %add3A_123, %select_n3A : i32
      %convert_element_type3A_128 = arith.extui %lt3A : i1 to i32
      %cond3A_129 = arith.constant 0 : i32
      %cond3A_130 = arith.cmpi ne, %convert_element_type3A_128, %cond3A_129 : i32
      scf.if %cond3A_130 {
        %gt3A = arith.constant 0 : i32
        %gt3A_144 = arith.cmpi sgt, %while3A_116, %gt3A : i32
        %convert_element_type3A_145 = arith.extui %gt3A_144 : i1 to i32
        %cond3A_146 = arith.constant 0 : i32
        %cond3A_147 = arith.cmpi ne, %convert_element_type3A_145, %cond3A_146 : i32
        scf.if %cond3A_147 {
          %dma_wait3A_168 = arith.constant 0 : i32
          %dma_wait3A_169 = arith.constant 0 : i32
          %dma_wait3A_170 = tpu.memref_slice %arg6[%dma_wait3A_168, %dma_wait3A_169] : memref<100000x128xf32, #tpu.memory_space<hbm>> -> memref<128x128xf32, #tpu.memory_space<hbm>>
          %dma_wait3A_171 = arith.constant 0 : i32
          %dma_wait3A_172 = arith.constant 0 : i32
          %dma_wait3A_173 = tpu.memref_slice %arg6[%dma_wait3A_171, %dma_wait3A_172] : memref<100000x128xf32, #tpu.memory_space<hbm>> -> memref<128x128xf32, #tpu.memory_space<hbm>>
          tpu.wait_dma2 semaphore(%arg21 : memref<!tpu.dma_semaphore, #tpu.memory_space<semaphore_mem>>) src(%arg10 : memref<128x128xf32, #tpu.memory_space<vmem>>) dst(%dma_wait3A_173 : memref<128x128xf32, #tpu.memory_space<hbm>>)
        } else {
        }
        %mul3A_148 = arith.constant 3 : i32
        %mul3A_149 = arith.muli %add3A_123, %mul3A_148 : i32
        %mul3A_150 = arith.constant 128 : i32
        %mul3A_151 = arith.muli %mul3A_149, %mul3A_150 : i32
        %dma_start3A_152 = tpu.memref_slice %arg13[%mul3A_151] : memref<9600xi32, #tpu.memory_space<vmem>> -> memref<128xi32, #tpu.memory_space<vmem>>
        %dma_start3A_153 = arith.constant 0 : i32
        %dma_start3A_154 = arith.constant 0 : i32
        %dma_start3A_155 = tpu.memref_slice %arg17[%dma_start3A_153, %dma_start3A_154] : memref<119x128xf32, #tpu.memory_space<vmem_shared>> -> memref<119x128xf32, #tpu.memory_space<vmem_shared>>
        tpu.enqueue_indirect_dma source(%dma_start3A_155 : memref<119x128xf32, #tpu.memory_space<vmem_shared>>) target(%arg10 : memref<128x128xf32, #tpu.memory_space<vmem>>) offsets(%dma_start3A_152 : memref<128xi32, #tpu.memory_space<vmem>>) semaphore(%arg16 : memref<!tpu.dma_semaphore, #tpu.memory_space<semaphore_mem>>)
        %add3A_156 = arith.constant 128 : i32
        %add3A_157 = arith.addi %mul3A_151, %add3A_156 : i32
        %dma_start3A_158 = tpu.memref_slice %arg13[%add3A_157] : memref<9600xi32, #tpu.memory_space<vmem>> -> memref<128xi32, #tpu.memory_space<vmem>>
        %dma_start3A_159 = arith.constant 0 : i32
        %dma_start3A_160 = arith.constant 0 : i32
        %dma_start3A_161 = tpu.memref_slice %arg18[%dma_start3A_159, %dma_start3A_160] : memref<576x128xf32, #tpu.memory_space<vmem_shared>> -> memref<576x128xf32, #tpu.memory_space<vmem_shared>>
        tpu.enqueue_indirect_dma source(%dma_start3A_161 : memref<576x128xf32, #tpu.memory_space<vmem_shared>>) target(%arg11 : memref<128x128xf32, #tpu.memory_space<vmem>>) offsets(%dma_start3A_158 : memref<128xi32, #tpu.memory_space<vmem>>) semaphore(%arg16 : memref<!tpu.dma_semaphore, #tpu.memory_space<semaphore_mem>>)
        %add3A_162 = arith.constant 256 : i32
        %add3A_163 = arith.addi %mul3A_151, %add3A_162 : i32
        %dma_start3A_164 = tpu.memref_slice %arg13[%add3A_163] : memref<9600xi32, #tpu.memory_space<vmem>> -> memref<128xi32, #tpu.memory_space<vmem>>
        %dma_start3A_165 = arith.constant 0 : i32
        %dma_start3A_166 = arith.constant 0 : i32
        %dma_start3A_167 = tpu.memref_slice %arg19[%dma_start3A_165, %dma_start3A_166] : memref<1440x128xf32, #tpu.memory_space<vmem_shared>> -> memref<1440x128xf32, #tpu.memory_space<vmem_shared>>
        tpu.enqueue_indirect_dma source(%dma_start3A_167 : memref<1440x128xf32, #tpu.memory_space<vmem_shared>>) target(%arg12 : memref<128x128xf32, #tpu.memory_space<vmem>>) offsets(%dma_start3A_164 : memref<128xi32, #tpu.memory_space<vmem>>) semaphore(%arg16 : memref<!tpu.dma_semaphore, #tpu.memory_space<semaphore_mem>>)
      } else {
      }
      %lt3A_131 = arith.cmpi slt, %mul3A_119, %select_n3A : i32
      %convert_element_type3A_132 = arith.extui %lt3A_131 : i1 to i32
      %cond3A_133 = arith.constant 0 : i32
      %cond3A_134 = arith.cmpi ne, %convert_element_type3A_132, %cond3A_133 : i32
      scf.if %cond3A_134 {
        %mul3A_144 = arith.constant 3 : i32
        %mul3A_145 = arith.muli %mul3A_119, %mul3A_144 : i32
        %mul3A_146 = arith.constant 128 : i32
        %mul3A_147 = arith.muli %mul3A_145, %mul3A_146 : i32
        %dma_wait3A_148 = tpu.memref_slice %arg13[%mul3A_147] : memref<9600xi32, #tpu.memory_space<vmem>> -> memref<128xi32, #tpu.memory_space<vmem>>
        %dma_wait3A_149 = arith.constant 0 : i32
        %dma_wait3A_150 = arith.constant 0 : i32
        %dma_wait3A_151 = tpu.memref_slice %arg17[%dma_wait3A_149, %dma_wait3A_150] : memref<119x128xf32, #tpu.memory_space<vmem_shared>> -> memref<119x128xf32, #tpu.memory_space<vmem_shared>>
        tpu.wait_indirect_dma semaphore(%arg15 : memref<!tpu.dma_semaphore, #tpu.memory_space<semaphore_mem>>) src(%dma_wait3A_151 : memref<119x128xf32, #tpu.memory_space<vmem_shared>>) dst(%arg7 : memref<128x128xf32, #tpu.memory_space<vmem>>)
        %add3A_152 = arith.constant 128 : i32
        %add3A_153 = arith.addi %mul3A_147, %add3A_152 : i32
        %dma_wait3A_154 = tpu.memref_slice %arg13[%add3A_153] : memref<9600xi32, #tpu.memory_space<vmem>> -> memref<128xi32, #tpu.memory_space<vmem>>
        %dma_wait3A_155 = arith.constant 0 : i32
        %dma_wait3A_156 = arith.constant 0 : i32
        %dma_wait3A_157 = tpu.memref_slice %arg18[%dma_wait3A_155, %dma_wait3A_156] : memref<576x128xf32, #tpu.memory_space<vmem_shared>> -> memref<576x128xf32, #tpu.memory_space<vmem_shared>>
        tpu.wait_indirect_dma semaphore(%arg15 : memref<!tpu.dma_semaphore, #tpu.memory_space<semaphore_mem>>) src(%dma_wait3A_157 : memref<576x128xf32, #tpu.memory_space<vmem_shared>>) dst(%arg8 : memref<128x128xf32, #tpu.memory_space<vmem>>)
        %add3A_158 = arith.constant 256 : i32
        %add3A_159 = arith.addi %mul3A_147, %add3A_158 : i32
        %dma_wait3A_160 = tpu.memref_slice %arg13[%add3A_159] : memref<9600xi32, #tpu.memory_space<vmem>> -> memref<128xi32, #tpu.memory_space<vmem>>
        %dma_wait3A_161 = arith.constant 0 : i32
        %dma_wait3A_162 = arith.constant 0 : i32
        %dma_wait3A_163 = tpu.memref_slice %arg19[%dma_wait3A_161, %dma_wait3A_162] : memref<1440x128xf32, #tpu.memory_space<vmem_shared>> -> memref<1440x128xf32, #tpu.memory_space<vmem_shared>>
        tpu.wait_indirect_dma semaphore(%arg15 : memref<!tpu.dma_semaphore, #tpu.memory_space<semaphore_mem>>) src(%dma_wait3A_163 : memref<1440x128xf32, #tpu.memory_space<vmem_shared>>) dst(%arg9 : memref<128x128xf32, #tpu.memory_space<vmem>>)
        %parallel_loop3A = arith.constant 0 : i32
        %parallel_loop3A_164 = arith.constant 128 : i32
        %parallel_loop3A_165 = arith.constant 1 : i32
        scf.for %parallel_loop3A_175 = %parallel_loop3A to %parallel_loop3A_164 step %parallel_loop3A_165  : i32 {
          %parallel_loop3A_176 = arith.index_cast %parallel_loop3A_175 : i32 to index
          %parallel_loop3A_177 = arith.constant 0 : index
          %parallel_loop3A_178 = tpu.vector_load %arg7[%parallel_loop3A_176, %parallel_loop3A_177] {strides = array<i32>} : memref<128x128xf32, #tpu.memory_space<vmem>>, vector<1x16xf32>,
          %parallel_loop3A_179 = vector.shape_cast %parallel_loop3A_178 : vector<1x16xf32> to vector<16xf32>
          %parallel_loop3A_180 = arith.index_cast %parallel_loop3A_175 : i32 to index
          %parallel_loop3A_181 = arith.constant 0 : index
          %parallel_loop3A_182 = tpu.vector_load %arg8[%parallel_loop3A_180, %parallel_loop3A_181] {strides = array<i32>} : memref<128x128xf32, #tpu.memory_space<vmem>>, vector<1x16xf32>,
          %parallel_loop3A_183 = vector.shape_cast %parallel_loop3A_182 : vector<1x16xf32> to vector<16xf32>
          %parallel_loop3A_184 = arith.addf %parallel_loop3A_179, %parallel_loop3A_183 : vector<16xf32>
          %parallel_loop3A_185 = arith.index_cast %parallel_loop3A_175 : i32 to index
          %parallel_loop3A_186 = arith.constant 0 : index
          %parallel_loop3A_187 = tpu.vector_load %arg9[%parallel_loop3A_185, %parallel_loop3A_186] {strides = array<i32>} : memref<128x128xf32, #tpu.memory_space<vmem>>, vector<1x16xf32>,
          %parallel_loop3A_188 = vector.shape_cast %parallel_loop3A_187 : vector<1x16xf32> to vector<16xf32>
          %parallel_loop3A_189 = arith.addf %parallel_loop3A_184, %parallel_loop3A_188 : vector<16xf32>
          %parallel_loop3A_190 = arith.index_cast %parallel_loop3A_175 : i32 to index
          %parallel_loop3A_191 = arith.constant 0 : index
          %parallel_loop3A_192 = tpu.vector_load %arg7[%parallel_loop3A_190, %parallel_loop3A_191] {strides = array<i32>} : memref<128x128xf32, #tpu.memory_space<vmem>>, vector<1x16xf32>,
          %parallel_loop3A_193 = vector.shape_cast %parallel_loop3A_192 : vector<1x16xf32> to vector<16xf32>
          %parallel_loop3A_194 = vector.shape_cast %parallel_loop3A_189 : vector<16xf32> to vector<1x16xf32>
          tpu.vector_store %arg7[%parallel_loop3A_190, %parallel_loop3A_191], %parallel_loop3A_194 {strides = array<i32>} : memref<128x128xf32, #tpu.memory_space<vmem>>, vector<1x16xf32>,
          %parallel_loop3A_195 = arith.index_cast %parallel_loop3A_175 : i32 to index
          %parallel_loop3A_196 = arith.constant 16 : index
          %parallel_loop3A_197 = tpu.vector_load %arg7[%parallel_loop3A_195, %parallel_loop3A_196] {strides = array<i32>} : memref<128x128xf32, #tpu.memory_space<vmem>>, vector<1x16xf32>,
          %parallel_loop3A_198 = vector.shape_cast %parallel_loop3A_197 : vector<1x16xf32> to vector<16xf32>
          %parallel_loop3A_199 = arith.index_cast %parallel_loop3A_175 : i32 to index
          %parallel_loop3A_200 = arith.constant 16 : index
          %parallel_loop3A_201 = tpu.vector_load %arg8[%parallel_loop3A_199, %parallel_loop3A_200] {strides = array<i32>} : memref<128x128xf32, #tpu.memory_space<vmem>>, vector<1x16xf32>,
          %parallel_loop3A_202 = vector.shape_cast %parallel_loop3A_201 : vector<1x16xf32> to vector<16xf32>
          %parallel_loop3A_203 = arith.addf %parallel_loop3A_198, %parallel_loop3A_202 : vector<16xf32>
          %parallel_loop3A_204 = arith.index_cast %parallel_loop3A_175 : i32 to index
          %parallel_loop3A_205 = arith.constant 16 : index
          %parallel_loop3A_206 = tpu.vector_load %arg9[%parallel_loop3A_204, %parallel_loop3A_205] {strides = array<i32>} : memref<128x128xf32, #tpu.memory_space<vmem>>, vector<1x16xf32>,
          %parallel_loop3A_207 = vector.shape_cast %parallel_loop3A_206 : vector<1x16xf32> to vector<16xf32>
          %parallel_loop3A_208 = arith.addf %parallel_loop3A_203, %parallel_loop3A_207 : vector<16xf32>
          %parallel_loop3A_209 = arith.index_cast %parallel_loop3A_175 : i32 to index
          %parallel_loop3A_210 = arith.constant 16 : index
          %parallel_loop3A_211 = tpu.vector_load %arg7[%parallel_loop3A_209, %parallel_loop3A_210] {strides = array<i32>} : memref<128x128xf32, #tpu.memory_space<vmem>>, vector<1x16xf32>,
          %parallel_loop3A_212 = vector.shape_cast %parallel_loop3A_211 : vector<1x16xf32> to vector<16xf32>
          %parallel_loop3A_213 = vector.shape_cast %parallel_loop3A_208 : vector<16xf32> to vector<1x16xf32>
          tpu.vector_store %arg7[%parallel_loop3A_209, %parallel_loop3A_210], %parallel_loop3A_213 {strides = array<i32>} : memref<128x128xf32, #tpu.memory_space<vmem>>, vector<1x16xf32>,
          %parallel_loop3A_214 = arith.index_cast %parallel_loop3A_175 : i32 to index
          %parallel_loop3A_215 = arith.constant 32 : index
          %parallel_loop3A_216 = tpu.vector_load %arg7[%parallel_loop3A_214, %parallel_loop3A_215] {strides = array<i32>} : memref<128x128xf32, #tpu.memory_space<vmem>>, vector<1x16xf32>,
          %parallel_loop3A_217 = vector.shape_cast %parallel_loop3A_216 : vector<1x16xf32> to vector<16xf32>
          %parallel_loop3A_218 = arith.index_cast %parallel_loop3A_175 : i32 to index
          %parallel_loop3A_219 = arith.constant 32 : index
          %parallel_loop3A_220 = tpu.vector_load %arg8[%parallel_loop3A_218, %parallel_loop3A_219] {strides = array<i32>} : memref<128x128xf32, #tpu.memory_space<vmem>>, vector<1x16xf32>,
          %parallel_loop3A_221 = vector.shape_cast %parallel_loop3A_220 : vector<1x16xf32> to vector<16xf32>
          %parallel_loop3A_222 = arith.addf %parallel_loop3A_217, %parallel_loop3A_221 : vector<16xf32>
          %parallel_loop3A_223 = arith.index_cast %parallel_loop3A_175 : i32 to index
          %parallel_loop3A_224 = arith.constant 32 : index
          %parallel_loop3A_225 = tpu.vector_load %arg9[%parallel_loop3A_223, %parallel_loop3A_224] {strides = array<i32>} : memref<128x128xf32, #tpu.memory_space<vmem>>, vector<1x16xf32>,
          %parallel_loop3A_226 = vector.shape_cast %parallel_loop3A_225 : vector<1x16xf32> to vector<16xf32>
          %parallel_loop3A_227 = arith.addf %parallel_loop3A_222, %parallel_loop3A_226 : vector<16xf32>
          %parallel_loop3A_228 = arith.index_cast %parallel_loop3A_175 : i32 to index
          %parallel_loop3A_229 = arith.constant 32 : index
          %parallel_loop3A_230 = tpu.vector_load %arg7[%parallel_loop3A_228, %parallel_loop3A_229] {strides = array<i32>} : memref<128x128xf32, #tpu.memory_space<vmem>>, vector<1x16xf32>,
          %parallel_loop3A_231 = vector.shape_cast %parallel_loop3A_230 : vector<1x16xf32> to vector<16xf32>
          %parallel_loop3A_232 = vector.shape_cast %parallel_loop3A_227 : vector<16xf32> to vector<1x16xf32>
          tpu.vector_store %arg7[%parallel_loop3A_228, %parallel_loop3A_229], %parallel_loop3A_232 {strides = array<i32>} : memref<128x128xf32, #tpu.memory_space<vmem>>, vector<1x16xf32>,
          %parallel_loop3A_233 = arith.index_cast %parallel_loop3A_175 : i32 to index
          %parallel_loop3A_234 = arith.constant 48 : index
          %parallel_loop3A_235 = tpu.vector_load %arg7[%parallel_loop3A_233, %parallel_loop3A_234] {strides = array<i32>} : memref<128x128xf32, #tpu.memory_space<vmem>>, vector<1x16xf32>,
          %parallel_loop3A_236 = vector.shape_cast %parallel_loop3A_235 : vector<1x16xf32> to vector<16xf32>
          %parallel_loop3A_237 = arith.index_cast %parallel_loop3A_175 : i32 to index
          %parallel_loop3A_238 = arith.constant 48 : index
          %parallel_loop3A_239 = tpu.vector_load %arg8[%parallel_loop3A_237, %parallel_loop3A_238] {strides = array<i32>} : memref<128x128xf32, #tpu.memory_space<vmem>>, vector<1x16xf32>,
          %parallel_loop3A_240 = vector.shape_cast %parallel_loop3A_239 : vector<1x16xf32> to vector<16xf32>
          %parallel_loop3A_241 = arith.addf %parallel_loop3A_236, %parallel_loop3A_240 : vector<16xf32>
          %parallel_loop3A_242 = arith.index_cast %parallel_loop3A_175 : i32 to index
          %parallel_loop3A_243 = arith.constant 48 : index
          %parallel_loop3A_244 = tpu.vector_load %arg9[%parallel_loop3A_242, %parallel_loop3A_243] {strides = array<i32>} : memref<128x128xf32, #tpu.memory_space<vmem>>, vector<1x16xf32>,
          %parallel_loop3A_245 = vector.shape_cast %parallel_loop3A_244 : vector<1x16xf32> to vector<16xf32>
          %parallel_loop3A_246 = arith.addf %parallel_loop3A_241, %parallel_loop3A_245 : vector<16xf32>
          %parallel_loop3A_247 = arith.index_cast %parallel_loop3A_175 : i32 to index
          %parallel_loop3A_248 = arith.constant 48 : index
          %parallel_loop3A_249 = tpu.vector_load %arg7[%parallel_loop3A_247, %parallel_loop3A_248] {strides = array<i32>} : memref<128x128xf32, #tpu.memory_space<vmem>>, vector<1x16xf32>,
          %parallel_loop3A_250 = vector.shape_cast %parallel_loop3A_249 : vector<1x16xf32> to vector<16xf32>
          %parallel_loop3A_251 = vector.shape_cast %parallel_loop3A_246 : vector<16xf32> to vector<1x16xf32>
          tpu.vector_store %arg7[%parallel_loop3A_247, %parallel_loop3A_248], %parallel_loop3A_251 {strides = array<i32>} : memref<128x128xf32, #tpu.memory_space<vmem>>, vector<1x16xf32>,
          %parallel_loop3A_252 = arith.index_cast %parallel_loop3A_175 : i32 to index
          %parallel_loop3A_253 = arith.constant 64 : index
          %parallel_loop3A_254 = tpu.vector_load %arg7[%parallel_loop3A_252, %parallel_loop3A_253] {strides = array<i32>} : memref<128x128xf32, #tpu.memory_space<vmem>>, vector<1x16xf32>,
          %parallel_loop3A_255 = vector.shape_cast %parallel_loop3A_254 : vector<1x16xf32> to vector<16xf32>
          %parallel_loop3A_256 = arith.index_cast %parallel_loop3A_175 : i32 to index
          %parallel_loop3A_257 = arith.constant 64 : index
          %parallel_loop3A_258 = tpu.vector_load %arg8[%parallel_loop3A_256, %parallel_loop3A_257] {strides = array<i32>} : memref<128x128xf32, #tpu.memory_space<vmem>>, vector<1x16xf32>,
          %parallel_loop3A_259 = vector.shape_cast %parallel_loop3A_258 : vector<1x16xf32> to vector<16xf32>
          %parallel_loop3A_260 = arith.addf %parallel_loop3A_255, %parallel_loop3A_259 : vector<16xf32>
          %parallel_loop3A_261 = arith.index_cast %parallel_loop3A_175 : i32 to index
          %parallel_loop3A_262 = arith.constant 64 : index
          %parallel_loop3A_263 = tpu.vector_load %arg9[%parallel_loop3A_261, %parallel_loop3A_262] {strides = array<i32>} : memref<128x128xf32, #tpu.memory_space<vmem>>, vector<1x16xf32>,
          %parallel_loop3A_264 = vector.shape_cast %parallel_loop3A_263 : vector<1x16xf32> to vector<16xf32>
          %parallel_loop3A_265 = arith.addf %parallel_loop3A_260, %parallel_loop3A_264 : vector<16xf32>
          %parallel_loop3A_266 = arith.index_cast %parallel_loop3A_175 : i32 to index
          %parallel_loop3A_267 = arith.constant 64 : index
          %parallel_loop3A_268 = tpu.vector_load %arg7[%parallel_loop3A_266, %parallel_loop3A_267] {strides = array<i32>} : memref<128x128xf32, #tpu.memory_space<vmem>>, vector<1x16xf32>,
          %parallel_loop3A_269 = vector.shape_cast %parallel_loop3A_268 : vector<1x16xf32> to vector<16xf32>
          %parallel_loop3A_270 = vector.shape_cast %parallel_loop3A_265 : vector<16xf32> to vector<1x16xf32>
          tpu.vector_store %arg7[%parallel_loop3A_266, %parallel_loop3A_267], %parallel_loop3A_270 {strides = array<i32>} : memref<128x128xf32, #tpu.memory_space<vmem>>, vector<1x16xf32>,
          %parallel_loop3A_271 = arith.index_cast %parallel_loop3A_175 : i32 to index
          %parallel_loop3A_272 = arith.constant 80 : index
          %parallel_loop3A_273 = tpu.vector_load %arg7[%parallel_loop3A_271, %parallel_loop3A_272] {strides = array<i32>} : memref<128x128xf32, #tpu.memory_space<vmem>>, vector<1x16xf32>,
          %parallel_loop3A_274 = vector.shape_cast %parallel_loop3A_273 : vector<1x16xf32> to vector<16xf32>
          %parallel_loop3A_275 = arith.index_cast %parallel_loop3A_175 : i32 to index
          %parallel_loop3A_276 = arith.constant 80 : index
          %parallel_loop3A_277 = tpu.vector_load %arg8[%parallel_loop3A_275, %parallel_loop3A_276] {strides = array<i32>} : memref<128x128xf32, #tpu.memory_space<vmem>>, vector<1x16xf32>,
          %parallel_loop3A_278 = vector.shape_cast %parallel_loop3A_277 : vector<1x16xf32> to vector<16xf32>
          %parallel_loop3A_279 = arith.addf %parallel_loop3A_274, %parallel_loop3A_278 : vector<16xf32>
          %parallel_loop3A_280 = arith.index_cast %parallel_loop3A_175 : i32 to index
          %parallel_loop3A_281 = arith.constant 80 : index
          %parallel_loop3A_282 = tpu.vector_load %arg9[%parallel_loop3A_280, %parallel_loop3A_281] {strides = array<i32>} : memref<128x128xf32, #tpu.memory_space<vmem>>, vector<1x16xf32>,
          %parallel_loop3A_283 = vector.shape_cast %parallel_loop3A_282 : vector<1x16xf32> to vector<16xf32>
          %parallel_loop3A_284 = arith.addf %parallel_loop3A_279, %parallel_loop3A_283 : vector<16xf32>
          %parallel_loop3A_285 = arith.index_cast %parallel_loop3A_175 : i32 to index
          %parallel_loop3A_286 = arith.constant 80 : index
          %parallel_loop3A_287 = tpu.vector_load %arg7[%parallel_loop3A_285, %parallel_loop3A_286] {strides = array<i32>} : memref<128x128xf32, #tpu.memory_space<vmem>>, vector<1x16xf32>,
          %parallel_loop3A_288 = vector.shape_cast %parallel_loop3A_287 : vector<1x16xf32> to vector<16xf32>
          %parallel_loop3A_289 = vector.shape_cast %parallel_loop3A_284 : vector<16xf32> to vector<1x16xf32>
          tpu.vector_store %arg7[%parallel_loop3A_285, %parallel_loop3A_286], %parallel_loop3A_289 {strides = array<i32>} : memref<128x128xf32, #tpu.memory_space<vmem>>, vector<1x16xf32>,
          %parallel_loop3A_290 = arith.index_cast %parallel_loop3A_175 : i32 to index
          %parallel_loop3A_291 = arith.constant 96 : index
          %parallel_loop3A_292 = tpu.vector_load %arg7[%parallel_loop3A_290, %parallel_loop3A_291] {strides = array<i32>} : memref<128x128xf32, #tpu.memory_space<vmem>>, vector<1x16xf32>,
          %parallel_loop3A_293 = vector.shape_cast %parallel_loop3A_292 : vector<1x16xf32> to vector<16xf32>
          %parallel_loop3A_294 = arith.index_cast %parallel_loop3A_175 : i32 to index
          %parallel_loop3A_295 = arith.constant 96 : index
          %parallel_loop3A_296 = tpu.vector_load %arg8[%parallel_loop3A_294, %parallel_loop3A_295] {strides = array<i32>} : memref<128x128xf32, #tpu.memory_space<vmem>>, vector<1x16xf32>,
          %parallel_loop3A_297 = vector.shape_cast %parallel_loop3A_296 : vector<1x16xf32> to vector<16xf32>
          %parallel_loop3A_298 = arith.addf %parallel_loop3A_293, %parallel_loop3A_297 : vector<16xf32>
          %parallel_loop3A_299 = arith.index_cast %parallel_loop3A_175 : i32 to index
          %parallel_loop3A_300 = arith.constant 96 : index
          %parallel_loop3A_301 = tpu.vector_load %arg9[%parallel_loop3A_299, %parallel_loop3A_300] {strides = array<i32>} : memref<128x128xf32, #tpu.memory_space<vmem>>, vector<1x16xf32>,
          %parallel_loop3A_302 = vector.shape_cast %parallel_loop3A_301 : vector<1x16xf32> to vector<16xf32>
          %parallel_loop3A_303 = arith.addf %parallel_loop3A_298, %parallel_loop3A_302 : vector<16xf32>
          %parallel_loop3A_304 = arith.index_cast %parallel_loop3A_175 : i32 to index
          %parallel_loop3A_305 = arith.constant 96 : index
          %parallel_loop3A_306 = tpu.vector_load %arg7[%parallel_loop3A_304, %parallel_loop3A_305] {strides = array<i32>} : memref<128x128xf32, #tpu.memory_space<vmem>>, vector<1x16xf32>,
          %parallel_loop3A_307 = vector.shape_cast %parallel_loop3A_306 : vector<1x16xf32> to vector<16xf32>
          %parallel_loop3A_308 = vector.shape_cast %parallel_loop3A_303 : vector<16xf32> to vector<1x16xf32>
          tpu.vector_store %arg7[%parallel_loop3A_304, %parallel_loop3A_305], %parallel_loop3A_308 {strides = array<i32>} : memref<128x128xf32, #tpu.memory_space<vmem>>, vector<1x16xf32>,
          %parallel_loop3A_309 = arith.index_cast %parallel_loop3A_175 : i32 to index
          %parallel_loop3A_310 = arith.constant 112 : index
          %parallel_loop3A_311 = tpu.vector_load %arg7[%parallel_loop3A_309, %parallel_loop3A_310] {strides = array<i32>} : memref<128x128xf32, #tpu.memory_space<vmem>>, vector<1x16xf32>,
          %parallel_loop3A_312 = vector.shape_cast %parallel_loop3A_311 : vector<1x16xf32> to vector<16xf32>
          %parallel_loop3A_313 = arith.index_cast %parallel_loop3A_175 : i32 to index
          %parallel_loop3A_314 = arith.constant 112 : index
          %parallel_loop3A_315 = tpu.vector_load %arg8[%parallel_loop3A_313, %parallel_loop3A_314] {strides = array<i32>} : memref<128x128xf32, #tpu.memory_space<vmem>>, vector<1x16xf32>,
          %parallel_loop3A_316 = vector.shape_cast %parallel_loop3A_315 : vector<1x16xf32> to vector<16xf32>
          %parallel_loop3A_317 = arith.addf %parallel_loop3A_312, %parallel_loop3A_316 : vector<16xf32>
          %parallel_loop3A_318 = arith.index_cast %parallel_loop3A_175 : i32 to index
          %parallel_loop3A_319 = arith.constant 112 : index
          %parallel_loop3A_320 = tpu.vector_load %arg9[%parallel_loop3A_318, %parallel_loop3A_319] {strides = array<i32>} : memref<128x128xf32, #tpu.memory_space<vmem>>, vector<1x16xf32>,
          %parallel_loop3A_321 = vector.shape_cast %parallel_loop3A_320 : vector<1x16xf32> to vector<16xf32>
          %parallel_loop3A_322 = arith.addf %parallel_loop3A_317, %parallel_loop3A_321 : vector<16xf32>
          %parallel_loop3A_323 = arith.index_cast %parallel_loop3A_175 : i32 to index
          %parallel_loop3A_324 = arith.constant 112 : index
          %parallel_loop3A_325 = tpu.vector_load %arg7[%parallel_loop3A_323, %parallel_loop3A_324] {strides = array<i32>} : memref<128x128xf32, #tpu.memory_space<vmem>>, vector<1x16xf32>,
          %parallel_loop3A_326 = vector.shape_cast %parallel_loop3A_325 : vector<1x16xf32> to vector<16xf32>
          %parallel_loop3A_327 = vector.shape_cast %parallel_loop3A_322 : vector<16xf32> to vector<1x16xf32>
          tpu.vector_store %arg7[%parallel_loop3A_323, %parallel_loop3A_324], %parallel_loop3A_327 {strides = array<i32>} : memref<128x128xf32, #tpu.memory_space<vmem>>, vector<1x16xf32>,
        } {sc.loop_unroll_factor = 4 : i64, sc.parallel_access}
        %mul3A_166 = arith.constant 32 : i32
        %mul3A_167 = arith.muli %mul3A_119, %mul3A_166 : i32
        %add3A_168 = arith.addi %add3A, %mul3A_167 : i32
        %mul3A_169 = arith.constant 128 : i32
        %mul3A_170 = arith.muli %add3A_168, %mul3A_169 : i32
        %multiple_of3A = tpu.assume_multiple %mul3A_170, 8 : i32
        %dma_start3A_171 = arith.constant 0 : i32
        %dma_start3A_172 = tpu.memref_slice %arg6[%multiple_of3A, %dma_start3A_171] : memref<100000x128xf32, #tpu.memory_space<hbm>> -> memref<128x128xf32, #tpu.memory_space<hbm>>
        %dma_start3A_173 = arith.constant 0 : i32
        %dma_start3A_174 = tpu.memref_slice %arg6[%multiple_of3A, %dma_start3A_173] : memref<100000x128xf32, #tpu.memory_space<hbm>> -> memref<128x128xf32, #tpu.memory_space<hbm>>
        tpu.enqueue_dma source(%arg7 : memref<128x128xf32, #tpu.memory_space<vmem>>) target(%dma_start3A_174 : memref<128x128xf32, #tpu.memory_space<hbm>>) target_semaphore(%arg20 : memref<!tpu.dma_semaphore, #tpu.memory_space<semaphore_mem>>)
      } else {
      }
      %lt3A_135 = arith.cmpi slt, %add3A_127, %select_n3A : i32
      %convert_element_type3A_136 = arith.extui %lt3A_135 : i1 to i32
      %cond3A_137 = arith.constant 0 : i32
      %cond3A_138 = arith.cmpi ne, %convert_element_type3A_136, %cond3A_137 : i32
      scf.if %cond3A_138 {
        %dma_wait3A_144 = arith.constant 0 : i32
        %dma_wait3A_145 = arith.constant 0 : i32
        %dma_wait3A_146 = tpu.memref_slice %arg6[%dma_wait3A_144, %dma_wait3A_145] : memref<100000x128xf32, #tpu.memory_space<hbm>> -> memref<128x128xf32, #tpu.memory_space<hbm>>
        %dma_wait3A_147 = arith.constant 0 : i32
        %dma_wait3A_148 = arith.constant 0 : i32
        %dma_wait3A_149 = tpu.memref_slice %arg6[%dma_wait3A_147, %dma_wait3A_148] : memref<100000x128xf32, #tpu.memory_space<hbm>> -> memref<128x128xf32, #tpu.memory_space<hbm>>
        tpu.wait_dma2 semaphore(%arg20 : memref<!tpu.dma_semaphore, #tpu.memory_space<semaphore_mem>>) src(%arg7 : memref<128x128xf32, #tpu.memory_space<vmem>>) dst(%dma_wait3A_149 : memref<128x128xf32, #tpu.memory_space<hbm>>)
        %mul3A_150 = arith.constant 3 : i32
        %mul3A_151 = arith.muli %add3A_127, %mul3A_150 : i32
        %mul3A_152 = arith.constant 128 : i32
        %mul3A_153 = arith.muli %mul3A_151, %mul3A_152 : i32
        %dma_start3A_154 = tpu.memref_slice %arg13[%mul3A_153] : memref<9600xi32, #tpu.memory_space<vmem>> -> memref<128xi32, #tpu.memory_space<vmem>>
        %dma_start3A_155 = arith.constant 0 : i32
        %dma_start3A_156 = arith.constant 0 : i32
        %dma_start3A_157 = tpu.memref_slice %arg17[%dma_start3A_155, %dma_start3A_156] : memref<119x128xf32, #tpu.memory_space<vmem_shared>> -> memref<119x128xf32, #tpu.memory_space<vmem_shared>>
        tpu.enqueue_indirect_dma source(%dma_start3A_157 : memref<119x128xf32, #tpu.memory_space<vmem_shared>>) target(%arg7 : memref<128x128xf32, #tpu.memory_space<vmem>>) offsets(%dma_start3A_154 : memref<128xi32, #tpu.memory_space<vmem>>) semaphore(%arg15 : memref<!tpu.dma_semaphore, #tpu.memory_space<semaphore_mem>>)
        %add3A_158 = arith.constant 128 : i32
        %add3A_159 = arith.addi %mul3A_153, %add3A_158 : i32
        %dma_start3A_160 = tpu.memref_slice %arg13[%add3A_159] : memref<9600xi32, #tpu.memory_space<vmem>> -> memref<128xi32, #tpu.memory_space<vmem>>
        %dma_start3A_161 = arith.constant 0 : i32
        %dma_start3A_162 = arith.constant 0 : i32
        %dma_start3A_163 = tpu.memref_slice %arg18[%dma_start3A_161, %dma_start3A_162] : memref<576x128xf32, #tpu.memory_space<vmem_shared>> -> memref<576x128xf32, #tpu.memory_space<vmem_shared>>
        tpu.enqueue_indirect_dma source(%dma_start3A_163 : memref<576x128xf32, #tpu.memory_space<vmem_shared>>) target(%arg8 : memref<128x128xf32, #tpu.memory_space<vmem>>) offsets(%dma_start3A_160 : memref<128xi32, #tpu.memory_space<vmem>>) semaphore(%arg15 : memref<!tpu.dma_semaphore, #tpu.memory_space<semaphore_mem>>)
        %add3A_164 = arith.constant 256 : i32
        %add3A_165 = arith.addi %mul3A_153, %add3A_164 : i32
        %dma_start3A_166 = tpu.memref_slice %arg13[%add3A_165] : memref<9600xi32, #tpu.memory_space<vmem>> -> memref<128xi32, #tpu.memory_space<vmem>>
        %dma_start3A_167 = arith.constant 0 : i32
        %dma_start3A_168 = arith.constant 0 : i32
        %dma_start3A_169 = tpu.memref_slice %arg19[%dma_start3A_167, %dma_start3A_168] : memref<1440x128xf32, #tpu.memory_space<vmem_shared>> -> memref<1440x128xf32, #tpu.memory_space<vmem_shared>>
        tpu.enqueue_indirect_dma source(%dma_start3A_169 : memref<1440x128xf32, #tpu.memory_space<vmem_shared>>) target(%arg9 : memref<128x128xf32, #tpu.memory_space<vmem>>) offsets(%dma_start3A_166 : memref<128xi32, #tpu.memory_space<vmem>>) semaphore(%arg15 : memref<!tpu.dma_semaphore, #tpu.memory_space<semaphore_mem>>)
      } else {
      }
      %lt3A_139 = arith.cmpi slt, %add3A_123, %select_n3A : i32
      %convert_element_type3A_140 = arith.extui %lt3A_139 : i1 to i32
      %cond3A_141 = arith.constant 0 : i32
      %cond3A_142 = arith.cmpi ne, %convert_element_type3A_140, %cond3A_141 : i32
      scf.if %cond3A_142 {
        %mul3A_144 = arith.constant 3 : i32
        %mul3A_145 = arith.muli %add3A_123, %mul3A_144 : i32
        %mul3A_146 = arith.constant 128 : i32
        %mul3A_147 = arith.muli %mul3A_145, %mul3A_146 : i32
        %dma_wait3A_148 = tpu.memref_slice %arg13[%mul3A_147] : memref<9600xi32, #tpu.memory_space<vmem>> -> memref<128xi32, #tpu.memory_space<vmem>>
        %dma_wait3A_149 = arith.constant 0 : i32
        %dma_wait3A_150 = arith.constant 0 : i32
        %dma_wait3A_151 = tpu.memref_slice %arg17[%dma_wait3A_149, %dma_wait3A_150] : memref<119x128xf32, #tpu.memory_space<vmem_shared>> -> memref<119x128xf32, #tpu.memory_space<vmem_shared>>
        tpu.wait_indirect_dma semaphore(%arg16 : memref<!tpu.dma_semaphore, #tpu.memory_space<semaphore_mem>>) src(%dma_wait3A_151 : memref<119x128xf32, #tpu.memory_space<vmem_shared>>) dst(%arg10 : memref<128x128xf32, #tpu.memory_space<vmem>>)
        %add3A_152 = arith.constant 128 : i32
        %add3A_153 = arith.addi %mul3A_147, %add3A_152 : i32
        %dma_wait3A_154 = tpu.memref_slice %arg13[%add3A_153] : memref<9600xi32, #tpu.memory_space<vmem>> -> memref<128xi32, #tpu.memory_space<vmem>>
        %dma_wait3A_155 = arith.constant 0 : i32
        %dma_wait3A_156 = arith.constant 0 : i32
        %dma_wait3A_157 = tpu.memref_slice %arg18[%dma_wait3A_155, %dma_wait3A_156] : memref<576x128xf32, #tpu.memory_space<vmem_shared>> -> memref<576x128xf32, #tpu.memory_space<vmem_shared>>
        tpu.wait_indirect_dma semaphore(%arg16 : memref<!tpu.dma_semaphore, #tpu.memory_space<semaphore_mem>>) src(%dma_wait3A_157 : memref<576x128xf32, #tpu.memory_space<vmem_shared>>) dst(%arg11 : memref<128x128xf32, #tpu.memory_space<vmem>>)
        %add3A_158 = arith.constant 256 : i32
        %add3A_159 = arith.addi %mul3A_147, %add3A_158 : i32
        %dma_wait3A_160 = tpu.memref_slice %arg13[%add3A_159] : memref<9600xi32, #tpu.memory_space<vmem>> -> memref<128xi32, #tpu.memory_space<vmem>>
        %dma_wait3A_161 = arith.constant 0 : i32
        %dma_wait3A_162 = arith.constant 0 : i32
        %dma_wait3A_163 = tpu.memref_slice %arg19[%dma_wait3A_161, %dma_wait3A_162] : memref<1440x128xf32, #tpu.memory_space<vmem_shared>> -> memref<1440x128xf32, #tpu.memory_space<vmem_shared>>
        tpu.wait_indirect_dma semaphore(%arg16 : memref<!tpu.dma_semaphore, #tpu.memory_space<semaphore_mem>>) src(%dma_wait3A_163 : memref<1440x128xf32, #tpu.memory_space<vmem_shared>>) dst(%arg12 : memref<128x128xf32, #tpu.memory_space<vmem>>)
        %parallel_loop3A = arith.constant 0 : i32
        %parallel_loop3A_164 = arith.constant 128 : i32
        %parallel_loop3A_165 = arith.constant 1 : i32
        scf.for %parallel_loop3A_175 = %parallel_loop3A to %parallel_loop3A_164 step %parallel_loop3A_165  : i32 {
          %parallel_loop3A_176 = arith.index_cast %parallel_loop3A_175 : i32 to index
          %parallel_loop3A_177 = arith.constant 0 : index
          %parallel_loop3A_178 = tpu.vector_load %arg10[%parallel_loop3A_176, %parallel_loop3A_177] {strides = array<i32>} : memref<128x128xf32, #tpu.memory_space<vmem>>, vector<1x16xf32>,
          %parallel_loop3A_179 = vector.shape_cast %parallel_loop3A_178 : vector<1x16xf32> to vector<16xf32>
          %parallel_loop3A_180 = arith.index_cast %parallel_loop3A_175 : i32 to index
          %parallel_loop3A_181 = arith.constant 0 : index
          %parallel_loop3A_182 = tpu.vector_load %arg11[%parallel_loop3A_180, %parallel_loop3A_181] {strides = array<i32>} : memref<128x128xf32, #tpu.memory_space<vmem>>, vector<1x16xf32>,
          %parallel_loop3A_183 = vector.shape_cast %parallel_loop3A_182 : vector<1x16xf32> to vector<16xf32>
          %parallel_loop3A_184 = arith.addf %parallel_loop3A_179, %parallel_loop3A_183 : vector<16xf32>
          %parallel_loop3A_185 = arith.index_cast %parallel_loop3A_175 : i32 to index
          %parallel_loop3A_186 = arith.constant 0 : index
          %parallel_loop3A_187 = tpu.vector_load %arg12[%parallel_loop3A_185, %parallel_loop3A_186] {strides = array<i32>} : memref<128x128xf32, #tpu.memory_space<vmem>>, vector<1x16xf32>,
          %parallel_loop3A_188 = vector.shape_cast %parallel_loop3A_187 : vector<1x16xf32> to vector<16xf32>
          %parallel_loop3A_189 = arith.addf %parallel_loop3A_184, %parallel_loop3A_188 : vector<16xf32>
          %parallel_loop3A_190 = arith.index_cast %parallel_loop3A_175 : i32 to index
          %parallel_loop3A_191 = arith.constant 0 : index
          %parallel_loop3A_192 = tpu.vector_load %arg10[%parallel_loop3A_190, %parallel_loop3A_191] {strides = array<i32>} : memref<128x128xf32, #tpu.memory_space<vmem>>, vector<1x16xf32>,
          %parallel_loop3A_193 = vector.shape_cast %parallel_loop3A_192 : vector<1x16xf32> to vector<16xf32>
          %parallel_loop3A_194 = vector.shape_cast %parallel_loop3A_189 : vector<16xf32> to vector<1x16xf32>
          tpu.vector_store %arg10[%parallel_loop3A_190, %parallel_loop3A_191], %parallel_loop3A_194 {strides = array<i32>} : memref<128x128xf32, #tpu.memory_space<vmem>>, vector<1x16xf32>,
          %parallel_loop3A_195 = arith.index_cast %parallel_loop3A_175 : i32 to index
          %parallel_loop3A_196 = arith.constant 16 : index
          %parallel_loop3A_197 = tpu.vector_load %arg10[%parallel_loop3A_195, %parallel_loop3A_196] {strides = array<i32>} : memref<128x128xf32, #tpu.memory_space<vmem>>, vector<1x16xf32>,
          %parallel_loop3A_198 = vector.shape_cast %parallel_loop3A_197 : vector<1x16xf32> to vector<16xf32>
          %parallel_loop3A_199 = arith.index_cast %parallel_loop3A_175 : i32 to index
          %parallel_loop3A_200 = arith.constant 16 : index
          %parallel_loop3A_201 = tpu.vector_load %arg11[%parallel_loop3A_199, %parallel_loop3A_200] {strides = array<i32>} : memref<128x128xf32, #tpu.memory_space<vmem>>, vector<1x16xf32>,
          %parallel_loop3A_202 = vector.shape_cast %parallel_loop3A_201 : vector<1x16xf32> to vector<16xf32>
          %parallel_loop3A_203 = arith.addf %parallel_loop3A_198, %parallel_loop3A_202 : vector<16xf32>
          %parallel_loop3A_204 = arith.index_cast %parallel_loop3A_175 : i32 to index
          %parallel_loop3A_205 = arith.constant 16 : index
          %parallel_loop3A_206 = tpu.vector_load %arg12[%parallel_loop3A_204, %parallel_loop3A_205] {strides = array<i32>} : memref<128x128xf32, #tpu.memory_space<vmem>>, vector<1x16xf32>,
          %parallel_loop3A_207 = vector.shape_cast %parallel_loop3A_206 : vector<1x16xf32> to vector<16xf32>
          %parallel_loop3A_208 = arith.addf %parallel_loop3A_203, %parallel_loop3A_207 : vector<16xf32>
          %parallel_loop3A_209 = arith.index_cast %parallel_loop3A_175 : i32 to index
          %parallel_loop3A_210 = arith.constant 16 : index
          %parallel_loop3A_211 = tpu.vector_load %arg10[%parallel_loop3A_209, %parallel_loop3A_210] {strides = array<i32>} : memref<128x128xf32, #tpu.memory_space<vmem>>, vector<1x16xf32>,
          %parallel_loop3A_212 = vector.shape_cast %parallel_loop3A_211 : vector<1x16xf32> to vector<16xf32>
          %parallel_loop3A_213 = vector.shape_cast %parallel_loop3A_208 : vector<16xf32> to vector<1x16xf32>
          tpu.vector_store %arg10[%parallel_loop3A_209, %parallel_loop3A_210], %parallel_loop3A_213 {strides = array<i32>} : memref<128x128xf32, #tpu.memory_space<vmem>>, vector<1x16xf32>,
          %parallel_loop3A_214 = arith.index_cast %parallel_loop3A_175 : i32 to index
          %parallel_loop3A_215 = arith.constant 32 : index
          %parallel_loop3A_216 = tpu.vector_load %arg10[%parallel_loop3A_214, %parallel_loop3A_215] {strides = array<i32>} : memref<128x128xf32, #tpu.memory_space<vmem>>, vector<1x16xf32>,
          %parallel_loop3A_217 = vector.shape_cast %parallel_loop3A_216 : vector<1x16xf32> to vector<16xf32>
          %parallel_loop3A_218 = arith.index_cast %parallel_loop3A_175 : i32 to index
          %parallel_loop3A_219 = arith.constant 32 : index
          %parallel_loop3A_220 = tpu.vector_load %arg11[%parallel_loop3A_218, %parallel_loop3A_219] {strides = array<i32>} : memref<128x128xf32, #tpu.memory_space<vmem>>, vector<1x16xf32>,
          %parallel_loop3A_221 = vector.shape_cast %parallel_loop3A_220 : vector<1x16xf32> to vector<16xf32>
          %parallel_loop3A_222 = arith.addf %parallel_loop3A_217, %parallel_loop3A_221 : vector<16xf32>
          %parallel_loop3A_223 = arith.index_cast %parallel_loop3A_175 : i32 to index
          %parallel_loop3A_224 = arith.constant 32 : index
          %parallel_loop3A_225 = tpu.vector_load %arg12[%parallel_loop3A_223, %parallel_loop3A_224] {strides = array<i32>} : memref<128x128xf32, #tpu.memory_space<vmem>>, vector<1x16xf32>,
          %parallel_loop3A_226 = vector.shape_cast %parallel_loop3A_225 : vector<1x16xf32> to vector<16xf32>
          %parallel_loop3A_227 = arith.addf %parallel_loop3A_222, %parallel_loop3A_226 : vector<16xf32>
          %parallel_loop3A_228 = arith.index_cast %parallel_loop3A_175 : i32 to index
          %parallel_loop3A_229 = arith.constant 32 : index
          %parallel_loop3A_230 = tpu.vector_load %arg10[%parallel_loop3A_228, %parallel_loop3A_229] {strides = array<i32>} : memref<128x128xf32, #tpu.memory_space<vmem>>, vector<1x16xf32>,
          %parallel_loop3A_231 = vector.shape_cast %parallel_loop3A_230 : vector<1x16xf32> to vector<16xf32>
          %parallel_loop3A_232 = vector.shape_cast %parallel_loop3A_227 : vector<16xf32> to vector<1x16xf32>
          tpu.vector_store %arg10[%parallel_loop3A_228, %parallel_loop3A_229], %parallel_loop3A_232 {strides = array<i32>} : memref<128x128xf32, #tpu.memory_space<vmem>>, vector<1x16xf32>,
          %parallel_loop3A_233 = arith.index_cast %parallel_loop3A_175 : i32 to index
          %parallel_loop3A_234 = arith.constant 48 : index
          %parallel_loop3A_235 = tpu.vector_load %arg10[%parallel_loop3A_233, %parallel_loop3A_234] {strides = array<i32>} : memref<128x128xf32, #tpu.memory_space<vmem>>, vector<1x16xf32>,
          %parallel_loop3A_236 = vector.shape_cast %parallel_loop3A_235 : vector<1x16xf32> to vector<16xf32>
          %parallel_loop3A_237 = arith.index_cast %parallel_loop3A_175 : i32 to index
          %parallel_loop3A_238 = arith.constant 48 : index
          %parallel_loop3A_239 = tpu.vector_load %arg11[%parallel_loop3A_237, %parallel_loop3A_238] {strides = array<i32>} : memref<128x128xf32, #tpu.memory_space<vmem>>, vector<1x16xf32>,
          %parallel_loop3A_240 = vector.shape_cast %parallel_loop3A_239 : vector<1x16xf32> to vector<16xf32>
          %parallel_loop3A_241 = arith.addf %parallel_loop3A_236, %parallel_loop3A_240 : vector<16xf32>
          %parallel_loop3A_242 = arith.index_cast %parallel_loop3A_175 : i32 to index
          %parallel_loop3A_243 = arith.constant 48 : index
          %parallel_loop3A_244 = tpu.vector_load %arg12[%parallel_loop3A_242, %parallel_loop3A_243] {strides = array<i32>} : memref<128x128xf32, #tpu.memory_space<vmem>>, vector<1x16xf32>,
          %parallel_loop3A_245 = vector.shape_cast %parallel_loop3A_244 : vector<1x16xf32> to vector<16xf32>
          %parallel_loop3A_246 = arith.addf %parallel_loop3A_241, %parallel_loop3A_245 : vector<16xf32>
          %parallel_loop3A_247 = arith.index_cast %parallel_loop3A_175 : i32 to index
          %parallel_loop3A_248 = arith.constant 48 : index
          %parallel_loop3A_249 = tpu.vector_load %arg10[%parallel_loop3A_247, %parallel_loop3A_248] {strides = array<i32>} : memref<128x128xf32, #tpu.memory_space<vmem>>, vector<1x16xf32>,
          %parallel_loop3A_250 = vector.shape_cast %parallel_loop3A_249 : vector<1x16xf32> to vector<16xf32>
          %parallel_loop3A_251 = vector.shape_cast %parallel_loop3A_246 : vector<16xf32> to vector<1x16xf32>
          tpu.vector_store %arg10[%parallel_loop3A_247, %parallel_loop3A_248], %parallel_loop3A_251 {strides = array<i32>} : memref<128x128xf32, #tpu.memory_space<vmem>>, vector<1x16xf32>,
          %parallel_loop3A_252 = arith.index_cast %parallel_loop3A_175 : i32 to index
          %parallel_loop3A_253 = arith.constant 64 : index
          %parallel_loop3A_254 = tpu.vector_load %arg10[%parallel_loop3A_252, %parallel_loop3A_253] {strides = array<i32>} : memref<128x128xf32, #tpu.memory_space<vmem>>, vector<1x16xf32>,
          %parallel_loop3A_255 = vector.shape_cast %parallel_loop3A_254 : vector<1x16xf32> to vector<16xf32>
          %parallel_loop3A_256 = arith.index_cast %parallel_loop3A_175 : i32 to index
          %parallel_loop3A_257 = arith.constant 64 : index
          %parallel_loop3A_258 = tpu.vector_load %arg11[%parallel_loop3A_256, %parallel_loop3A_257] {strides = array<i32>} : memref<128x128xf32, #tpu.memory_space<vmem>>, vector<1x16xf32>,
          %parallel_loop3A_259 = vector.shape_cast %parallel_loop3A_258 : vector<1x16xf32> to vector<16xf32>
          %parallel_loop3A_260 = arith.addf %parallel_loop3A_255, %parallel_loop3A_259 : vector<16xf32>
          %parallel_loop3A_261 = arith.index_cast %parallel_loop3A_175 : i32 to index
          %parallel_loop3A_262 = arith.constant 64 : index
          %parallel_loop3A_263 = tpu.vector_load %arg12[%parallel_loop3A_261, %parallel_loop3A_262] {strides = array<i32>} : memref<128x128xf32, #tpu.memory_space<vmem>>, vector<1x16xf32>,
          %parallel_loop3A_264 = vector.shape_cast %parallel_loop3A_263 : vector<1x16xf32> to vector<16xf32>
          %parallel_loop3A_265 = arith.addf %parallel_loop3A_260, %parallel_loop3A_264 : vector<16xf32>
          %parallel_loop3A_266 = arith.index_cast %parallel_loop3A_175 : i32 to index
          %parallel_loop3A_267 = arith.constant 64 : index
          %parallel_loop3A_268 = tpu.vector_load %arg10[%parallel_loop3A_266, %parallel_loop3A_267] {strides = array<i32>} : memref<128x128xf32, #tpu.memory_space<vmem>>, vector<1x16xf32>,
          %parallel_loop3A_269 = vector.shape_cast %parallel_loop3A_268 : vector<1x16xf32> to vector<16xf32>
          %parallel_loop3A_270 = vector.shape_cast %parallel_loop3A_265 : vector<16xf32> to vector<1x16xf32>
          tpu.vector_store %arg10[%parallel_loop3A_266, %parallel_loop3A_267], %parallel_loop3A_270 {strides = array<i32>} : memref<128x128xf32, #tpu.memory_space<vmem>>, vector<1x16xf32>,
          %parallel_loop3A_271 = arith.index_cast %parallel_loop3A_175 : i32 to index
          %parallel_loop3A_272 = arith.constant 80 : index
          %parallel_loop3A_273 = tpu.vector_load %arg10[%parallel_loop3A_271, %parallel_loop3A_272] {strides = array<i32>} : memref<128x128xf32, #tpu.memory_space<vmem>>, vector<1x16xf32>,
          %parallel_loop3A_274 = vector.shape_cast %parallel_loop3A_273 : vector<1x16xf32> to vector<16xf32>
          %parallel_loop3A_275 = arith.index_cast %parallel_loop3A_175 : i32 to index
          %parallel_loop3A_276 = arith.constant 80 : index
          %parallel_loop3A_277 = tpu.vector_load %arg11[%parallel_loop3A_275, %parallel_loop3A_276] {strides = array<i32>} : memref<128x128xf32, #tpu.memory_space<vmem>>, vector<1x16xf32>,
          %parallel_loop3A_278 = vector.shape_cast %parallel_loop3A_277 : vector<1x16xf32> to vector<16xf32>
          %parallel_loop3A_279 = arith.addf %parallel_loop3A_274, %parallel_loop3A_278 : vector<16xf32>
          %parallel_loop3A_280 = arith.index_cast %parallel_loop3A_175 : i32 to index
          %parallel_loop3A_281 = arith.constant 80 : index
          %parallel_loop3A_282 = tpu.vector_load %arg12[%parallel_loop3A_280, %parallel_loop3A_281] {strides = array<i32>} : memref<128x128xf32, #tpu.memory_space<vmem>>, vector<1x16xf32>,
          %parallel_loop3A_283 = vector.shape_cast %parallel_loop3A_282 : vector<1x16xf32> to vector<16xf32>
          %parallel_loop3A_284 = arith.addf %parallel_loop3A_279, %parallel_loop3A_283 : vector<16xf32>
          %parallel_loop3A_285 = arith.index_cast %parallel_loop3A_175 : i32 to index
          %parallel_loop3A_286 = arith.constant 80 : index
          %parallel_loop3A_287 = tpu.vector_load %arg10[%parallel_loop3A_285, %parallel_loop3A_286] {strides = array<i32>} : memref<128x128xf32, #tpu.memory_space<vmem>>, vector<1x16xf32>,
          %parallel_loop3A_288 = vector.shape_cast %parallel_loop3A_287 : vector<1x16xf32> to vector<16xf32>
          %parallel_loop3A_289 = vector.shape_cast %parallel_loop3A_284 : vector<16xf32> to vector<1x16xf32>
          tpu.vector_store %arg10[%parallel_loop3A_285, %parallel_loop3A_286], %parallel_loop3A_289 {strides = array<i32>} : memref<128x128xf32, #tpu.memory_space<vmem>>, vector<1x16xf32>,
          %parallel_loop3A_290 = arith.index_cast %parallel_loop3A_175 : i32 to index
          %parallel_loop3A_291 = arith.constant 96 : index
          %parallel_loop3A_292 = tpu.vector_load %arg10[%parallel_loop3A_290, %parallel_loop3A_291] {strides = array<i32>} : memref<128x128xf32, #tpu.memory_space<vmem>>, vector<1x16xf32>,
          %parallel_loop3A_293 = vector.shape_cast %parallel_loop3A_292 : vector<1x16xf32> to vector<16xf32>
          %parallel_loop3A_294 = arith.index_cast %parallel_loop3A_175 : i32 to index
          %parallel_loop3A_295 = arith.constant 96 : index
          %parallel_loop3A_296 = tpu.vector_load %arg11[%parallel_loop3A_294, %parallel_loop3A_295] {strides = array<i32>} : memref<128x128xf32, #tpu.memory_space<vmem>>, vector<1x16xf32>,
          %parallel_loop3A_297 = vector.shape_cast %parallel_loop3A_296 : vector<1x16xf32> to vector<16xf32>
          %parallel_loop3A_298 = arith.addf %parallel_loop3A_293, %parallel_loop3A_297 : vector<16xf32>
          %parallel_loop3A_299 = arith.index_cast %parallel_loop3A_175 : i32 to index
          %parallel_loop3A_300 = arith.constant 96 : index
          %parallel_loop3A_301 = tpu.vector_load %arg12[%parallel_loop3A_299, %parallel_loop3A_300] {strides = array<i32>} : memref<128x128xf32, #tpu.memory_space<vmem>>, vector<1x16xf32>,
          %parallel_loop3A_302 = vector.shape_cast %parallel_loop3A_301 : vector<1x16xf32> to vector<16xf32>
          %parallel_loop3A_303 = arith.addf %parallel_loop3A_298, %parallel_loop3A_302 : vector<16xf32>
          %parallel_loop3A_304 = arith.index_cast %parallel_loop3A_175 : i32 to index
          %parallel_loop3A_305 = arith.constant 96 : index
          %parallel_loop3A_306 = tpu.vector_load %arg10[%parallel_loop3A_304, %parallel_loop3A_305] {strides = array<i32>} : memref<128x128xf32, #tpu.memory_space<vmem>>, vector<1x16xf32>,
          %parallel_loop3A_307 = vector.shape_cast %parallel_loop3A_306 : vector<1x16xf32> to vector<16xf32>
          %parallel_loop3A_308 = vector.shape_cast %parallel_loop3A_303 : vector<16xf32> to vector<1x16xf32>
          tpu.vector_store %arg10[%parallel_loop3A_304, %parallel_loop3A_305], %parallel_loop3A_308 {strides = array<i32>} : memref<128x128xf32, #tpu.memory_space<vmem>>, vector<1x16xf32>,
          %parallel_loop3A_309 = arith.index_cast %parallel_loop3A_175 : i32 to index
          %parallel_loop3A_310 = arith.constant 112 : index
          %parallel_loop3A_311 = tpu.vector_load %arg10[%parallel_loop3A_309, %parallel_loop3A_310] {strides = array<i32>} : memref<128x128xf32, #tpu.memory_space<vmem>>, vector<1x16xf32>,
          %parallel_loop3A_312 = vector.shape_cast %parallel_loop3A_311 : vector<1x16xf32> to vector<16xf32>
          %parallel_loop3A_313 = arith.index_cast %parallel_loop3A_175 : i32 to index
          %parallel_loop3A_314 = arith.constant 112 : index
          %parallel_loop3A_315 = tpu.vector_load %arg11[%parallel_loop3A_313, %parallel_loop3A_314] {strides = array<i32>} : memref<128x128xf32, #tpu.memory_space<vmem>>, vector<1x16xf32>,
          %parallel_loop3A_316 = vector.shape_cast %parallel_loop3A_315 : vector<1x16xf32> to vector<16xf32>
          %parallel_loop3A_317 = arith.addf %parallel_loop3A_312, %parallel_loop3A_316 : vector<16xf32>
          %parallel_loop3A_318 = arith.index_cast %parallel_loop3A_175 : i32 to index
          %parallel_loop3A_319 = arith.constant 112 : index
          %parallel_loop3A_320 = tpu.vector_load %arg12[%parallel_loop3A_318, %parallel_loop3A_319] {strides = array<i32>} : memref<128x128xf32, #tpu.memory_space<vmem>>, vector<1x16xf32>,
          %parallel_loop3A_321 = vector.shape_cast %parallel_loop3A_320 : vector<1x16xf32> to vector<16xf32>
          %parallel_loop3A_322 = arith.addf %parallel_loop3A_317, %parallel_loop3A_321 : vector<16xf32>
          %parallel_loop3A_323 = arith.index_cast %parallel_loop3A_175 : i32 to index
          %parallel_loop3A_324 = arith.constant 112 : index
          %parallel_loop3A_325 = tpu.vector_load %arg10[%parallel_loop3A_323, %parallel_loop3A_324] {strides = array<i32>} : memref<128x128xf32, #tpu.memory_space<vmem>>, vector<1x16xf32>,
          %parallel_loop3A_326 = vector.shape_cast %parallel_loop3A_325 : vector<1x16xf32> to vector<16xf32>
          %parallel_loop3A_327 = vector.shape_cast %parallel_loop3A_322 : vector<16xf32> to vector<1x16xf32>
          tpu.vector_store %arg10[%parallel_loop3A_323, %parallel_loop3A_324], %parallel_loop3A_327 {strides = array<i32>} : memref<128x128xf32, #tpu.memory_space<vmem>>, vector<1x16xf32>,
        } {sc.loop_unroll_factor = 4 : i64, sc.parallel_access}
        %mul3A_166 = arith.constant 32 : i32
        %mul3A_167 = arith.muli %add3A_123, %mul3A_166 : i32
        %add3A_168 = arith.addi %add3A, %mul3A_167 : i32
        %mul3A_169 = arith.constant 128 : i32
        %mul3A_170 = arith.muli %add3A_168, %mul3A_169 : i32
        %multiple_of3A = tpu.assume_multiple %mul3A_170, 8 : i32
        %dma_start3A_171 = arith.constant 0 : i32
        %dma_start3A_172 = tpu.memref_slice %arg6[%multiple_of3A, %dma_start3A_171] : memref<100000x128xf32, #tpu.memory_space<hbm>> -> memref<128x128xf32, #tpu.memory_space<hbm>>
        %dma_start3A_173 = arith.constant 0 : i32
        %dma_start3A_174 = tpu.memref_slice %arg6[%multiple_of3A, %dma_start3A_173] : memref<100000x128xf32, #tpu.memory_space<hbm>> -> memref<128x128xf32, #tpu.memory_space<hbm>>
        tpu.enqueue_dma source(%arg10 : memref<128x128xf32, #tpu.memory_space<vmem>>) target(%dma_start3A_174 : memref<128x128xf32, #tpu.memory_space<hbm>>) target_semaphore(%arg21 : memref<!tpu.dma_semaphore, #tpu.memory_space<semaphore_mem>>)
      } else {
      }
      %while3A_143 = arith.constant 0 : i32
      scf.yield %while3A_143 : i32
    }
    %dma_wait3A = arith.constant 0 : i32
    %dma_wait3A_100 = arith.constant 0 : i32
    %dma_wait3A_101 = tpu.memref_slice %arg6[%dma_wait3A, %dma_wait3A_100] : memref<100000x128xf32, #tpu.memory_space<hbm>> -> memref<128x128xf32, #tpu.memory_space<hbm>>
    %dma_wait3A_102 = arith.constant 0 : i32
    %dma_wait3A_103 = arith.constant 0 : i32
    %dma_wait3A_104 = tpu.memref_slice %arg6[%dma_wait3A_102, %dma_wait3A_103] : memref<100000x128xf32, #tpu.memory_space<hbm>> -> memref<128x128xf32, #tpu.memory_space<hbm>>
    tpu.wait_dma2 semaphore(%arg20 : memref<!tpu.dma_semaphore, #tpu.memory_space<semaphore_mem>>) src(%arg7 : memref<128x128xf32, #tpu.memory_space<vmem>>) dst(%dma_wait3A_104 : memref<128x128xf32, #tpu.memory_space<hbm>>)
    %dma_wait3A_105 = arith.constant 0 : i32
    %dma_wait3A_106 = arith.constant 0 : i32
    %dma_wait3A_107 = tpu.memref_slice %arg6[%dma_wait3A_105, %dma_wait3A_106] : memref<100000x128xf32, #tpu.memory_space<hbm>> -> memref<128x128xf32, #tpu.memory_space<hbm>>
    %dma_wait3A_108 = arith.constant 0 : i32
    %dma_wait3A_109 = arith.constant 0 : i32
    %dma_wait3A_110 = tpu.memref_slice %arg6[%dma_wait3A_108, %dma_wait3A_109] : memref<100000x128xf32, #tpu.memory_space<hbm>> -> memref<128x128xf32, #tpu.memory_space<hbm>>
    tpu.wait_dma2 semaphore(%arg21 : memref<!tpu.dma_semaphore, #tpu.memory_space<semaphore_mem>>) src(%arg10 : memref<128x128xf32, #tpu.memory_space<vmem>>) dst(%dma_wait3A_110 : memref<128x128xf32, #tpu.memory_space<hbm>>)
    %eq3A_111 = arith.constant 13 : i32
    %eq3A_112 = arith.cmpi eq, %add3A, %eq3A_111 : i32
    %convert_element_type3A_113 = arith.extui %eq3A_112 : i1 to i32
    %cond3A_114 = arith.constant 0 : i32
    %cond3A_115 = arith.cmpi ne, %convert_element_type3A_113, %cond3A_114 : i32
    scf.if %cond3A_115 {
      "tpu.region"() ({
        %run_scoped3A = tpu.sem_alloc : memref<!tpu.dma_semaphore, #tpu.memory_space<semaphore_mem>>
        %dma_start3A_148 = arith.constant 9216 : i32
        %dma_start3A_149 = tpu.memref_slice %arg13[%dma_start3A_148] : memref<9600xi32, #tpu.memory_space<vmem>> -> memref<384xi32, #tpu.memory_space<vmem>>
        %dma_start3A_150 = arith.constant 299904 : i32
        %dma_start3A_151 = tpu.memref_slice %arg2[%dma_start3A_150] : memref<300288xi32, #tpu.memory_space<hbm>> -> memref<384xi32, #tpu.memory_space<hbm>>
        %dma_start3A_152 = arith.constant 9216 : i32
        %dma_start3A_153 = tpu.memref_slice %arg13[%dma_start3A_152] : memref<9600xi32, #tpu.memory_space<vmem>> -> memref<384xi32, #tpu.memory_space<vmem>>
        %dma_start3A_154 = arith.constant 299904 : i32
        %dma_start3A_155 = tpu.memref_slice %arg2[%dma_start3A_154] : memref<300288xi32, #tpu.memory_space<hbm>> -> memref<384xi32, #tpu.memory_space<hbm>>
        tpu.enqueue_dma source(%dma_start3A_155 : memref<384xi32, #tpu.memory_space<hbm>>) target(%dma_start3A_153 : memref<384xi32, #tpu.memory_space<vmem>>) target_semaphore(%run_scoped3A : memref<!tpu.dma_semaphore, #tpu.memory_space<semaphore_mem>>)
        %dma_wait3A_156 = arith.constant 9216 : i32
        %dma_wait3A_157 = tpu.memref_slice %arg13[%dma_wait3A_156] : memref<9600xi32, #tpu.memory_space<vmem>> -> memref<384xi32, #tpu.memory_space<vmem>>
        %dma_wait3A_158 = arith.constant 299904 : i32
        %dma_wait3A_159 = tpu.memref_slice %arg2[%dma_wait3A_158] : memref<300288xi32, #tpu.memory_space<hbm>> -> memref<384xi32, #tpu.memory_space<hbm>>
        %dma_wait3A_160 = arith.constant 9216 : i32
        %dma_wait3A_161 = tpu.memref_slice %arg13[%dma_wait3A_160] : memref<9600xi32, #tpu.memory_space<vmem>> -> memref<384xi32, #tpu.memory_space<vmem>>
        %dma_wait3A_162 = arith.constant 299904 : i32
        %dma_wait3A_163 = tpu.memref_slice %arg2[%dma_wait3A_162] : memref<300288xi32, #tpu.memory_space<hbm>> -> memref<384xi32, #tpu.memory_space<hbm>>
        tpu.wait_dma2 semaphore(%run_scoped3A : memref<!tpu.dma_semaphore, #tpu.memory_space<semaphore_mem>>) src(%dma_wait3A_163 : memref<384xi32, #tpu.memory_space<hbm>>) dst(%dma_wait3A_161 : memref<384xi32, #tpu.memory_space<vmem>>)
        tpu.yield
      }) : () -> ()
      %dma_start3A_116 = arith.constant 9216 : i32
      %dma_start3A_117 = tpu.memref_slice %arg13[%dma_start3A_116] : memref<9600xi32, #tpu.memory_space<vmem>> -> memref<128xi32, #tpu.memory_space<vmem>>
      %dma_start3A_118 = arith.constant 0 : i32
      %dma_start3A_119 = arith.constant 0 : i32
      %dma_start3A_120 = tpu.memref_slice %arg17[%dma_start3A_118, %dma_start3A_119] : memref<119x128xf32, #tpu.memory_space<vmem_shared>> -> memref<119x128xf32, #tpu.memory_space<vmem_shared>>
      tpu.enqueue_indirect_dma source(%dma_start3A_120 : memref<119x128xf32, #tpu.memory_space<vmem_shared>>) target(%arg7 : memref<128x128xf32, #tpu.memory_space<vmem>>) offsets(%dma_start3A_117 : memref<128xi32, #tpu.memory_space<vmem>>) semaphore(%arg15 : memref<!tpu.dma_semaphore, #tpu.memory_space<semaphore_mem>>)
      %dma_start3A_121 = arith.constant 9344 : i32
      %dma_start3A_122 = tpu.memref_slice %arg13[%dma_start3A_121] : memref<9600xi32, #tpu.memory_space<vmem>> -> memref<128xi32, #tpu.memory_space<vmem>>
      %dma_start3A_123 = arith.constant 0 : i32
      %dma_start3A_124 = arith.constant 0 : i32
      %dma_start3A_125 = tpu.memref_slice %arg18[%dma_start3A_123, %dma_start3A_124] : memref<576x128xf32, #tpu.memory_space<vmem_shared>> -> memref<576x128xf32, #tpu.memory_space<vmem_shared>>
      tpu.enqueue_indirect_dma source(%dma_start3A_125 : memref<576x128xf32, #tpu.memory_space<vmem_shared>>) target(%arg8 : memref<128x128xf32, #tpu.memory_space<vmem>>) offsets(%dma_start3A_122 : memref<128xi32, #tpu.memory_space<vmem>>) semaphore(%arg15 : memref<!tpu.dma_semaphore, #tpu.memory_space<semaphore_mem>>)
      %dma_start3A_126 = arith.constant 9472 : i32
      %dma_start3A_127 = tpu.memref_slice %arg13[%dma_start3A_126] : memref<9600xi32, #tpu.memory_space<vmem>> -> memref<128xi32, #tpu.memory_space<vmem>>
      %dma_start3A_128 = arith.constant 0 : i32
      %dma_start3A_129 = arith.constant 0 : i32
      %dma_start3A_130 = tpu.memref_slice %arg19[%dma_start3A_128, %dma_start3A_129] : memref<1440x128xf32, #tpu.memory_space<vmem_shared>> -> memref<1440x128xf32, #tpu.memory_space<vmem_shared>>
      tpu.enqueue_indirect_dma source(%dma_start3A_130 : memref<1440x128xf32, #tpu.memory_space<vmem_shared>>) target(%arg9 : memref<128x128xf32, #tpu.memory_space<vmem>>) offsets(%dma_start3A_127 : memref<128xi32, #tpu.memory_space<vmem>>) semaphore(%arg15 : memref<!tpu.dma_semaphore, #tpu.memory_space<semaphore_mem>>)
      %dma_wait3A_131 = arith.constant 9216 : i32
      %dma_wait3A_132 = tpu.memref_slice %arg13[%dma_wait3A_131] : memref<9600xi32, #tpu.memory_space<vmem>> -> memref<128xi32, #tpu.memory_space<vmem>>
      %dma_wait3A_133 = arith.constant 0 : i32
      %dma_wait3A_134 = arith.constant 0 : i32
      %dma_wait3A_135 = tpu.memref_slice %arg17[%dma_wait3A_133, %dma_wait3A_134] : memref<119x128xf32, #tpu.memory_space<vmem_shared>> -> memref<119x128xf32, #tpu.memory_space<vmem_shared>>
      tpu.wait_indirect_dma semaphore(%arg15 : memref<!tpu.dma_semaphore, #tpu.memory_space<semaphore_mem>>) src(%dma_wait3A_135 : memref<119x128xf32, #tpu.memory_space<vmem_shared>>) dst(%arg7 : memref<128x128xf32, #tpu.memory_space<vmem>>)
      %dma_wait3A_136 = arith.constant 9344 : i32
      %dma_wait3A_137 = tpu.memref_slice %arg13[%dma_wait3A_136] : memref<9600xi32, #tpu.memory_space<vmem>> -> memref<128xi32, #tpu.memory_space<vmem>>
      %dma_wait3A_138 = arith.constant 0 : i32
      %dma_wait3A_139 = arith.constant 0 : i32
      %dma_wait3A_140 = tpu.memref_slice %arg18[%dma_wait3A_138, %dma_wait3A_139] : memref<576x128xf32, #tpu.memory_space<vmem_shared>> -> memref<576x128xf32, #tpu.memory_space<vmem_shared>>
      tpu.wait_indirect_dma semaphore(%arg15 : memref<!tpu.dma_semaphore, #tpu.memory_space<semaphore_mem>>) src(%dma_wait3A_140 : memref<576x128xf32, #tpu.memory_space<vmem_shared>>) dst(%arg8 : memref<128x128xf32, #tpu.memory_space<vmem>>)
      %dma_wait3A_141 = arith.constant 9472 : i32
      %dma_wait3A_142 = tpu.memref_slice %arg13[%dma_wait3A_141] : memref<9600xi32, #tpu.memory_space<vmem>> -> memref<128xi32, #tpu.memory_space<vmem>>
      %dma_wait3A_143 = arith.constant 0 : i32
      %dma_wait3A_144 = arith.constant 0 : i32
      %dma_wait3A_145 = tpu.memref_slice %arg19[%dma_wait3A_143, %dma_wait3A_144] : memref<1440x128xf32, #tpu.memory_space<vmem_shared>> -> memref<1440x128xf32, #tpu.memory_space<vmem_shared>>
      tpu.wait_indirect_dma semaphore(%arg15 : memref<!tpu.dma_semaphore, #tpu.memory_space<semaphore_mem>>) src(%dma_wait3A_145 : memref<1440x128xf32, #tpu.memory_space<vmem_shared>>) dst(%arg9 : memref<128x128xf32, #tpu.memory_space<vmem>>)
      %parallel_loop3A = arith.constant 0 : i32
      %parallel_loop3A_146 = arith.constant 32 : i32
      %parallel_loop3A_147 = arith.constant 1 : i32
      scf.for %parallel_loop3A_148 = %parallel_loop3A to %parallel_loop3A_146 step %parallel_loop3A_147  : i32 {
        %parallel_loop3A_149 = arith.index_cast %parallel_loop3A_148 : i32 to index
        %parallel_loop3A_150 = arith.constant 0 : index
        %parallel_loop3A_151 = tpu.vector_load %arg7[%parallel_loop3A_149, %parallel_loop3A_150] {strides = array<i32>} : memref<128x128xf32, #tpu.memory_space<vmem>>, vector<1x16xf32>,
        %parallel_loop3A_152 = vector.shape_cast %parallel_loop3A_151 : vector<1x16xf32> to vector<16xf32>
        %parallel_loop3A_153 = arith.index_cast %parallel_loop3A_148 : i32 to index
        %parallel_loop3A_154 = arith.constant 0 : index
        %parallel_loop3A_155 = tpu.vector_load %arg8[%parallel_loop3A_153, %parallel_loop3A_154] {strides = array<i32>} : memref<128x128xf32, #tpu.memory_space<vmem>>, vector<1x16xf32>,
        %parallel_loop3A_156 = vector.shape_cast %parallel_loop3A_155 : vector<1x16xf32> to vector<16xf32>
        %parallel_loop3A_157 = arith.addf %parallel_loop3A_152, %parallel_loop3A_156 : vector<16xf32>
        %parallel_loop3A_158 = arith.index_cast %parallel_loop3A_148 : i32 to index
        %parallel_loop3A_159 = arith.constant 0 : index
        %parallel_loop3A_160 = tpu.vector_load %arg9[%parallel_loop3A_158, %parallel_loop3A_159] {strides = array<i32>} : memref<128x128xf32, #tpu.memory_space<vmem>>, vector<1x16xf32>,
        %parallel_loop3A_161 = vector.shape_cast %parallel_loop3A_160 : vector<1x16xf32> to vector<16xf32>
        %parallel_loop3A_162 = arith.addf %parallel_loop3A_157, %parallel_loop3A_161 : vector<16xf32>
        %parallel_loop3A_163 = arith.index_cast %parallel_loop3A_148 : i32 to index
        %parallel_loop3A_164 = arith.constant 0 : index
        %parallel_loop3A_165 = tpu.vector_load %arg7[%parallel_loop3A_163, %parallel_loop3A_164] {strides = array<i32>} : memref<128x128xf32, #tpu.memory_space<vmem>>, vector<1x16xf32>,
        %parallel_loop3A_166 = vector.shape_cast %parallel_loop3A_165 : vector<1x16xf32> to vector<16xf32>
        %parallel_loop3A_167 = vector.shape_cast %parallel_loop3A_162 : vector<16xf32> to vector<1x16xf32>
        tpu.vector_store %arg7[%parallel_loop3A_163, %parallel_loop3A_164], %parallel_loop3A_167 {strides = array<i32>} : memref<128x128xf32, #tpu.memory_space<vmem>>, vector<1x16xf32>,
        %parallel_loop3A_168 = arith.index_cast %parallel_loop3A_148 : i32 to index
        %parallel_loop3A_169 = arith.constant 16 : index
        %parallel_loop3A_170 = tpu.vector_load %arg7[%parallel_loop3A_168, %parallel_loop3A_169] {strides = array<i32>} : memref<128x128xf32, #tpu.memory_space<vmem>>, vector<1x16xf32>,
        %parallel_loop3A_171 = vector.shape_cast %parallel_loop3A_170 : vector<1x16xf32> to vector<16xf32>
        %parallel_loop3A_172 = arith.index_cast %parallel_loop3A_148 : i32 to index
        %parallel_loop3A_173 = arith.constant 16 : index
        %parallel_loop3A_174 = tpu.vector_load %arg8[%parallel_loop3A_172, %parallel_loop3A_173] {strides = array<i32>} : memref<128x128xf32, #tpu.memory_space<vmem>>, vector<1x16xf32>,
        %parallel_loop3A_175 = vector.shape_cast %parallel_loop3A_174 : vector<1x16xf32> to vector<16xf32>
        %parallel_loop3A_176 = arith.addf %parallel_loop3A_171, %parallel_loop3A_175 : vector<16xf32>
        %parallel_loop3A_177 = arith.index_cast %parallel_loop3A_148 : i32 to index
        %parallel_loop3A_178 = arith.constant 16 : index
        %parallel_loop3A_179 = tpu.vector_load %arg9[%parallel_loop3A_177, %parallel_loop3A_178] {strides = array<i32>} : memref<128x128xf32, #tpu.memory_space<vmem>>, vector<1x16xf32>,
        %parallel_loop3A_180 = vector.shape_cast %parallel_loop3A_179 : vector<1x16xf32> to vector<16xf32>
        %parallel_loop3A_181 = arith.addf %parallel_loop3A_176, %parallel_loop3A_180 : vector<16xf32>
        %parallel_loop3A_182 = arith.index_cast %parallel_loop3A_148 : i32 to index
        %parallel_loop3A_183 = arith.constant 16 : index
        %parallel_loop3A_184 = tpu.vector_load %arg7[%parallel_loop3A_182, %parallel_loop3A_183] {strides = array<i32>} : memref<128x128xf32, #tpu.memory_space<vmem>>, vector<1x16xf32>,
        %parallel_loop3A_185 = vector.shape_cast %parallel_loop3A_184 : vector<1x16xf32> to vector<16xf32>
        %parallel_loop3A_186 = vector.shape_cast %parallel_loop3A_181 : vector<16xf32> to vector<1x16xf32>
        tpu.vector_store %arg7[%parallel_loop3A_182, %parallel_loop3A_183], %parallel_loop3A_186 {strides = array<i32>} : memref<128x128xf32, #tpu.memory_space<vmem>>, vector<1x16xf32>,
        %parallel_loop3A_187 = arith.index_cast %parallel_loop3A_148 : i32 to index
        %parallel_loop3A_188 = arith.constant 32 : index
        %parallel_loop3A_189 = tpu.vector_load %arg7[%parallel_loop3A_187, %parallel_loop3A_188] {strides = array<i32>} : memref<128x128xf32, #tpu.memory_space<vmem>>, vector<1x16xf32>,
        %parallel_loop3A_190 = vector.shape_cast %parallel_loop3A_189 : vector<1x16xf32> to vector<16xf32>
        %parallel_loop3A_191 = arith.index_cast %parallel_loop3A_148 : i32 to index
        %parallel_loop3A_192 = arith.constant 32 : index
        %parallel_loop3A_193 = tpu.vector_load %arg8[%parallel_loop3A_191, %parallel_loop3A_192] {strides = array<i32>} : memref<128x128xf32, #tpu.memory_space<vmem>>, vector<1x16xf32>,
        %parallel_loop3A_194 = vector.shape_cast %parallel_loop3A_193 : vector<1x16xf32> to vector<16xf32>
        %parallel_loop3A_195 = arith.addf %parallel_loop3A_190, %parallel_loop3A_194 : vector<16xf32>
        %parallel_loop3A_196 = arith.index_cast %parallel_loop3A_148 : i32 to index
        %parallel_loop3A_197 = arith.constant 32 : index
        %parallel_loop3A_198 = tpu.vector_load %arg9[%parallel_loop3A_196, %parallel_loop3A_197] {strides = array<i32>} : memref<128x128xf32, #tpu.memory_space<vmem>>, vector<1x16xf32>,
        %parallel_loop3A_199 = vector.shape_cast %parallel_loop3A_198 : vector<1x16xf32> to vector<16xf32>
        %parallel_loop3A_200 = arith.addf %parallel_loop3A_195, %parallel_loop3A_199 : vector<16xf32>
        %parallel_loop3A_201 = arith.index_cast %parallel_loop3A_148 : i32 to index
        %parallel_loop3A_202 = arith.constant 32 : index
        %parallel_loop3A_203 = tpu.vector_load %arg7[%parallel_loop3A_201, %parallel_loop3A_202] {strides = array<i32>} : memref<128x128xf32, #tpu.memory_space<vmem>>, vector<1x16xf32>,
        %parallel_loop3A_204 = vector.shape_cast %parallel_loop3A_203 : vector<1x16xf32> to vector<16xf32>
        %parallel_loop3A_205 = vector.shape_cast %parallel_loop3A_200 : vector<16xf32> to vector<1x16xf32>
        tpu.vector_store %arg7[%parallel_loop3A_201, %parallel_loop3A_202], %parallel_loop3A_205 {strides = array<i32>} : memref<128x128xf32, #tpu.memory_space<vmem>>, vector<1x16xf32>,
        %parallel_loop3A_206 = arith.index_cast %parallel_loop3A_148 : i32 to index
        %parallel_loop3A_207 = arith.constant 48 : index
        %parallel_loop3A_208 = tpu.vector_load %arg7[%parallel_loop3A_206, %parallel_loop3A_207] {strides = array<i32>} : memref<128x128xf32, #tpu.memory_space<vmem>>, vector<1x16xf32>,
        %parallel_loop3A_209 = vector.shape_cast %parallel_loop3A_208 : vector<1x16xf32> to vector<16xf32>
        %parallel_loop3A_210 = arith.index_cast %parallel_loop3A_148 : i32 to index
        %parallel_loop3A_211 = arith.constant 48 : index
        %parallel_loop3A_212 = tpu.vector_load %arg8[%parallel_loop3A_210, %parallel_loop3A_211] {strides = array<i32>} : memref<128x128xf32, #tpu.memory_space<vmem>>, vector<1x16xf32>,
        %parallel_loop3A_213 = vector.shape_cast %parallel_loop3A_212 : vector<1x16xf32> to vector<16xf32>
        %parallel_loop3A_214 = arith.addf %parallel_loop3A_209, %parallel_loop3A_213 : vector<16xf32>
        %parallel_loop3A_215 = arith.index_cast %parallel_loop3A_148 : i32 to index
        %parallel_loop3A_216 = arith.constant 48 : index
        %parallel_loop3A_217 = tpu.vector_load %arg9[%parallel_loop3A_215, %parallel_loop3A_216] {strides = array<i32>} : memref<128x128xf32, #tpu.memory_space<vmem>>, vector<1x16xf32>,
        %parallel_loop3A_218 = vector.shape_cast %parallel_loop3A_217 : vector<1x16xf32> to vector<16xf32>
        %parallel_loop3A_219 = arith.addf %parallel_loop3A_214, %parallel_loop3A_218 : vector<16xf32>
        %parallel_loop3A_220 = arith.index_cast %parallel_loop3A_148 : i32 to index
        %parallel_loop3A_221 = arith.constant 48 : index
        %parallel_loop3A_222 = tpu.vector_load %arg7[%parallel_loop3A_220, %parallel_loop3A_221] {strides = array<i32>} : memref<128x128xf32, #tpu.memory_space<vmem>>, vector<1x16xf32>,
        %parallel_loop3A_223 = vector.shape_cast %parallel_loop3A_222 : vector<1x16xf32> to vector<16xf32>
        %parallel_loop3A_224 = vector.shape_cast %parallel_loop3A_219 : vector<16xf32> to vector<1x16xf32>
        tpu.vector_store %arg7[%parallel_loop3A_220, %parallel_loop3A_221], %parallel_loop3A_224 {strides = array<i32>} : memref<128x128xf32, #tpu.memory_space<vmem>>, vector<1x16xf32>,
        %parallel_loop3A_225 = arith.index_cast %parallel_loop3A_148 : i32 to index
        %parallel_loop3A_226 = arith.constant 64 : index
        %parallel_loop3A_227 = tpu.vector_load %arg7[%parallel_loop3A_225, %parallel_loop3A_226] {strides = array<i32>} : memref<128x128xf32, #tpu.memory_space<vmem>>, vector<1x16xf32>,
        %parallel_loop3A_228 = vector.shape_cast %parallel_loop3A_227 : vector<1x16xf32> to vector<16xf32>
        %parallel_loop3A_229 = arith.index_cast %parallel_loop3A_148 : i32 to index
        %parallel_loop3A_230 = arith.constant 64 : index
        %parallel_loop3A_231 = tpu.vector_load %arg8[%parallel_loop3A_229, %parallel_loop3A_230] {strides = array<i32>} : memref<128x128xf32, #tpu.memory_space<vmem>>, vector<1x16xf32>,
        %parallel_loop3A_232 = vector.shape_cast %parallel_loop3A_231 : vector<1x16xf32> to vector<16xf32>
        %parallel_loop3A_233 = arith.addf %parallel_loop3A_228, %parallel_loop3A_232 : vector<16xf32>
        %parallel_loop3A_234 = arith.index_cast %parallel_loop3A_148 : i32 to index
        %parallel_loop3A_235 = arith.constant 64 : index
        %parallel_loop3A_236 = tpu.vector_load %arg9[%parallel_loop3A_234, %parallel_loop3A_235] {strides = array<i32>} : memref<128x128xf32, #tpu.memory_space<vmem>>, vector<1x16xf32>,
        %parallel_loop3A_237 = vector.shape_cast %parallel_loop3A_236 : vector<1x16xf32> to vector<16xf32>
        %parallel_loop3A_238 = arith.addf %parallel_loop3A_233, %parallel_loop3A_237 : vector<16xf32>
        %parallel_loop3A_239 = arith.index_cast %parallel_loop3A_148 : i32 to index
        %parallel_loop3A_240 = arith.constant 64 : index
        %parallel_loop3A_241 = tpu.vector_load %arg7[%parallel_loop3A_239, %parallel_loop3A_240] {strides = array<i32>} : memref<128x128xf32, #tpu.memory_space<vmem>>, vector<1x16xf32>,
        %parallel_loop3A_242 = vector.shape_cast %parallel_loop3A_241 : vector<1x16xf32> to vector<16xf32>
        %parallel_loop3A_243 = vector.shape_cast %parallel_loop3A_238 : vector<16xf32> to vector<1x16xf32>
        tpu.vector_store %arg7[%parallel_loop3A_239, %parallel_loop3A_240], %parallel_loop3A_243 {strides = array<i32>} : memref<128x128xf32, #tpu.memory_space<vmem>>, vector<1x16xf32>,
        %parallel_loop3A_244 = arith.index_cast %parallel_loop3A_148 : i32 to index
        %parallel_loop3A_245 = arith.constant 80 : index
        %parallel_loop3A_246 = tpu.vector_load %arg7[%parallel_loop3A_244, %parallel_loop3A_245] {strides = array<i32>} : memref<128x128xf32, #tpu.memory_space<vmem>>, vector<1x16xf32>,
        %parallel_loop3A_247 = vector.shape_cast %parallel_loop3A_246 : vector<1x16xf32> to vector<16xf32>
        %parallel_loop3A_248 = arith.index_cast %parallel_loop3A_148 : i32 to index
        %parallel_loop3A_249 = arith.constant 80 : index
        %parallel_loop3A_250 = tpu.vector_load %arg8[%parallel_loop3A_248, %parallel_loop3A_249] {strides = array<i32>} : memref<128x128xf32, #tpu.memory_space<vmem>>, vector<1x16xf32>,
        %parallel_loop3A_251 = vector.shape_cast %parallel_loop3A_250 : vector<1x16xf32> to vector<16xf32>
        %parallel_loop3A_252 = arith.addf %parallel_loop3A_247, %parallel_loop3A_251 : vector<16xf32>
        %parallel_loop3A_253 = arith.index_cast %parallel_loop3A_148 : i32 to index
        %parallel_loop3A_254 = arith.constant 80 : index
        %parallel_loop3A_255 = tpu.vector_load %arg9[%parallel_loop3A_253, %parallel_loop3A_254] {strides = array<i32>} : memref<128x128xf32, #tpu.memory_space<vmem>>, vector<1x16xf32>,
        %parallel_loop3A_256 = vector.shape_cast %parallel_loop3A_255 : vector<1x16xf32> to vector<16xf32>
        %parallel_loop3A_257 = arith.addf %parallel_loop3A_252, %parallel_loop3A_256 : vector<16xf32>
        %parallel_loop3A_258 = arith.index_cast %parallel_loop3A_148 : i32 to index
        %parallel_loop3A_259 = arith.constant 80 : index
        %parallel_loop3A_260 = tpu.vector_load %arg7[%parallel_loop3A_258, %parallel_loop3A_259] {strides = array<i32>} : memref<128x128xf32, #tpu.memory_space<vmem>>, vector<1x16xf32>,
        %parallel_loop3A_261 = vector.shape_cast %parallel_loop3A_260 : vector<1x16xf32> to vector<16xf32>
        %parallel_loop3A_262 = vector.shape_cast %parallel_loop3A_257 : vector<16xf32> to vector<1x16xf32>
        tpu.vector_store %arg7[%parallel_loop3A_258, %parallel_loop3A_259], %parallel_loop3A_262 {strides = array<i32>} : memref<128x128xf32, #tpu.memory_space<vmem>>, vector<1x16xf32>,
        %parallel_loop3A_263 = arith.index_cast %parallel_loop3A_148 : i32 to index
        %parallel_loop3A_264 = arith.constant 96 : index
        %parallel_loop3A_265 = tpu.vector_load %arg7[%parallel_loop3A_263, %parallel_loop3A_264] {strides = array<i32>} : memref<128x128xf32, #tpu.memory_space<vmem>>, vector<1x16xf32>,
        %parallel_loop3A_266 = vector.shape_cast %parallel_loop3A_265 : vector<1x16xf32> to vector<16xf32>
        %parallel_loop3A_267 = arith.index_cast %parallel_loop3A_148 : i32 to index
        %parallel_loop3A_268 = arith.constant 96 : index
        %parallel_loop3A_269 = tpu.vector_load %arg8[%parallel_loop3A_267, %parallel_loop3A_268] {strides = array<i32>} : memref<128x128xf32, #tpu.memory_space<vmem>>, vector<1x16xf32>,
        %parallel_loop3A_270 = vector.shape_cast %parallel_loop3A_269 : vector<1x16xf32> to vector<16xf32>
        %parallel_loop3A_271 = arith.addf %parallel_loop3A_266, %parallel_loop3A_270 : vector<16xf32>
        %parallel_loop3A_272 = arith.index_cast %parallel_loop3A_148 : i32 to index
        %parallel_loop3A_273 = arith.constant 96 : index
        %parallel_loop3A_274 = tpu.vector_load %arg9[%parallel_loop3A_272, %parallel_loop3A_273] {strides = array<i32>} : memref<128x128xf32, #tpu.memory_space<vmem>>, vector<1x16xf32>,
        %parallel_loop3A_275 = vector.shape_cast %parallel_loop3A_274 : vector<1x16xf32> to vector<16xf32>
        %parallel_loop3A_276 = arith.addf %parallel_loop3A_271, %parallel_loop3A_275 : vector<16xf32>
        %parallel_loop3A_277 = arith.index_cast %parallel_loop3A_148 : i32 to index
        %parallel_loop3A_278 = arith.constant 96 : index
        %parallel_loop3A_279 = tpu.vector_load %arg7[%parallel_loop3A_277, %parallel_loop3A_278] {strides = array<i32>} : memref<128x128xf32, #tpu.memory_space<vmem>>, vector<1x16xf32>,
        %parallel_loop3A_280 = vector.shape_cast %parallel_loop3A_279 : vector<1x16xf32> to vector<16xf32>
        %parallel_loop3A_281 = vector.shape_cast %parallel_loop3A_276 : vector<16xf32> to vector<1x16xf32>
        tpu.vector_store %arg7[%parallel_loop3A_277, %parallel_loop3A_278], %parallel_loop3A_281 {strides = array<i32>} : memref<128x128xf32, #tpu.memory_space<vmem>>, vector<1x16xf32>,
        %parallel_loop3A_282 = arith.index_cast %parallel_loop3A_148 : i32 to index
        %parallel_loop3A_283 = arith.constant 112 : index
        %parallel_loop3A_284 = tpu.vector_load %arg7[%parallel_loop3A_282, %parallel_loop3A_283] {strides = array<i32>} : memref<128x128xf32, #tpu.memory_space<vmem>>, vector<1x16xf32>,
        %parallel_loop3A_285 = vector.shape_cast %parallel_loop3A_284 : vector<1x16xf32> to vector<16xf32>
        %parallel_loop3A_286 = arith.index_cast %parallel_loop3A_148 : i32 to index
        %parallel_loop3A_287 = arith.constant 112 : index
        %parallel_loop3A_288 = tpu.vector_load %arg8[%parallel_loop3A_286, %parallel_loop3A_287] {strides = array<i32>} : memref<128x128xf32, #tpu.memory_space<vmem>>, vector<1x16xf32>,
        %parallel_loop3A_289 = vector.shape_cast %parallel_loop3A_288 : vector<1x16xf32> to vector<16xf32>
        %parallel_loop3A_290 = arith.addf %parallel_loop3A_285, %parallel_loop3A_289 : vector<16xf32>
        %parallel_loop3A_291 = arith.index_cast %parallel_loop3A_148 : i32 to index
        %parallel_loop3A_292 = arith.constant 112 : index
        %parallel_loop3A_293 = tpu.vector_load %arg9[%parallel_loop3A_291, %parallel_loop3A_292] {strides = array<i32>} : memref<128x128xf32, #tpu.memory_space<vmem>>, vector<1x16xf32>,
        %parallel_loop3A_294 = vector.shape_cast %parallel_loop3A_293 : vector<1x16xf32> to vector<16xf32>
        %parallel_loop3A_295 = arith.addf %parallel_loop3A_290, %parallel_loop3A_294 : vector<16xf32>
        %parallel_loop3A_296 = arith.index_cast %parallel_loop3A_148 : i32 to index
        %parallel_loop3A_297 = arith.constant 112 : index
        %parallel_loop3A_298 = tpu.vector_load %arg7[%parallel_loop3A_296, %parallel_loop3A_297] {strides = array<i32>} : memref<128x128xf32, #tpu.memory_space<vmem>>, vector<1x16xf32>,
        %parallel_loop3A_299 = vector.shape_cast %parallel_loop3A_298 : vector<1x16xf32> to vector<16xf32>
        %parallel_loop3A_300 = vector.shape_cast %parallel_loop3A_295 : vector<16xf32> to vector<1x16xf32>
        tpu.vector_store %arg7[%parallel_loop3A_296, %parallel_loop3A_297], %parallel_loop3A_300 {strides = array<i32>} : memref<128x128xf32, #tpu.memory_space<vmem>>, vector<1x16xf32>,
      } {sc.loop_unroll_factor = 4 : i64, sc.parallel_access}
      "tpu.region"() ({
        %run_scoped3A = tpu.sem_alloc : memref<!tpu.dma_semaphore, #tpu.memory_space<semaphore_mem>>
        %dma_start3A_148 = arith.constant 0 : i32
        %dma_start3A_149 = arith.constant 0 : i32
        %dma_start3A_150 = tpu.memref_slice %arg7[%dma_start3A_148, %dma_start3A_149] : memref<128x128xf32, #tpu.memory_space<vmem>> -> memref<32x128xf32, #tpu.memory_space<vmem>>
        %dma_start3A_151 = arith.constant 99968 : i32
        %dma_start3A_152 = arith.constant 0 : i32
        %dma_start3A_153 = tpu.memref_slice %arg6[%dma_start3A_151, %dma_start3A_152] : memref<100000x128xf32, #tpu.memory_space<hbm>> -> memref<32x128xf32, #tpu.memory_space<hbm>>
        %dma_start3A_154 = arith.constant 99968 : i32
        %dma_start3A_155 = arith.constant 0 : i32
        %dma_start3A_156 = tpu.memref_slice %arg6[%dma_start3A_154, %dma_start3A_155] : memref<100000x128xf32, #tpu.memory_space<hbm>> -> memref<32x128xf32, #tpu.memory_space<hbm>>
        %dma_start3A_157 = arith.constant 0 : i32
        %dma_start3A_158 = arith.constant 0 : i32
        %dma_start3A_159 = tpu.memref_slice %arg7[%dma_start3A_157, %dma_start3A_158] : memref<128x128xf32, #tpu.memory_space<vmem>> -> memref<32x128xf32, #tpu.memory_space<vmem>>
        tpu.enqueue_dma source(%dma_start3A_159 : memref<32x128xf32, #tpu.memory_space<vmem>>) target(%dma_start3A_156 : memref<32x128xf32, #tpu.memory_space<hbm>>) target_semaphore(%run_scoped3A : memref<!tpu.dma_semaphore, #tpu.memory_space<semaphore_mem>>)
        %dma_wait3A_160 = arith.constant 0 : i32
        %dma_wait3A_161 = arith.constant 0 : i32
        %dma_wait3A_162 = tpu.memref_slice %arg7[%dma_wait3A_160, %dma_wait3A_161] : memref<128x128xf32, #tpu.memory_space<vmem>> -> memref<32x128xf32, #tpu.memory_space<vmem>>
        %dma_wait3A_163 = arith.constant 99968 : i32
        %dma_wait3A_164 = arith.constant 0 : i32
        %dma_wait3A_165 = tpu.memref_slice %arg6[%dma_wait3A_163, %dma_wait3A_164] : memref<100000x128xf32, #tpu.memory_space<hbm>> -> memref<32x128xf32, #tpu.memory_space<hbm>>
        %dma_wait3A_166 = arith.constant 99968 : i32
        %dma_wait3A_167 = arith.constant 0 : i32
        %dma_wait3A_168 = tpu.memref_slice %arg6[%dma_wait3A_166, %dma_wait3A_167] : memref<100000x128xf32, #tpu.memory_space<hbm>> -> memref<32x128xf32, #tpu.memory_space<hbm>>
        %dma_wait3A_169 = arith.constant 0 : i32
        %dma_wait3A_170 = arith.constant 0 : i32
        %dma_wait3A_171 = tpu.memref_slice %arg7[%dma_wait3A_169, %dma_wait3A_170] : memref<128x128xf32, #tpu.memory_space<vmem>> -> memref<32x128xf32, #tpu.memory_space<vmem>>
        tpu.wait_dma2 semaphore(%run_scoped3A : memref<!tpu.dma_semaphore, #tpu.memory_space<semaphore_mem>>) src(%dma_wait3A_171 : memref<32x128xf32, #tpu.memory_space<vmem>>) dst(%dma_wait3A_168 : memref<32x128xf32, #tpu.memory_space<hbm>>)
        tpu.yield
      }) : () -> ()
    } else {
    }
    return
  }
}

module attributes {stable_mosaic.version = 14 : i64} {
  func.func @_prep_body(%arg0: memref<782x1152xi32, #tpu.memory_space<vmem>>, %arg1: memref<1152x384xf32, #tpu.memory_space<vmem>>, %arg2: memref<4x128xf32, #tpu.memory_space<vmem>>, %arg3: memref<12x128xf32, #tpu.memory_space<vmem>>, %arg4: memref<12x128xf32, #tpu.memory_space<vmem>>, %arg5: memref<10x128xf32, #tpu.memory_space<vmem>>, %arg6: memref<6x128xf32, #tpu.memory_space<vmem>>, %arg7: memref<6x128xf32, #tpu.memory_space<vmem>>, %arg8: memref<2x128xf32, #tpu.memory_space<vmem>>, %arg9: memref<2x128xf32, #tpu.memory_space<vmem>>, %arg10: memref<576x128xf32, #tpu.memory_space<vmem>>, %arg11: memref<1440x128xf32, #tpu.memory_space<vmem>>, %arg12: memref<782x384xi32, #tpu.memory_space<vmem>>) attributes {dimension_semantics = [], scalar_prefetch = 0 : i64, scratch_operands = 0 : i64, tpu.core_type = #tpu.core_type<tc>} {
    %get3A = arith.constant 0 : index
    %get3A_0 = arith.constant 0 : index
    %get3A_1 = vector.load %arg2[%get3A, %get3A_0] : memref<4x128xf32, #tpu.memory_space<vmem>>, vector<4x128xf32>
    %broadcast_in_dim3A = vector.shape_cast %get3A_1 : vector<4x128xf32> to vector<4x1x128xf32>
    %get3A_2 = arith.constant 0 : index
    %get3A_3 = arith.constant 0 : index
    %get3A_4 = vector.load %arg3[%get3A_2, %get3A_3] : memref<12x128xf32, #tpu.memory_space<vmem>>, vector<12x128xf32>
    %broadcast_in_dim3A_5 = vector.shape_cast %get3A_4 : vector<12x128xf32> to vector<1x12x128xf32>
    %add3A = vector.broadcast %broadcast_in_dim3A : vector<4x1x128xf32> to vector<4x12x128xf32>
    %add3A_6 = vector.broadcast %broadcast_in_dim3A_5 : vector<1x12x128xf32> to vector<4x12x128xf32>
    %add3A_7 = arith.addf %add3A, %add3A_6 : vector<4x12x128xf32>
    %reshape3A = vector.shape_cast %add3A_7 : vector<4x12x128xf32> to vector<48x128xf32>
    %broadcast_in_dim3A_8 = vector.shape_cast %reshape3A : vector<48x128xf32> to vector<48x1x128xf32>
    %get3A_9 = arith.constant 0 : index
    %get3A_10 = arith.constant 0 : index
    %get3A_11 = vector.load %arg4[%get3A_9, %get3A_10] : memref<12x128xf32, #tpu.memory_space<vmem>>, vector<12x128xf32>
    %broadcast_in_dim3A_12 = vector.shape_cast %get3A_11 : vector<12x128xf32> to vector<1x12x128xf32>
    %add3A_13 = vector.broadcast %broadcast_in_dim3A_8 : vector<48x1x128xf32> to vector<48x12x128xf32>
    %add3A_14 = vector.broadcast %broadcast_in_dim3A_12 : vector<1x12x128xf32> to vector<48x12x128xf32>
    %add3A_15 = arith.addf %add3A_13, %add3A_14 : vector<48x12x128xf32>
    %reshape3A_16 = vector.shape_cast %add3A_15 : vector<48x12x128xf32> to vector<576x128xf32>
    %swap3A = arith.constant 0 : index
    %swap3A_17 = arith.constant 0 : index
    %swap3A_18 = vector.load %arg10[%swap3A, %swap3A_17] : memref<576x128xf32, #tpu.memory_space<vmem>>, vector<576x128xf32>
    tpu.vector_store %arg10[%swap3A, %swap3A_17], %reshape3A_16 {strides = array<i32>} : memref<576x128xf32, #tpu.memory_space<vmem>>, vector<576x128xf32>,
    %get3A_19 = arith.constant 0 : index
    %get3A_20 = arith.constant 0 : index
    %get3A_21 = vector.load %arg5[%get3A_19, %get3A_20] : memref<10x128xf32, #tpu.memory_space<vmem>>, vector<10x128xf32>
    %broadcast_in_dim3A_22 = vector.shape_cast %get3A_21 : vector<10x128xf32> to vector<10x1x128xf32>
    %get3A_23 = arith.constant 0 : index
    %get3A_24 = arith.constant 0 : index
    %get3A_25 = vector.load %arg6[%get3A_23, %get3A_24] : memref<6x128xf32, #tpu.memory_space<vmem>>, vector<6x128xf32>
    %broadcast_in_dim3A_26 = vector.shape_cast %get3A_25 : vector<6x128xf32> to vector<1x6x128xf32>
    %add3A_27 = vector.broadcast %broadcast_in_dim3A_22 : vector<10x1x128xf32> to vector<10x6x128xf32>
    %add3A_28 = vector.broadcast %broadcast_in_dim3A_26 : vector<1x6x128xf32> to vector<10x6x128xf32>
    %add3A_29 = arith.addf %add3A_27, %add3A_28 : vector<10x6x128xf32>
    %reshape3A_30 = vector.shape_cast %add3A_29 : vector<10x6x128xf32> to vector<60x128xf32>
    %broadcast_in_dim3A_31 = vector.shape_cast %reshape3A_30 : vector<60x128xf32> to vector<60x1x128xf32>
    %get3A_32 = arith.constant 0 : index
    %get3A_33 = arith.constant 0 : index
    %get3A_34 = vector.load %arg7[%get3A_32, %get3A_33] : memref<6x128xf32, #tpu.memory_space<vmem>>, vector<6x128xf32>
    %broadcast_in_dim3A_35 = vector.shape_cast %get3A_34 : vector<6x128xf32> to vector<1x6x128xf32>
    %add3A_36 = vector.broadcast %broadcast_in_dim3A_31 : vector<60x1x128xf32> to vector<60x6x128xf32>
    %add3A_37 = vector.broadcast %broadcast_in_dim3A_35 : vector<1x6x128xf32> to vector<60x6x128xf32>
    %add3A_38 = arith.addf %add3A_36, %add3A_37 : vector<60x6x128xf32>
    %reshape3A_39 = vector.shape_cast %add3A_38 : vector<60x6x128xf32> to vector<360x128xf32>
    %broadcast_in_dim3A_40 = vector.shape_cast %reshape3A_39 : vector<360x128xf32> to vector<360x1x128xf32>
    %get3A_41 = arith.constant 0 : index
    %get3A_42 = arith.constant 0 : index
    %get3A_43 = vector.load %arg8[%get3A_41, %get3A_42] : memref<2x128xf32, #tpu.memory_space<vmem>>, vector<2x128xf32>
    %broadcast_in_dim3A_44 = vector.shape_cast %get3A_43 : vector<2x128xf32> to vector<1x2x128xf32>
    %add3A_45 = vector.broadcast %broadcast_in_dim3A_40 : vector<360x1x128xf32> to vector<360x2x128xf32>
    %add3A_46 = vector.broadcast %broadcast_in_dim3A_44 : vector<1x2x128xf32> to vector<360x2x128xf32>
    %add3A_47 = arith.addf %add3A_45, %add3A_46 : vector<360x2x128xf32>
    %reshape3A_48 = vector.shape_cast %add3A_47 : vector<360x2x128xf32> to vector<720x128xf32>
    %broadcast_in_dim3A_49 = vector.shape_cast %reshape3A_48 : vector<720x128xf32> to vector<720x1x128xf32>
    %get3A_50 = arith.constant 0 : index
    %get3A_51 = arith.constant 0 : index
    %get3A_52 = vector.load %arg9[%get3A_50, %get3A_51] : memref<2x128xf32, #tpu.memory_space<vmem>>, vector<2x128xf32>
    %broadcast_in_dim3A_53 = vector.shape_cast %get3A_52 : vector<2x128xf32> to vector<1x2x128xf32>
    %add3A_54 = vector.broadcast %broadcast_in_dim3A_49 : vector<720x1x128xf32> to vector<720x2x128xf32>
    %add3A_55 = vector.broadcast %broadcast_in_dim3A_53 : vector<1x2x128xf32> to vector<720x2x128xf32>
    %add3A_56 = arith.addf %add3A_54, %add3A_55 : vector<720x2x128xf32>
    %reshape3A_57 = vector.shape_cast %add3A_56 : vector<720x2x128xf32> to vector<1440x128xf32>
    %swap3A_58 = arith.constant 0 : index
    %swap3A_59 = arith.constant 0 : index
    %swap3A_60 = vector.load %arg11[%swap3A_58, %swap3A_59] : memref<1440x128xf32, #tpu.memory_space<vmem>>, vector<1440x128xf32>
    tpu.vector_store %arg11[%swap3A_58, %swap3A_59], %reshape3A_57 {strides = array<i32>} : memref<1440x128xf32, #tpu.memory_space<vmem>>, vector<1440x128xf32>,
    %get3A_61 = arith.constant 0 : index
    %get3A_62 = arith.constant 0 : index
    %get3A_63 = vector.load %arg0[%get3A_61, %get3A_62] : memref<782x1152xi32, #tpu.memory_space<vmem>>, vector<782x1152xi32>
    %convert_element_type3A = arith.sitofp %get3A_63 : vector<782x1152xi32> to vector<782x1152xf32>
    %get3A_64 = arith.constant 0 : index
    %get3A_65 = arith.constant 0 : index
    %get3A_66 = vector.load %arg1[%get3A_64, %get3A_65] : memref<1152x384xf32, #tpu.memory_space<vmem>>, vector<1152x384xf32>
    %dot_general3A = arith.constant dense<0.000000e+00> : vector<782x384xf32>
    %dot_general3A_67 = tpu.matmul %convert_element_type3A, %get3A_66, %dot_general3A {dimension_numbers = #tpu.dot_dimension_numbers<[1], [0], [0], [1], [0, 0, 1, 1], [], []>, transpose_lhs_hint = false} : vector<782x1152xf32>, vector<1152x384xf32>, vector<782x384xf32> -> vector<782x384xf32>
    %convert_element_type3A_68 = arith.fptosi %dot_general3A_67 : vector<782x384xf32> to vector<782x384xi32>
    %swap3A_69 = arith.constant 0 : index
    %swap3A_70 = arith.constant 0 : index
    %swap3A_71 = vector.load %arg12[%swap3A_69, %swap3A_70] : memref<782x384xi32, #tpu.memory_space<vmem>>, vector<782x384xi32>
    tpu.vector_store %arg12[%swap3A_69, %swap3A_70], %convert_element_type3A_68 {strides = array<i32>} : memref<782x384xi32, #tpu.memory_space<vmem>>, vector<782x384xi32>,
    return
  }
}

</mosaic_0001>

<sc_bundles>
// kernel: kernel.4.cloned.1.call-start
scs
__scs_entry_jumppad:
0x0: {  	(pc) =	sbr.rel $0x88, $3  }
0x1: {  	(tag) =	ssettag $0x0;
	lr =	simm.s32 $0x1  }
0x2: {  	[smem:$0x3F97] =	sst lr;
	_ =	strace $0xD0000000  }
0x3: {  	_ = 	snop  }
0x4: {  	_ = 	snop  }
0x5: {  	_ = 	snop  }
0x6: {  	_ = 	snop  }
0x7: {  	_ = 	snop  }
__scs_overlays_trampoline_lowered:
0x8: {  	[smem:$0x3FA6] =	sst s0  }
0x9: {  	[smem:$0x3FA7] =	sst s1  }
0xa: {  	[smem:$0x3FA8] =	sst s2  }
0xb: {  	[smem:$0x3FA9] =	sst s3  }
0xc: {  	[smem:$0x3FAA] =	sst s4  }
0xd: {  	[smem:$0x3FAB] =	sst s5  }
0xe: {  	[smem:$0x3FAC] =	sst s6  }
0xf: {  	[smem:$0x3FAD] =	sst s7  }
0x10: {  	[smem:$0x3FAE] =	sst s8  }
0x11: {  	[smem:$0x3FAF] =	sst s9;
	s0 =	simm.s32 @!p0 $0x0  }
0x12: {  	s1 =	sld [smem:$0x3F95];
	s0 =	simm.s32 @p0 $0x1  }
0x13: {  	[smem:$0x3FB0] =	sst s0;
	s0 =	simm.s32 @!p1 $0x0  }
0x14: {  	s2 =	sld [smem:$0x3F94];
	s0 =	simm.s32 @p1 $0x1  }
0x15: {  	[smem:$0x3FB1] =	sst s0;
	s0 =	simm.s32 @!p2 $0x0  }
0x16: {  	s3 =	sld [smem:$0x3FDB];
	s0 =	simm.s32 @p2 $0x1  }
0x17: {  	s4 =	simm.s32 $0x1BF5;
	[smem:$0x3FB3] =	sst s0  }
0x18: {  	s0 =	sld [smem:$0x3F96];
	_ =	swait.ge [sflag:s4], $0x0  }
0x19: {  	s7 =	sld [smem:$0x3F97]  }
0x1a: {  	s8 =	sadd.s32 $0xFFFFE003, lr  }
0x1b: {  	s9 =	sadd.s32 $0xFFFFFEF7, lr;
	s5 =	simm.s32 $0xFFFFFFFF;
	p2 =	slt.u32 s8, $0xFFFFF086  }
0x1c: {  	p1 =	slt.u32 s9, $0xF7A;
	s5 =	simm.s32 @!p2 $0x0  }
0x1d: {  	s5 =	simm.s32 @p1 $0x1;
	p0 =	seq.s32 s7, s2  }
0x1e: {  	s7 =	smul.u32 @!p0 $0xF7A, s2;
	p2 =	seq.s32 @!p0 s5, $0x0  }
0x1f: {  	s9 =	smul.u32 $0xF7A, s1;
	s8 =	simm.s32 @!p0 $0x1BF5;
	p2 =	por !p2, p0  }
0x20: {  	[sflag:s8] =	ssyncset.s32 @!p0 $0xFFFFF086;
	s6 =	sadd.s32 @!p0 s3, s7;
	s7 =	simm.s32 @!p0 $0x108  }
0x21: {  	s3 =	sadd.s32 s3, s9;
	s6 =	sadd.s32 @!p0 $0x88, s6;
	s7 =	simm.s32 @p2 $0x1082  }
0x22: {  	[simem:s7], [sflag:s8] =	dma.local @!p0 [hbm:s6], $0xF7A  }
0x23: {  	s9 =	sor.u32 $0xD0000000, s2;
	s6 =	simm.s32 $0x108;
	_ =	swait.ge @!p0 [sflag:s8], $0x0  }
0x24: {  	s3 =	sadd.s32 $0x88, s3;
	s6 =	simm.s32 @!p1 $0x1082;
	[sflag:s4] =	ssyncset.s32 $0xFFFFF086  }
0x25: {  	[simem:s6], [sflag:s4] =	dma.local [hbm:s3], $0xF7A  }
0x26: {  	[smem:$0x3F97] =	sst s1;
	(tag) =	ssettag s2;
	_ =	strace s9  }
0x27: {  	s1 =	sld [smem:$0x3FA7]  }
0x28: {  	s2 =	sld [smem:$0x3FA8]  }
0x29: {  	s4 =	sld [smem:$0x3FAA]  }
0x2a: {  	p0 =	seq.s32 s5, $0x0;
	s5 =	sld [smem:$0x3FAB]  }
0x2b: {  	s6 =	sld [smem:$0x3FAC]  }
0x2c: {  	s7 =	sld [smem:$0x3FAD]  }
0x2d: {  	s3 =	simm.s32 $0x108;
	s8 =	sld [smem:$0x3FAE]  }
0x2e: {  	s3 =	simm.s32 @!p0 $0x1082;
	s9 =	sld [smem:$0x3FAF]  }
0x2f: {  	lr =	sadd.s32 s0, s3;
	s0 =	sld [smem:$0x3FA6]  }
0x30: {  	s3 =	sld [smem:$0x3FA9]  }
0x31: {  	[smem:$0x3FB2] =	sst s10  }
0x32: {  	s10 =	sld [smem:$0x3FB0];
	_ =	sdelay $0x3  }
0x33: {  	p0 =	seq.s32 s10, $0x1;
	s10 =	sld [smem:$0x3FB2];
	_ =	sdelay $0x3  }
0x34: {  	[smem:$0x3FB2] =	sst s10  }
0x35: {  	s10 =	sld [smem:$0x3FB1];
	_ =	sdelay $0x3  }
0x36: {  	p1 =	seq.s32 s10, $0x1;
	s10 =	sld [smem:$0x3FB2];
	_ =	sdelay $0x3  }
0x37: {  	[smem:$0x3FB2] =	sst s10  }
0x38: {  	s10 =	sld [smem:$0x3FB3]  }
0x39: {  	_ = 	snop;
	(pc) =	sbr.ind lr, $3  }
0x3a: {  	_ = 	snop  }
0x3b: {  	_ = 	snop  }
0x3c: {  	p2 =	seq.s32 s10, $0x1;
	s10 =	sld [smem:$0x3FB2]  }
0x3d: {  	_ =	shalt  }
0x3e: {  	_ =	shalt  }
0x3f: {  	_ =	shalt  }
0x40: {  	_ =	shalt  }
0x41: {  	_ =	shalt  }
0x42: {  	_ =	shalt  }
0x43: {  	_ =	shalt  }
0x44: {  	_ =	shalt  }
0x45: {  	_ =	shalt  }
0x46: {  	_ =	shalt  }
0x47: {  	_ =	shalt  }
0x48: {  	_ =	shalt  }
0x49: {  	_ =	shalt  }
0x4a: {  	_ =	shalt  }
0x4b: {  	_ =	shalt  }
0x4c: {  	_ =	shalt  }
0x4d: {  	_ =	shalt  }
0x4e: {  	_ =	shalt  }
0x4f: {  	_ =	shalt  }
0x50: {  	_ =	shalt  }
0x51: {  	_ =	shalt  }
0x52: {  	_ =	shalt  }
0x53: {  	_ =	shalt  }
0x54: {  	_ =	shalt  }
0x55: {  	_ =	shalt  }
0x56: {  	_ =	shalt  }
0x57: {  	_ =	shalt  }
0x58: {  	_ =	shalt  }
0x59: {  	_ =	shalt  }
0x5a: {  	_ =	shalt  }
0x5b: {  	_ =	shalt  }
0x5c: {  	_ =	shalt  }
0x5d: {  	_ =	shalt  }
0x5e: {  	_ =	shalt  }
0x5f: {  	_ =	shalt  }
0x60: {  	_ =	shalt  }
0x61: {  	_ =	shalt  }
0x62: {  	_ =	shalt  }
0x63: {  	_ =	shalt  }
0x64: {  	_ =	shalt  }
0x65: {  	_ =	shalt  }
0x66: {  	_ =	shalt  }
0x67: {  	_ =	shalt  }
0x68: {  	_ =	shalt  }
0x69: {  	_ =	shalt  }
0x6a: {  	_ =	shalt  }
0x6b: {  	_ =	shalt  }
0x6c: {  	_ =	shalt  }
0x6d: {  	_ =	shalt  }
0x6e: {  	_ =	shalt  }
0x6f: {  	_ =	shalt  }
0x70: {  	_ =	shalt  }
0x71: {  	_ =	shalt  }
0x72: {  	_ =	shalt  }
0x73: {  	_ =	shalt  }
0x74: {  	_ =	shalt  }
0x75: {  	_ =	shalt  }
0x76: {  	_ =	shalt  }
0x77: {  	_ =	shalt  }
0x78: {  	_ =	shalt  }
0x79: {  	_ =	shalt  }
0x7a: {  	_ =	shalt  }
0x7b: {  	_ =	shalt  }
0x7c: {  	_ =	shalt  }
0x7d: {  	_ =	shalt  }
0x7e: {  	_ =	shalt  }
0x7f: {  	_ =	shalt  }
0x80: {  	_ =	shalt  }
0x81: {  	_ =	shalt  }
0x82: {  	_ =	shalt  }
0x83: {  	_ =	shalt  }
0x84: {  	_ =	shalt  }
0x85: {  	_ =	shalt  }
0x86: {  	_ =	shalt  }
0x87: {  	_ =	shalt  }
.Lfunc_end0:
.L_simem_size_0:
called_computation_lowered:
.L_overlay_start_0:
0x88: {  	s2 =	sld [smem:$0x3FD9]  }
0x89: {  	s3 =	sld [smem:$0x3FFE];
	_ =	sdelay $0x1  }
0x8a: {  	s1 =	srdreg.scid  }
0x8b: {  	s0 =	sand.u32 $0x1, s1  }
0x8c: {  	s17 =	sshll.u32 s0, $0xA;
	s2 =	sadd.s32 s3, s2  }
0x8d: {  	s2 =	sadd.s32 s2, s17  }
0x8e: {  	[smem:$0x3FBE] =	sst s2  }
0x8f: {  	_ = 	snop  }
0x90: {  	s2 =	sld [smem:$0x3FC8]  }
0x91: {  	s18 =	sld [smem:$0x3FD0];
	(tm) =	ssettm $0x1  }
0x92: {  	s4 =	sld [smem:$0x3FFB];
	_ =	sdelay $0x3  }
0x93: {  	_ =	strace s4  }
0x94: {  	s4 =	sld [smem:$0x3FFC];
	_ =	sdelay $0x3  }
0x95: {  	_ =	strace s4  }
0x96: {  	s4 =	sld [smem:$0x3FFD];
	_ =	sdelay $0x3  }
0x97: {  	_ =	strace s4  }
0x98: {  	_ =	strace $0x8FFFFFFF  }
0x99: {  	s19 =	sld [smem:$0x3FDB];
	_ =	sdelay $0x1  }
0x9a: {  	s5 =	simm.s32 $_scs_section_size  }
0x9b: {  	s6 =	simm.s32 $_size__tile_overlayer_lowered;
	s7 =	simm.s32 $_tile_overlayer_lowered  }
0x9c: {  	s22 =	simm.s32 $0x1BFF;
	s21 =	sshll.u32 s7, $0x1;
	s4 =	sadd.s32 s5, s19  }
0x9d: {  	s8 =	simm.s32 $0x0;
	s20 =	sshll.u32 s6, $0x1;
	s6 =	sadd.s32 s21, s4  }
0x9e: {  	[timem:s8], [sflag:s22] =	dma.local [hbm:s6], s20  }
0x9f: {  	_ =	swait.ge [sflag:s22], s20  }
0xa0: {  	s5 =	ssub.s32 $0x0, s20;
	[sflag:s22] =	ssyncset.done $0x0  }
0xa1: {  	[sflag:s22] =	ssyncadd.s32 s5;
	_ =	sdelay $0x1  }
0xa2: {  	s23 =	simm.s32 $0x1B8B  }
0xa3: {  	_ =	swait.ge [sflag:s23], $0x1  }
0xa4: {  	[sflag:s23] =	ssyncset.done $0x0  }
0xa5: {  	s25 =	simm.s32 $0x1B8E;
	s24 =	sld [smem:$0x3FFE];
	[sflag:s23] =	ssyncadd.s32 $0xFFFFFFFF  }
0xa6: {  	s26 =	simm.s32 $execute0_lowered;
	[smem:$0x3FD2] =	sst s25  }
0xa7: {  	s6 =	sshll.u32 s26, $0x1;
	_ =	strace $0x80000046;
	[dreg:$0x1] =	wrdreg $0xFFFFFFFF  }
0xa8: {  	s28 =	simm.s32 $_size_execute0_lowered;
	s4 =	sadd.s32 s4, s6;
	[dreg:$0x0] =	wrdreg $0x0  }
0xa9: {  	s6 =	sshll.u32 s28, $0x1;
	[dreg:$0x2] =	wrdreg s4  }
0xaa: {  	[dreg:$0x3] =	wrdreg s6  }
0xab: {  	[dreg:$0x4] =	wrdreg $0xC0  }
0xac: {  	_ =	task [dreg:s8], $0x5FFFF  }
0xad: {  	[dreg:$0x1] =	wrdreg $0xFFFFFFFF  }
0xae: {  	[dreg:$0x0] =	wrdreg $0x60  }
0xaf: {  	[dreg:$0x2] =	wrdreg s24  }
0xb0: {  	[dreg:$0x3] =	wrdreg s2  }
0xb1: {  	[dreg:$0x4] =	wrdreg s18  }
0xb2: {  	[dreg:$0x5] =	wrdreg $0x1A5800  }
0xb3: {  	[dreg:$0x6] =	wrdreg $0x1A9380  }
0xb4: {  	[dreg:$0x7] =	wrdreg $0x1BB380  }
0xb5: {  	[dreg:$0x8] =	wrdreg $0x9  }
0xb6: {  	_ =	task.clear_ibuf [dreg:s8], $0x9FFFF;
	_ =	strace $0x90000046  }
0xb7: {  	s29 =	simm.s32 $0x9;
	_ =	strace $0x80000048  }
0xb8: {  	_ =	swait.ge [sflag:s29], $0x1  }
0xb9: {  	[sflag:s29] =	ssyncadd.s32 $0xFFFFFFFF  }
0xba: {  	_ =	strace $0x90000048  }
0xbb: {  	_ =	sfence  }
0xbc: {  	s30 =	sld [smem:$0x0];
	_ =	sdelay $0x2  }
0xbd: {  	s31 =	sshll.u32 s1, $0xD;
	s1 =	sshrl.u32 s1, $0x2  }
0xbe: {  	s3 =	sand.u32 $0x4000, s31;
	s1 =	sadd.s32 s1, s30  }
0xbf: {  	s0 =	sor.u32 s3, s0;
	s1 =	sshll.u32 s1, $0x11  }
0xc0: {  	s0 =	sor.u32 s1, s0  }
0xc1: {  	s0 =	sadd.s32 $0x8F2B, s0  }
0xc2: {  	[sflag:s0] =	ssyncadd.remote.s32 $0x1  }
0xc3: {  	_ =	sfence.sel $0xFFFF  }
0xc4: {  	[dreg:$0x0] =	wrdreg $0xFFFFFFFF;
	(pc) =	sbr.abs _section_cstart, $3  }
0xc5: {  	[dreg:$0x1] =	wrdreg $0xFFFFFFFF  }
0xc6: {  	_ =	task.clear_ibuf [dreg:s8], $0x2FFFF;
	_ =	strace $0x9FFFFFFF  }
0xc7: {  	(tm) =	ssettm $0x7FFFFFFF  }
tec
execute0_lowered:
.L_overlay_start_1:
0x0: {  	(tag) =	ssettag $0x1  }
0x1: {  	s0 =	rddreg [dreg:$0x0]  }
0x2: {  	s2 =	rddreg [dreg:$0x2]  }
0x3: {  	s3 =	rddreg [dreg:$0x3]  }
0x4: {  	s4 =	rddreg [dreg:$0x4]  }
0x5: {  	s5 =	rddreg [dreg:$0x5]  }
0x6: {  	s6 =	simm.s32 $0x0;
	s1 =	srdreg.scid;
	s8 =	stileid.u32  }
0x7: {  	s20 =	simm.s32 $0x1;
	s21 =	simm.s32 $0x80;
	s28 =	simm.s32 $0x2  }
0x8: {  	s29 =	simm.s32 $0x3;
	s30 =	simm.s32 $0xC000;
	s31 =	simm.s32 $0x4  }
0x9: {  	[smem:$0x7FF] =	sst s6;
	s7 =	sadd.s32 $0x9A00, s0;
	s1 =	sand.u32 $0x1, s1  }
0xa: {  	s9 =	sshll.u32 s8, $0x1;
	s10 =	sadd.s32 $0x7600, s0;
	s11 =	sadd.s32 $0x1C00, s0  }
0xb: {  	s24 =	smul.u32 $0x300, s8;
	_ =	strace $0x80000047;
	[dreg:$0x7] =	wrdreg s10  }
0xc: {  	s0 =	sadd.s32 $0x12C70, s0;
	s25 =	sadd.s32 $0x186800, s2;
	[dreg:$0x8] =	wrdreg s11  }
0xd: {  	p0 =	sne.s32 s8, $0x0;
	s22 =	ssub.s32 $0x2, s1;
	[dreg:$0x9] =	wrdreg s0  }
0xe: {  	s9 =	sor.u32 s1, s9;
	s1 =	smul.u32 $0x180, s1;
	[dreg:$0xa] =	wrdreg s25  }
0xf: {  	s0 =	sshrl.u32 @!p0 s3, $0x3;
	s19 =	sshrl.u32 @!p0 s5, $0x3;
	s25 =	simm.s32 $0x0  }
0x10: {  	s23 =	sshrl.u32 s22, $0x1;
	s12 =	ssub.s32 $0x32C, s9;
	s11 =	sshll.u32 s9, $0xE  }
.Ltmp0:
0x11: {  	[dreg:$0xc] =	wrdreg s0;
	s0 =	sshrl.u32 @!p0 s4, $0x3;
	(pc) =	sbr.rel .LBB2_1-.Ltmp0, $4  }
0x12: {  	p1 =	sne.s32 s9, $0xD;
	s13 =	ssub.s32 s22, s23;
	s10 =	sshrl.u32 s12, $0x5  }
0x13: {  	s16 =	sadd.s32 s1, s24;
	[dreg:$0xd] =	wrdreg s0;
	s0 =	simm.s32 $0x5  }
0x14: {  	s23 =	simm.s32 $0x6;
	s14 =	sadd.s32 $0x1, s10;
	s26 =	smax.u32 s13, $0x1  }
0x15: {  	s13 =	simm.s32 $0x18000;
	s14 =	sshrl.u32 s14, $0x1;
	[dreg:$0xb] =	wrdreg s26  }
.LBB2_19:
0x16: {  	s25 =	sadd.s32 $0x1, s25;
	s1 =	rddreg [dreg:$0xb]  }
0x17: {  	p2 =	sne.s32 s25, s1  }
.Ltmp1:
0x18: {  	_ = 	snop;
	(pc) =	sbr.rel @!p2 .LBB2_20-.Ltmp1, $2  }
0x19: {  	_ =	sdelay $0x2  }
0x1a: {  	s13 =	simm.s32 $0x18000  }
.LBB2_1:
0x1b: {  	s8 =	rddreg [dreg:$0x1]  }
0x1c: {  	s1 =	simm.s32 @!p0 $0x1C06;
	s9 =	rddreg [dreg:$0xc]  }
0x1d: {  	[spmem:s9], [sflag:s1] =	dma.local @!p0 [hbm:s8], $0x770  }
0x1e: {  	s8 =	simm.s32 @!p0 $0x6  }
0x1f: {  	_ =	swait.ge @!p0 [sflag:s8], $0x770  }
0x20: {  	[sflag:s8] =	ssyncset.done @!p0 $0x0;
	s9 =	rddreg [dreg:$0x7]  }
0x21: {  	s12 =	rddreg [dreg:$0xd];
	[sflag:s8] =	ssyncadd.s32 @!p0 $0xFFFFF890  }
0x22: {  	[spmem:s12], [sflag:s1] =	dma.local @!p0 [hbm:s9], $0x2400  }
0x23: {  	_ =	swait.ge @!p0 [sflag:s8], $0x2400  }
0x24: {  	[sflag:s8] =	ssyncset.done @!p0 $0x0  }
0x25: {  	s9 =	rddreg [dreg:$0x8];
	[sflag:s8] =	ssyncadd.s32 @!p0 $0xFFFFDC00  }
0x26: {  	[spmem:s19], [sflag:s1] =	dma.local @!p0 [hbm:s9], $0x5A00  }
0x27: {  	p2 =	sne.s32 s10, $0x1;
	_ =	swait.ge @!p0 [sflag:s8], $0x5A00  }
.Ltmp2:
0x28: {  	[sflag:s8] =	ssyncset.done @!p0 $0x0;
	(pc) =	sbr.rel @!p2 .LBB2_3-.Ltmp2, $4  }
0x29: {  	s26 =	sshrl.u32 s16, $0x3;
	[sflag:s8] =	ssyncadd.s32 @!p0 $0xFFFFA600  }
0x2a: {  	s1 =	sadd.s32 s7, s26;
	[bflag:$0x0] =	sbarrier.arrive $0xFFFF  }
0x2b: {  	[tilespmem:s13], [sflag:$0x1] =	stream.linear.gather [hbm4b:s1+s6], $0x180, $0x38;
	[tilespmem:$0x1E838] =	vst v63  }
0x2c: {  	s9 =	simm.s32 $0x18000;
	s8 =	sadd.s32 $0x3000, s16;
	s1 =	sadd.s32 $0xFFFFFFFF, s10  }
.LBB2_2:
0x2d: {  	s12 =	sshrl.u32 s8, $0x3;
	p3 =	sne.s32 s1, $0x1;
	s1 =	sadd.s32 $0xFFFFFFFF, s1  }
.Ltmp3:
0x2e: {  	s9 =	sadd.s32 $0x180, s9;
	s12 =	sadd.s32 s7, s12;
	(pc) =	sbr.rel @p3 .LBB2_2-.Ltmp3, $3  }
0x2f: {  	[tilespmem:s9], [sflag:$0x1] =	stream.linear.gather [hbm4b:s12+s6], $0x180, $0x38;
	[tilespmem:$0x1E838] =	vst v63  }
0x30: {  	_ =	sdelay $0x1  }
0x31: {  	s8 =	sadd.s32 $0x3000, s8  }
.LBB2_3:
.Ltmp4:
0x32: {  	(pc) =	sbr.rel @!p2 .LBB2_5-.Ltmp4, $3  }
0x33: {  	_ =	sdelay $0x1  }
0x34: {  	_ =	swait.ge [sflag:s20], $0x180  }
0x35: {  	s1 =	sadd.s32 $0xFFFFFFFF, s10;
	[sflag:s20] =	ssyncset.done $0x0  }
.LBB2_4:
0x36: {  	p2 =	sne.s32 s1, $0x1;
	s1 =	sadd.s32 $0xFFFFFFFF, s1;
	[sflag:s20] =	ssyncadd.s32 $0xFFFFFE80  }
.Ltmp5:
0x37: {  	(pc) =	sbr.rel @p2 .LBB2_4-.Ltmp5, $3  }
0x38: {  	_ =	sdelay $0x1  }
0x39: {  	_ =	swait.ge [sflag:s20], $0x180  }
0x3a: {  	[sflag:s20] =	ssyncset.done $0x0  }
.LBB2_5:
0x3b: {  	[sflag:s20] =	ssyncadd.s32 $0xFFFFFE80;
	s1 =	simm.s32 $0x0  }
0x3c: {  	[tilespmem:s1], [sflag:$0x2] =	stream.indirect.gather [spmem:s3], $0x80, s13, s21, $0xb8;
	[tilespmem:$0x1E838] =	vst v63  }
.Ltmp6:
0x3d: {  	_ = 	snop;
	(pc) =	sbr.rel .LBB2_6-.Ltmp6, $4  }
0x3e: {  	s8 =	simm.s32 $0x18080;
	s9 =	simm.s32 $0x4000  }
0x3f: {  	[tilespmem:s9], [sflag:$0x2] =	stream.indirect.gather [spmem:s4], $0x80, s8, s21, $0xb8;
	[tilespmem:$0x1E838] =	vst v63  }
0x40: {  	s24 =	simm.s32 $0x18100;
	s26 =	simm.s32 $0x8000  }
0x41: {  	[tilespmem:s26], [sflag:$0x2] =	stream.indirect.gather [spmem:s5], $0x80, s24, s21, $0xb8;
	[tilespmem:$0x1E838] =	vst v63  }
.LBB2_14:
0x42: {  	s1 =	sadd.s32 $0x1, s1  }
0x43: {  	p2 =	sne.s32 s1, s14  }
.Ltmp7:
0x44: {  	_ = 	snop;
	(pc) =	sbr.rel @!p2 .LBB2_15-.Ltmp7, $1  }
0x45: {  	_ =	sdelay $0x3  }
.LBB2_6:
0x46: {  	s12 =	sshllo.u32 s1, $0x1  }
0x47: {  	p2 =	sge.u32 s12, s10  }
0x48: {  	p3 =	seq.s32 @!p2 s1, $0x0  }
0x49: {  	p3 =	por p3, p2  }
0x4a: {  	s8 =	simm.s32 @!p3 $0x5  }
0x4b: {  	s9 =	smul.u32 @!p2 $0x600, s12;
	_ =	swait.ge @!p3 [sflag:s8], $0x4000  }
0x4c: {  	[sflag:s8] =	ssyncset.done @!p3 $0x0  }
0x4d: {  	[sflag:s8] =	ssyncadd.s32 @!p3 $0xFFFFC000;
	s8 =	sshra.s32 @!p2 s9, $0x2  }
0x4e: {  	s15 =	simm.s32 @!p2 $0x80;
	s13 =	simm.s32 @!p2 $0xC000;
	s9 =	sadd.s32 @!p2 $0x18000, s8  }
0x4f: {  	[tilespmem:s13], [sflag:$0x3] =	stream.indirect.gather @!p2 [spmem:s3], $0x80, s9, s15, $0xb8;
	[tilespmem:$0x1E838] =	vst v63  }
0x50: {  	s9 =	sadd.s32 @!p2 $0x18080, s8;
	s13 =	simm.s32 @!p2 $0x10000  }
0x51: {  	[tilespmem:s13], [sflag:$0x3] =	stream.indirect.gather @!p2 [spmem:s4], $0x80, s9, s15, $0xb8;
	[tilespmem:$0x1E838] =	vst v63  }
0x52: {  	s13 =	sshll.u32 s1, $0x1  }
0x53: {  	p3 =	sge.u32 s13, s10  }
.Ltmp8:
0x54: {  	_ = 	snop;
	(pc) =	sbr.rel @p3 .LBB2_10-.Ltmp8, $3  }
0x55: {  	_ =	sdelay $0x1  }
0x56: {  	s8 =	sadd.s32 @!p2 $0x18100, s8;
	s9 =	simm.s32 @!p2 $0x14000  }
0x57: {  	[tilespmem:s9], [sflag:$0x3] =	stream.indirect.gather @!p2 [spmem:s5], $0x80, s8, s15, $0xb8;
	[tilespmem:$0x1E838] =	vst v63  }
0x58: {  	_ =	swait.ge [sflag:s28], $0x4000  }
0x59: {  	[sflag:s28] =	ssyncset.done $0x0  }
0x5a: {  	[sflag:s28] =	ssyncadd.s32 $0xFFFFC000  }
0x5b: {  	_ =	swait.ge [sflag:s28], $0x4000  }
0x5c: {  	[sflag:s28] =	ssyncset.done $0x0  }
0x5d: {  	[sflag:s28] =	ssyncadd.s32 $0xFFFFC000  }
0x5e: {  	_ =	swait.ge [sflag:s28], $0x4000  }
0x5f: {  	[sflag:s28] =	ssyncset.done $0x0  }
0x60: {  	s24 =	simm.s32 $0x100;
	[sflag:s28] =	ssyncadd.s32 $0xFFFFC000  }
0x61: {  	s15 =	simm.s32 $0x4100;
	v0 =	vld [tilespmem:s24+$0x80]  }
0x62: {  	s9 =	simm.s32 $0x8100;
	v1 =	vld [tilespmem:s15+$0x80]  }
0x63: {  	v2 =	vld [tilespmem:s9+$0x80]  }
0x64: {  	v3 =	vld [tilespmem:s24+$0xFFFFFF80]  }
0x65: {  	v5 =	vld [tilespmem:s15+$0xFFFFFF80]  }
0x66: {  	v6 =	vld [tilespmem:s24+$0x0]  }
0x67: {  	v7 =	vld [tilespmem:s24+$0xFFFFFF00]  }
0x68: {  	v8 =	vld [tilespmem:s9+$0xFFFFFF00]  }
0x69: {  	v9 =	vld [tilespmem:s9+$0x0]  }
0x6a: {  	v10 =	vld [tilespmem:s24+$0xFFFFFF60]  }
0x6b: {  	s22 =	simm.s32 $0x4300;
	v11 =	vld [tilespmem:s24+$0xFFFFFFE0]  }
0x6c: {  	s8 =	simm.s32 $0x8300;
	v13 =	vld [tilespmem:s22+$0x80]  }
0x6d: {  	v14 =	vld [tilespmem:s8+$0x80]  }
0x6e: {  	s26 =	simm.s32 $0x300;
	v16 =	vld [tilespmem:s22+$0xFFFFFF80];
	v0 =	vadd.f32 v1, v0  }
0x6f: {  	v17 =	vld [tilespmem:s26+$0x0]  }
0x70: {  	v18 =	vld [tilespmem:s26+$0xFFFFFF00];
	v0 =	vadd.f32 v2, v0  }
0x71: {  	v19 =	vld [tilespmem:s8+$0xFFFFFF00]  }
0x72: {  	[tilespmem:s24+$0x80] =	vst v0;
	v0 =	vld [tilespmem:s24+$0x90]  }
0x73: {  	v2 =	vld [tilespmem:s15+$0x90]  }
0x74: {  	v20 =	vld [tilespmem:s8+$0x0]  }
0x75: {  	v4 =	vld [tilespmem:s9+$0x90]  }
0x76: {  	v29 =	vld [tilespmem:s26+$0xFFFFFF10]  }
0x77: {  	v1 =	vld [tilespmem:s15+$0xFFFFFF00]  }
0x78: {  	v31 =	vld [tilespmem:s26+$0xFFFFFF90];
	v0 =	vadd.f32 v2, v0  }
0x79: {  	v36 =	vld [tilespmem:s26+$0xFFFFFF20]  }
0x7a: {  	v2 =	vld [tilespmem:s15+$0x0];
	v0 =	vadd.f32 v4, v0  }
0x7b: {  	v4 =	vld [tilespmem:s9+$0xFFFFFF80]  }
0x7c: {  	[tilespmem:s24+$0x90] =	vst v0;
	v0 =	vadd.f32 v1, v7;
	v1 =	vld [tilespmem:s24+$0xA0]  }
0x7d: {  	v7 =	vld [tilespmem:s15+$0xA0]  }
0x7e: {  	v3 =	vadd.f32 v5, v3;
	v5 =	vld [tilespmem:s9+$0xA0]  }
0x7f: {  	v2 =	vadd.f32 v2, v6;
	v6 =	vld [tilespmem:s24+$0xFFFFFF90];
	v0 =	vadd.f32 v8, v0  }
0x80: {  	v8 =	vld [tilespmem:s24+$0xFFFFFF10]  }
0x81: {  	v2 =	vadd.f32 v9, v2;
	[tilespmem:s24+$0xFFFFFF00] =	vst v0;
	v0 =	vadd.f32 v4, v3;
	v4 =	vld [tilespmem:s24+$0x10]  }
0x82: {  	v3 =	vld [tilespmem:s15+$0xFFFFFF10]  }
0x83: {  	[tilespmem:s24+$0x0] =	vst v2;
	v1 =	vadd.f32 v7, v1;
	v7 =	vld [tilespmem:s9+$0xFFFFFF10]  }
0x84: {  	[tilespmem:s24+$0xFFFFFF80] =	vst v0;
	v2 =	vld [tilespmem:s15+$0x10]  }
0x85: {  	v0 =	vld [tilespmem:s15+$0xFFFFFF90];
	v1 =	vadd.f32 v5, v1  }
0x86: {  	v5 =	vld [tilespmem:s9+$0xFFFFFF90]  }
0x87: {  	v3 =	vadd.f32 v3, v8;
	[tilespmem:s24+$0xA0] =	vst v1;
	v1 =	vld [tilespmem:s24+$0xB0]  }
0x88: {  	v8 =	vld [tilespmem:s9+$0x10]  }
0x89: {  	v3 =	vadd.f32 v7, v3;
	v7 =	vld [tilespmem:s15+$0xB0]  }
0x8a: {  	v0 =	vadd.f32 v0, v6;
	v6 =	vld [tilespmem:s24+$0xFFFFFF20]  }
0x8b: {  	[tilespmem:s24+$0xFFFFFF10] =	vst v3;
	v3 =	vld [tilespmem:s9+$0xB0]  }
0x8c: {  	v0 =	vadd.f32 v5, v0;
	v5 =	vld [tilespmem:s24+$0xFFFFFFA0]  }
0x8d: {  	v2 =	vadd.f32 v2, v4;
	v9 =	vld [tilespmem:s15+$0xFFFFFF20]  }
0x8e: {  	[tilespmem:s24+$0xFFFFFF90] =	vst v0;
	v0 =	vld [tilespmem:s24+$0x20]  }
0x8f: {  	v2 =	vadd.f32 v8, v2;
	v1 =	vadd.f32 v7, v1;
	v4 =	vld [tilespmem:s15+$0xFFFFFFA0]  }
0x90: {  	v7 =	vld [tilespmem:s9+$0xFFFFFFA0]  }
0x91: {  	[tilespmem:s24+$0x10] =	vst v2;
	v1 =	vadd.f32 v3, v1;
	v3 =	vld [tilespmem:s9+$0xFFFFFF20]  }
0x92: {  	v8 =	vld [tilespmem:s15+$0x20]  }
0x93: {  	[tilespmem:s24+$0xB0] =	vst v1;
	v1 =	vld [tilespmem:s24+$0xC0]  }
0x94: {  	v6 =	vadd.f32 v9, v6;
	v2 =	vld [tilespmem:s15+$0xC0]  }
0x95: {  	v9 =	vld [tilespmem:s9+$0x20]  }
0x96: {  	v4 =	vadd.f32 v4, v5;
	v5 =	vld [tilespmem:s9+$0xC0];
	v3 =	vadd.f32 v3, v6  }
0x97: {  	v6 =	vld [tilespmem:s24+$0xFFFFFF30]  }
0x98: {  	v0 =	vadd.f32 v8, v0;
	v4 =	vadd.f32 v7, v4;
	v7 =	vld [tilespmem:s24+$0xFFFFFFB0];
	[tilespmem:s24+$0xFFFFFF20] =	vst v3  }
0x99: {  	v1 =	vadd.f32 v2, v1;
	v2 =	vld [tilespmem:s15+$0xFFFFFF30]  }
0x9a: {  	v0 =	vadd.f32 v9, v0;
	v9 =	vld [tilespmem:s24+$0x30]  }
0x9b: {  	[tilespmem:s24+$0xFFFFFFA0] =	vst v4;
	v4 =	vld [tilespmem:s9+$0xFFFFFF30];
	v1 =	vadd.f32 v5, v1  }
0x9c: {  	v3 =	vld [tilespmem:s15+$0xFFFFFFB0]  }
0x9d: {  	[tilespmem:s24+$0xC0] =	vst v1;
	v1 =	vld [tilespmem:s24+$0xD0]  }
0x9e: {  	[tilespmem:s24+$0x20] =	vst v0;
	v0 =	vld [tilespmem:s15+$0xD0];
	v2 =	vadd.f32 v2, v6  }
0x9f: {  	v5 =	vld [tilespmem:s9+$0xFFFFFFB0]  }
0xa0: {  	v6 =	vld [tilespmem:s9+$0xD0];
	v2 =	vadd.f32 v4, v2  }
0xa1: {  	v8 =	vld [tilespmem:s15+$0x30]  }
0xa2: {  	v3 =	vadd.f32 v3, v7;
	v4 =	vld [tilespmem:s24+$0xFFFFFF40];
	[tilespmem:s24+$0xFFFFFF30] =	vst v2  }
0xa3: {  	v0 =	vadd.f32 v0, v1;
	v2 =	vld [tilespmem:s15+$0xFFFFFF40]  }
0xa4: {  	v7 =	vld [tilespmem:s9+$0x30];
	v3 =	vadd.f32 v5, v3  }
0xa5: {  	v0 =	vadd.f32 v6, v0;
	v6 =	vld [tilespmem:s9+$0xFFFFFF40]  }
0xa6: {  	[tilespmem:s24+$0xFFFFFFB0] =	vst v3;
	v1 =	vld [tilespmem:s24+$0xFFFFFFC0]  }
0xa7: {  	v5 =	vadd.f32 v8, v9;
	v3 =	vld [tilespmem:s15+$0xFFFFFFC0]  }
0xa8: {  	[tilespmem:s24+$0xD0] =	vst v0;
	v0 =	vld [tilespmem:s24+$0xE0];
	v2 =	vadd.f32 v2, v4  }
0xa9: {  	v5 =	vadd.f32 v7, v5;
	v7 =	vld [tilespmem:s15+$0xE0]  }
0xaa: {  	v2 =	vadd.f32 v6, v2;
	v6 =	vld [tilespmem:s9+$0xFFFFFFC0]  }
0xab: {  	v8 =	vld [tilespmem:s24+$0x40]  }
0xac: {  	[tilespmem:s24+$0x30] =	vst v5;
	v4 =	vld [tilespmem:s9+$0xE0]  }
0xad: {  	v5 =	vld [tilespmem:s15+$0x40];
	v1 =	vadd.f32 v3, v1  }
0xae: {  	v38 =	vld [tilespmem:s26+$0xFFFFFFA0]  }
0xaf: {  	v9 =	vld [tilespmem:s9+$0x40];
	v0 =	vadd.f32 v7, v0;
	v1 =	vadd.f32 v6, v1  }
0xb0: {  	v7 =	vld [tilespmem:s24+$0xFFFFFF50]  }
0xb1: {  	v0 =	vadd.f32 v4, v0;
	v4 =	vld [tilespmem:s24+$0xFFFFFFD0];
	[tilespmem:s24+$0xFFFFFFC0] =	vst v1  }
0xb2: {  	[tilespmem:s24+$0xFFFFFF40] =	vst v2;
	v2 =	vadd.f32 v5, v8;
	v5 =	vld [tilespmem:s15+$0xFFFFFFD0]  }
0xb3: {  	v3 =	vld [tilespmem:s15+$0xFFFFFF50]  }
0xb4: {  	v2 =	vadd.f32 v9, v2;
	v9 =	vld [tilespmem:s9+$0xFFFFFFD0]  }
0xb5: {  	v43 =	vld [tilespmem:s26+$0xFFFFFF30]  }
0xb6: {  	v8 =	vld [tilespmem:s9+$0xFFFFFF50]  }
0xb7: {  	v6 =	vld [tilespmem:s24+$0x50];
	[tilespmem:s24+$0x40] =	vst v2;
	v4 =	vadd.f32 v5, v4  }
0xb8: {  	v3 =	vadd.f32 v3, v7;
	v7 =	vld [tilespmem:s15+$0x50]  }
0xb9: {  	v44 =	vld [tilespmem:s26+$0xFFFFFFB0];
	v4 =	vadd.f32 v9, v4  }
0xba: {  	v48 =	vld [tilespmem:s26+$0x30]  }
0xbb: {  	v53 =	vld [tilespmem:s26+$0x40];
	v3 =	vadd.f32 v8, v3;
	[tilespmem:s24+$0xFFFFFFD0] =	vst v4  }
0xbc: {  	v4 =	vld [tilespmem:s15+$0xFFFFFFE0]  }
0xbd: {  	[tilespmem:s24+$0xFFFFFF50] =	vst v3;
	v3 =	vadd.f32 v7, v6;
	v7 =	vld [tilespmem:s26+$0x80]  }
0xbe: {  	v6 =	vld [tilespmem:s9+$0xFFFFFFE0]  }
0xbf: {  	v56 =	vld [tilespmem:s26+$0x50]  }
0xc0: {  	v57 =	vld [tilespmem:s26+$0xF0]  }
0xc1: {  	v5 =	vld [tilespmem:s9+$0x50];
	v11 =	vadd.f32 v4, v11  }
0xc2: {  	[tilespmem:s24+$0xE0] =	vst v0;
	v0 =	vld [tilespmem:s24+$0xF0]  }
0xc3: {  	v9 =	vld [tilespmem:s15+$0xFFFFFF60];
	v6 =	vadd.f32 v6, v11;
	v11 =	vadd.f32 v13, v7  }
0xc4: {  	v1 =	vld [tilespmem:s15+$0xF0]  }
0xc5: {  	v12 =	vld [tilespmem:s9+$0xFFFFFF60];
	v11 =	vadd.f32 v14, v11  }
0xc6: {  	v2 =	vld [tilespmem:s9+$0xF0];
	v5 =	vadd.f32 v5, v3  }
0xc7: {  	[tilespmem:s26+$0x80] =	vst v11;
	v11 =	vld [tilespmem:s26+$0x90]  }
0xc8: {  	[tilespmem:s24+$0x50] =	vst v5;
	v5 =	vadd.f32 v9, v10;
	v13 =	vld [tilespmem:s22+$0x90]  }
0xc9: {  	v61 =	vld [tilespmem:s26+$0x60]  }
0xca: {  	v12 =	vadd.f32 v12, v5;
	v15 =	vld [tilespmem:s8+$0x90]  }
0xcb: {  	v8 =	vld [tilespmem:s24+$0x60];
	v0 =	vadd.f32 v1, v0  }
0xcc: {  	[tilespmem:s24+$0xFFFFFF60] =	vst v12;
	v12 =	vld [tilespmem:s22+$0xFFFFFF00]  }
0xcd: {  	v2 =	vadd.f32 v2, v0;
	v0 =	vld [tilespmem:s26+$0x70];
	v11 =	vadd.f32 v13, v11  }
0xce: {  	v3 =	vld [tilespmem:s24+$0xFFFFFF70]  }
0xcf: {  	v14 =	vld [tilespmem:s26+$0xFFFFFF80];
	v11 =	vadd.f32 v15, v11  }
0xd0: {  	v10 =	vld [tilespmem:s15+$0x60]  }
0xd1: {  	v15 =	vld [tilespmem:s8+$0xFFFFFF80];
	[tilespmem:s26+$0x90] =	vst v11;
	v11 =	vadd.f32 v12, v18  }
0xd2: {  	v12 =	vld [tilespmem:s26+$0xA0]  }
0xd3: {  	v28 =	vld [tilespmem:s22+$0xA0];
	v11 =	vadd.f32 v19, v11  }
0xd4: {  	v14 =	vadd.f32 v16, v14;
	v13 =	vld [tilespmem:s22+$0x0]  }
0xd5: {  	v30 =	vld [tilespmem:s8+$0xA0];
	[tilespmem:s26+$0xFFFFFF00] =	vst v11  }
0xd6: {  	v11 =	vadd.f32 v15, v14;
	v14 =	vld [tilespmem:s22+$0xFFFFFF10]  }
0xd7: {  	v9 =	vld [tilespmem:s9+$0x60]  }
0xd8: {  	v32 =	vld [tilespmem:s8+$0xFFFFFF10];
	v12 =	vadd.f32 v28, v12;
	[tilespmem:s26+$0xFFFFFF80] =	vst v11  }
0xd9: {  	v13 =	vadd.f32 v13, v17;
	v11 =	vld [tilespmem:s22+$0xFFFFFF90]  }
0xda: {  	v15 =	vld [tilespmem:s26+$0x10];
	v12 =	vadd.f32 v30, v12  }
0xdb: {  	v13 =	vadd.f32 v20, v13;
	v33 =	vld [tilespmem:s8+$0xFFFFFF90];
	v14 =	vadd.f32 v14, v29  }
0xdc: {  	[tilespmem:s26+$0xA0] =	vst v12;
	v12 =	vld [tilespmem:s26+$0xB0]  }
0xdd: {  	[tilespmem:s26+$0x0] =	vst v13;
	v34 =	vld [tilespmem:s22+$0xB0];
	v14 =	vadd.f32 v32, v14  }
0xde: {  	v13 =	vld [tilespmem:s22+$0x10];
	v11 =	vadd.f32 v11, v31  }
0xdf: {  	[tilespmem:s26+$0xFFFFFF10] =	vst v14;
	v14 =	vld [tilespmem:s8+$0xB0]  }
0xe0: {  	v35 =	vld [tilespmem:s8+$0x10];
	v11 =	vadd.f32 v33, v11  }
0xe1: {  	v37 =	vld [tilespmem:s22+$0xFFFFFF20]  }
0xe2: {  	v12 =	vadd.f32 v34, v12;
	[tilespmem:s26+$0xFFFFFF90] =	vst v11;
	v11 =	vld [tilespmem:s26+$0x20]  }
0xe3: {  	v13 =	vadd.f32 v13, v15;
	v15 =	vld [tilespmem:s22+$0xFFFFFFA0]  }
0xe4: {  	v12 =	vadd.f32 v14, v12;
	v14 =	vld [tilespmem:s8+$0xFFFFFF20]  }
0xe5: {  	v13 =	vadd.f32 v35, v13;
	v39 =	vld [tilespmem:s8+$0xFFFFFFA0]  }
0xe6: {  	[tilespmem:s26+$0xB0] =	vst v12;
	v12 =	vld [tilespmem:s26+$0xC0]  }
0xe7: {  	[tilespmem:s26+$0x10] =	vst v13;
	v17 =	vadd.f32 v37, v36;
	v13 =	vld [tilespmem:s22+$0xC0]  }
0xe8: {  	v40 =	vld [tilespmem:s22+$0x20];
	v15 =	vadd.f32 v15, v38  }
0xe9: {  	v41 =	vld [tilespmem:s8+$0xC0];
	v14 =	vadd.f32 v14, v17  }
0xea: {  	v42 =	vld [tilespmem:s8+$0x20];
	v15 =	vadd.f32 v39, v15  }
0xeb: {  	v5 =	vld [tilespmem:s24+$0x70];
	[tilespmem:s26+$0xFFFFFF20] =	vst v14  }
0xec: {  	[tilespmem:s26+$0xFFFFFFA0] =	vst v15;
	v12 =	vadd.f32 v13, v12;
	v13 =	vld [tilespmem:s22+$0xFFFFFF30]  }
0xed: {  	v11 =	vadd.f32 v40, v11;
	v14 =	vld [tilespmem:s22+$0xFFFFFFB0]  }
0xee: {  	v15 =	vld [tilespmem:s8+$0xFFFFFF30];
	v12 =	vadd.f32 v41, v12  }
0xef: {  	v11 =	vadd.f32 v42, v11;
	v45 =	vld [tilespmem:s8+$0xFFFFFFB0]  }
0xf0: {  	[tilespmem:s26+$0xC0] =	vst v12;
	v12 =	vld [tilespmem:s26+$0xD0]  }
0xf1: {  	[tilespmem:s26+$0x20] =	vst v11;
	v11 =	vld [tilespmem:s22+$0xD0]  }
0xf2: {  	v46 =	vld [tilespmem:s22+$0x30];
	v13 =	vadd.f32 v13, v43  }
0xf3: {  	v47 =	vld [tilespmem:s8+$0xD0];
	v14 =	vadd.f32 v14, v44  }
0xf4: {  	v49 =	vld [tilespmem:s8+$0x30];
	v13 =	vadd.f32 v15, v13  }
0xf5: {  	v15 =	vld [tilespmem:s26+$0xFFFFFF40];
	v14 =	vadd.f32 v45, v14  }
0xf6: {  	[tilespmem:s26+$0xFFFFFF30] =	vst v13;
	v11 =	vadd.f32 v11, v12;
	v12 =	vld [tilespmem:s26+$0xFFFFFFC0]  }
0xf7: {  	[tilespmem:s26+$0xFFFFFFB0] =	vst v14;
	v13 =	vld [tilespmem:s22+$0xFFFFFF40]  }
0xf8: {  	v14 =	vld [tilespmem:s22+$0xFFFFFFC0];
	v11 =	vadd.f32 v47, v11  }
0xf9: {  	v51 =	vld [tilespmem:s8+$0xFFFFFF40]  }
0xfa: {  	v50 =	vadd.f32 v46, v48;
	[tilespmem:s26+$0xD0] =	vst v11;
	v11 =	vld [tilespmem:s26+$0xE0]  }
0xfb: {  	v52 =	vld [tilespmem:s22+$0xE0]  }
0xfc: {  	v16 =	vadd.f32 v49, v50;
	v54 =	vld [tilespmem:s8+$0xFFFFFFC0]  }
0xfd: {  	v13 =	vadd.f32 v13, v15;
	v15 =	vld [tilespmem:s8+$0xE0]  }
0xfe: {  	v4 =	vld [tilespmem:s24+$0xFFFFFFF0];
	[tilespmem:s26+$0x30] =	vst v16  }
0xff: {  	v16 =	vld [tilespmem:s22+$0x40];
	v12 =	vadd.f32 v14, v12  }
0x100: {  	v7 =	vld [tilespmem:s15+$0xFFFFFF70];
	v13 =	vadd.f32 v51, v13;
	v11 =	vadd.f32 v52, v11  }
0x101: {  	[tilespmem:s24+$0xFFFFFFE0] =	vst v6;
	v55 =	vld [tilespmem:s8+$0x40];
	v12 =	vadd.f32 v54, v12  }
0x102: {  	v6 =	vld [tilespmem:s15+$0xFFFFFFF0];
	[tilespmem:s26+$0xFFFFFF40] =	vst v13;
	v11 =	vadd.f32 v15, v11  }
0x103: {  	v13 =	vld [tilespmem:s26+$0xFFFFFF50];
	[tilespmem:s26+$0xFFFFFFC0] =	vst v12  }
0x104: {  	v58 =	vld [tilespmem:s22+$0xFFFFFFD0];
	[tilespmem:s26+$0xE0] =	vst v11;
	v11 =	vadd.f32 v16, v53  }
0x105: {  	v15 =	vld [tilespmem:s26+$0xFFFFFFD0]  }
0x106: {  	v14 =	vld [tilespmem:s22+$0xFFFFFF50];
	v11 =	vadd.f32 v55, v11  }
0x107: {  	v8 =	vadd.f32 v10, v8;
	v10 =	vld [tilespmem:s8+$0xFFFFFFD0]  }
0x108: {  	[tilespmem:s26+$0x40] =	vst v11;
	v11 =	vld [tilespmem:s8+$0xFFFFFF50]  }
0x109: {  	v60 =	vld [tilespmem:s22+$0x50]  }
0x10a: {  	v8 =	vadd.f32 v9, v8;
	v9 =	vld [tilespmem:s26+$0xFFFFFF60];
	v15 =	vadd.f32 v58, v15  }
0x10b: {  	v13 =	vadd.f32 v14, v13;
	v14 =	vld [tilespmem:s8+$0x50]  }
0x10c: {  	[tilespmem:s24+$0x60] =	vst v8;
	v8 =	vld [tilespmem:s26+$0xFFFFFF70];
	v10 =	vadd.f32 v10, v15  }
0x10d: {  	v12 =	vld [tilespmem:s22+$0xF0]  }
0x10e: {  	v59 =	vld [tilespmem:s8+$0xF0];
	[tilespmem:s26+$0xFFFFFFD0] =	vst v10;
	v11 =	vadd.f32 v11, v13;
	v17 =	vadd.f32 v60, v56  }
0x10f: {  	v10 =	vld [tilespmem:s22+$0xFFFFFFE0]  }
0x110: {  	v13 =	vld [tilespmem:s26+$0xFFFFFFE0];
	[tilespmem:s26+$0xFFFFFF50] =	vst v11;
	v11 =	vadd.f32 v14, v17  }
0x111: {  	v14 =	vld [tilespmem:s22+$0xFFFFFF60]  }
0x112: {  	v62 =	vld [tilespmem:s8+$0xFFFFFF60];
	[tilespmem:s26+$0x50] =	vst v11  }
0x113: {  	v12 =	vadd.f32 v12, v57;
	v11 =	vld [tilespmem:s22+$0x60]  }
0x114: {  	v1 =	vld [tilespmem:s8+$0xFFFFFFE0]  }
0x115: {  	v12 =	vadd.f32 v59, v12;
	v63 =	vld [tilespmem:s8+$0x60]  }
0x116: {  	v15 =	vld [tilespmem:s15+$0x70];
	v14 =	vadd.f32 v14, v9  }
0x117: {  	[tilespmem:s26+$0xF0] =	vst v12;
	v12 =	vld [tilespmem:s9+$0xFFFFFFF0];
	v10 =	vadd.f32 v10, v13  }
0x118: {  	[tilespmem:s24+$0xF0] =	vst v2;
	v13 =	vadd.f32 v62, v14;
	v2 =	vadd.f32 v11, v61;
	v11 =	vld [tilespmem:s9+$0xFFFFFF70]  }
0x119: {  	v9 =	vld [tilespmem:s26+$0xFFFFFFF0];
	v14 =	vadd.f32 v1, v10  }
0x11a: {  	v10 =	vld [tilespmem:s9+$0x70];
	[tilespmem:s26+$0xFFFFFF60] =	vst v13;
	v13 =	vadd.f32 v63, v2  }
0x11b: {  	s17 =	simm.s32 $0x500;
	v1 =	vadd.f32 v7, v3;
	[tilespmem:s26+$0xFFFFFFE0] =	vst v14;
	v7 =	vld [tilespmem:s22+$0xFFFFFF70]  }
0x11c: {  	s18 =	simm.s32 $0x4300;
	s15 =	simm.s32 $0x8300;
	v3 =	vadd.f32 v15, v5;
	s9 =	simm.s32 $0x4;
	v2 =	vadd.f32 v6, v4;
	v4 =	vld [tilespmem:s22+$0xFFFFFFF0];
	[tilespmem:s26+$0x60] =	vst v13  }
.LBB2_8:
0x11d: {  	v5 =	vld [tilespmem:s17+$0x80];
	s22 =	sadd.s32 $0x200, s22;
	v1 =	vadd.f32 v11, v1  }
0x11e: {  	s9 =	sadd.s32 $0x4, s9;
	v6 =	vld [tilespmem:s22+$0x80];
	v2 =	vadd.f32 v12, v2  }
0x11f: {  	s8 =	sadd.s32 $0x200, s8;
	p3 =	slt.u32 s9, $0x7C;
	v11 =	vld [tilespmem:s22+$0xFFFFFF00];
	[tilespmem:s24+$0xFFFFFF70] =	vst v1;
	v3 =	vadd.f32 v10, v3  }
0x120: {  	v10 =	vld [tilespmem:s8+$0x80];
	v1 =	vadd.f32 v7, v8;
	[tilespmem:s24+$0xFFFFFFF0] =	vst v2  }
0x121: {  	v7 =	vld [tilespmem:s17+$0xFFFFFF80];
	v2 =	vadd.f32 v4, v9;
	[tilespmem:s24+$0x70] =	vst v3;
	s24 =	smov.u32 s26;
	s26 =	smov.u32 s17  }
0x122: {  	v3 =	vld [tilespmem:s22+$0xFFFFFF80]  }
0x123: {  	v4 =	vld [tilespmem:s17+$0x0];
	v5 =	vadd.f32 v6, v5  }
0x124: {  	v6 =	vld [tilespmem:s22+$0x0]  }
0x125: {  	v8 =	vld [tilespmem:s17+$0xFFFFFF00];
	v5 =	vadd.f32 v10, v5  }
0x126: {  	v9 =	vld [tilespmem:s8+$0xFFFFFF00]  }
0x127: {  	v3 =	vadd.f32 v3, v7;
	[tilespmem:s17+$0x80] =	vst v5;
	v5 =	vld [tilespmem:s17+$0x90]  }
0x128: {  	v7 =	vld [tilespmem:s22+$0x90]  }
0x129: {  	v10 =	vld [tilespmem:s8+$0xFFFFFF80];
	v4 =	vadd.f32 v6, v4  }
0x12a: {  	v6 =	vadd.f32 v11, v8;
	v8 =	vld [tilespmem:s8+$0x90]  }
0x12b: {  	v11 =	vld [tilespmem:s8+$0x0]  }
0x12c: {  	v6 =	vadd.f32 v9, v6;
	v9 =	vld [tilespmem:s17+$0xFFFFFF10]  }
0x12d: {  	v12 =	vld [tilespmem:s17+$0xFFFFFF90];
	v5 =	vadd.f32 v7, v5  }
0x12e: {  	[tilespmem:s17+$0xFFFFFF00] =	vst v6;
	v3 =	vadd.f32 v10, v3;
	v6 =	vld [tilespmem:s17+$0x10]  }
0x12f: {  	v7 =	vld [tilespmem:s22+$0xFFFFFF10];
	v5 =	vadd.f32 v8, v5  }
0x130: {  	v8 =	vld [tilespmem:s8+$0xFFFFFF10];
	[tilespmem:s17+$0xFFFFFF80] =	vst v3;
	v3 =	vadd.f32 v11, v4  }
0x131: {  	[tilespmem:s17+$0x90] =	vst v5;
	v4 =	vld [tilespmem:s17+$0xA0]  }
0x132: {  	[tilespmem:s17+$0x0] =	vst v3;
	v3 =	vld [tilespmem:s22+$0xA0]  }
0x133: {  	v5 =	vld [tilespmem:s22+$0xFFFFFF90]  }
0x134: {  	v7 =	vadd.f32 v7, v9;
	v9 =	vld [tilespmem:s8+$0xA0]  }
0x135: {  	v10 =	vld [tilespmem:s22+$0x10]  }
0x136: {  	v7 =	vadd.f32 v8, v7;
	v8 =	vld [tilespmem:s8+$0xFFFFFF90]  }
0x137: {  	v11 =	vld [tilespmem:s8+$0x10];
	v3 =	vadd.f32 v3, v4  }
0x138: {  	[tilespmem:s17+$0xFFFFFF10] =	vst v7;
	v4 =	vld [tilespmem:s17+$0xFFFFFF20];
	v5 =	vadd.f32 v5, v12  }
0x139: {  	v7 =	vld [tilespmem:s22+$0xFFFFFF20];
	v3 =	vadd.f32 v9, v3  }
0x13a: {  	v9 =	vld [tilespmem:s17+$0xFFFFFFA0];
	v6 =	vadd.f32 v10, v6  }
0x13b: {  	v5 =	vadd.f32 v8, v5;
	[tilespmem:s17+$0xA0] =	vst v3;
	v3 =	vld [tilespmem:s17+$0xB0]  }
0x13c: {  	v6 =	vadd.f32 v11, v6;
	v8 =	vld [tilespmem:s22+$0xB0]  }
0x13d: {  	[tilespmem:s17+$0xFFFFFF90] =	vst v5;
	v5 =	vld [tilespmem:s17+$0x20]  }
0x13e: {  	v4 =	vadd.f32 v7, v4;
	[tilespmem:s17+$0x10] =	vst v6;
	v6 =	vld [tilespmem:s8+$0xB0]  }
0x13f: {  	v7 =	vld [tilespmem:s22+$0xFFFFFFA0]  }
0x140: {  	v10 =	vld [tilespmem:s22+$0x20]  }
0x141: {  	v11 =	vld [tilespmem:s8+$0xFFFFFF20];
	v3 =	vadd.f32 v8, v3  }
0x142: {  	v8 =	vld [tilespmem:s8+$0xFFFFFFA0]  }
0x143: {  	v12 =	vld [tilespmem:s8+$0x20];
	v3 =	vadd.f32 v6, v3  }
0x144: {  	v6 =	vld [tilespmem:s17+$0xFFFFFF30];
	v7 =	vadd.f32 v7, v9  }
0x145: {  	v5 =	vadd.f32 v10, v5;
	[tilespmem:s17+$0xB0] =	vst v3;
	v3 =	vld [tilespmem:s17+$0xC0]  }
0x146: {  	v4 =	vadd.f32 v11, v4;
	v9 =	vld [tilespmem:s22+$0xC0]  }
0x147: {  	v7 =	vadd.f32 v8, v7;
	v8 =	vld [tilespmem:s17+$0xFFFFFFB0]  }
0x148: {  	[tilespmem:s17+$0xFFFFFF20] =	vst v4;
	v4 =	vadd.f32 v12, v5;
	v5 =	vld [tilespmem:s8+$0xC0]  }
0x149: {  	v10 =	vld [tilespmem:s22+$0xFFFFFF30];
	[tilespmem:s17+$0xFFFFFFA0] =	vst v7  }
0x14a: {  	v7 =	vld [tilespmem:s22+$0xFFFFFFB0];
	[tilespmem:s17+$0x20] =	vst v4  }
0x14b: {  	v4 =	vld [tilespmem:s22+$0x30];
	v3 =	vadd.f32 v9, v3  }
0x14c: {  	v9 =	vld [tilespmem:s17+$0x30]  }
0x14d: {  	v11 =	vld [tilespmem:s8+$0xFFFFFF30];
	v3 =	vadd.f32 v5, v3  }
0x14e: {  	v5 =	vadd.f32 v10, v6;
	v6 =	vld [tilespmem:s8+$0xFFFFFFB0]  }
0x14f: {  	v7 =	vadd.f32 v7, v8;
	[tilespmem:s17+$0xC0] =	vst v3;
	v3 =	vld [tilespmem:s17+$0xD0]  }
0x150: {  	v8 =	vld [tilespmem:s22+$0xD0]  }
0x151: {  	v4 =	vadd.f32 v4, v9;
	v9 =	vld [tilespmem:s8+$0x30]  }
0x152: {  	v5 =	vadd.f32 v11, v5;
	v10 =	vld [tilespmem:s8+$0xD0]  }
0x153: {  	v11 =	vld [tilespmem:s17+$0xFFFFFF40];
	v6 =	vadd.f32 v6, v7  }
0x154: {  	[tilespmem:s17+$0xFFFFFF30] =	vst v5;
	v5 =	vld [tilespmem:s17+$0xFFFFFFC0]  }
0x155: {  	v7 =	vld [tilespmem:s22+$0xFFFFFF40];
	[tilespmem:s17+$0xFFFFFFB0] =	vst v6;
	v3 =	vadd.f32 v8, v3  }
0x156: {  	v6 =	vld [tilespmem:s22+$0xFFFFFFC0];
	v4 =	vadd.f32 v9, v4  }
0x157: {  	v8 =	vld [tilespmem:s17+$0x40];
	v3 =	vadd.f32 v10, v3  }
0x158: {  	v9 =	vld [tilespmem:s8+$0xFFFFFF40];
	[tilespmem:s17+$0x30] =	vst v4  }
0x159: {  	[tilespmem:s17+$0xD0] =	vst v3;
	v3 =	vld [tilespmem:s17+$0xE0]  }
0x15a: {  	v4 =	vadd.f32 v7, v11;
	v7 =	vld [tilespmem:s22+$0xE0]  }
0x15b: {  	v5 =	vadd.f32 v6, v5;
	v6 =	vld [tilespmem:s22+$0x40]  }
0x15c: {  	v10 =	vld [tilespmem:s8+$0xE0]  }
0x15d: {  	v4 =	vadd.f32 v9, v4;
	v9 =	vld [tilespmem:s8+$0xFFFFFFC0]  }
0x15e: {  	v11 =	vld [tilespmem:s8+$0x40]  }
0x15f: {  	[tilespmem:s17+$0xFFFFFF40] =	vst v4;
	v4 =	vld [tilespmem:s17+$0xFFFFFF50];
	v3 =	vadd.f32 v7, v3  }
0x160: {  	v7 =	vld [tilespmem:s22+$0xFFFFFF50];
	v6 =	vadd.f32 v6, v8  }
0x161: {  	v8 =	vld [tilespmem:s17+$0xFFFFFFD0];
	v3 =	vadd.f32 v10, v3  }
0x162: {  	v5 =	vadd.f32 v9, v5;
	v9 =	vld [tilespmem:s17+$0x50]  }
0x163: {  	v6 =	vadd.f32 v11, v6;
	[tilespmem:s17+$0xE0] =	vst v3;
	v3 =	vld [tilespmem:s17+$0xF0]  }
0x164: {  	[tilespmem:s17+$0xFFFFFFC0] =	vst v5;
	v5 =	vld [tilespmem:s22+$0xF0]  }
0x165: {  	v4 =	vadd.f32 v7, v4;
	v7 =	vld [tilespmem:s22+$0xFFFFFFD0];
	[tilespmem:s17+$0x40] =	vst v6  }
0x166: {  	v6 =	vld [tilespmem:s8+$0xF0]  }
0x167: {  	v10 =	vld [tilespmem:s22+$0x50]  }
0x168: {  	v11 =	vld [tilespmem:s8+$0xFFFFFF50]  }
0x169: {  	v12 =	vld [tilespmem:s8+$0xFFFFFFD0];
	v3 =	vadd.f32 v5, v3  }
0x16a: {  	v5 =	vadd.f32 v7, v8;
	v7 =	vld [tilespmem:s8+$0x50]  }
0x16b: {  	v13 =	vld [tilespmem:s17+$0xFFFFFF60];
	v3 =	vadd.f32 v6, v3  }
0x16c: {  	v6 =	vld [tilespmem:s17+$0xFFFFFFE0];
	v9 =	vadd.f32 v10, v9  }
0x16d: {  	v4 =	vadd.f32 v11, v4;
	v10 =	vld [tilespmem:s17+$0x60];
	[tilespmem:s17+$0xF0] =	vst v3  }
0x16e: {  	v3 =	vadd.f32 v12, v5;
	v5 =	vld [tilespmem:s18+$0x70];
	s18 =	smov.u32 s22  }
0x16f: {  	[tilespmem:s17+$0xFFFFFF50] =	vst v4;
	v8 =	vld [tilespmem:s17+$0xFFFFFF70];
	v4 =	vadd.f32 v7, v9  }
0x170: {  	v7 =	vld [tilespmem:s22+$0xFFFFFF60];
	[tilespmem:s17+$0xFFFFFFD0] =	vst v3  }
0x171: {  	v9 =	vld [tilespmem:s22+$0xFFFFFFE0];
	[tilespmem:s17+$0x50] =	vst v4  }
0x172: {  	v4 =	vld [tilespmem:s22+$0x60]  }
0x173: {  	v11 =	vld [tilespmem:s8+$0xFFFFFF60];
	v3 =	vadd.f32 v5, v0  }
0x174: {  	v5 =	vld [tilespmem:s8+$0xFFFFFFE0]  }
0x175: {  	v7 =	vadd.f32 v7, v13;
	v13 =	vld [tilespmem:s8+$0x60]  }
0x176: {  	v6 =	vadd.f32 v9, v6;
	v9 =	vld [tilespmem:s17+$0xFFFFFFF0]  }
0x177: {  	v4 =	vadd.f32 v4, v10;
	v0 =	vld [tilespmem:s17+$0x70]  }
.Ltmp9:
0x178: {  	v7 =	vadd.f32 v11, v7;
	v11 =	vld [tilespmem:s15+$0xFFFFFF70];
	(pc) =	sbr.rel @p3 .LBB2_8-.Ltmp9, $4  }
0x179: {  	v5 =	vadd.f32 v5, v6;
	v12 =	vld [tilespmem:s15+$0xFFFFFFF0]  }
0x17a: {  	[tilespmem:s17+$0xFFFFFF60] =	vst v7;
	v6 =	vadd.f32 v13, v4;
	v10 =	vld [tilespmem:s15+$0x70];
	s15 =	smov.u32 s8  }
0x17b: {  	v7 =	vld [tilespmem:s22+$0xFFFFFF70];
	[tilespmem:s17+$0xFFFFFFE0] =	vst v5  }
0x17c: {  	s17 =	sadd.s32 $0x200, s17;
	v4 =	vld [tilespmem:s22+$0xFFFFFFF0];
	[tilespmem:s26+$0x60] =	vst v6  }
0x17d: {  	v5 =	vld [tilespmem:s18+$0x70]  }
0x17e: {  	v6 =	vld [tilespmem:s15+$0xFFFFFF70]  }
0x17f: {  	v13 =	vld [tilespmem:s15+$0xFFFFFFF0]  }
0x180: {  	v1 =	vadd.f32 v11, v1;
	v59 =	vld [tilespmem:s15+$0x70]  }
0x181: {  	v2 =	vadd.f32 v12, v2;
	v7 =	vadd.f32 v7, v8  }
0x182: {  	[tilespmem:s24+$0xFFFFFF70] =	vst v1;
	v60 =	vadd.f32 v10, v3;
	v61 =	vadd.f32 v4, v9  }
0x183: {  	[tilespmem:s24+$0xFFFFFFF0] =	vst v2;
	v0 =	vadd.f32 v5, v0;
	v62 =	vadd.f32 v6, v7  }
0x184: {  	s8 =	sshll.u32 s1, $0x14;
	[tilespmem:s24+$0x70] =	vst v60;
	v63 =	vadd.f32 v13, v61  }
0x185: {  	s8 =	sor.u32 s11, s8;
	[tilespmem:s26+$0xFFFFFF70] =	vst v62;
	v0 =	vadd.f32 v59, v0  }
0x186: {  	s8 =	sshrl.u32 s8, $0x3;
	[tilespmem:s26+$0xFFFFFFF0] =	vst v63  }
0x187: {  	s8 =	sadd.s32 s2, s8;
	[tilespmem:s26+$0x70] =	vst v0  }
0x188: {  	[hbm4b:s8+s6] =	stream.linear.scatter [tilespmem:s6], [sflag:$0x4], $0x4000, $0x38;
	[tilespmem:$0x1E838] =	vst v63  }
.LBB2_10:
0x189: {  	s8 =	sadd.s32 $0x2, s13  }
0x18a: {  	p3 =	sge.u32 s8, s10  }
0x18b: {  	s9 =	simm.s32 @!p3 $0x4;
	s8 =	smul.u32 @!p3 $0x600, s8  }
0x18c: {  	_ =	swait.ge @!p3 [sflag:s9], $0x4000  }
0x18d: {  	s13 =	simm.s32 @!p3 $0x80;
	[sflag:s9] =	ssyncset.done @!p3 $0x0;
	s8 =	sshra.s32 @!p3 s8, $0x2  }
0x18e: {  	s15 =	simm.s32 @!p3 $0x0;
	[sflag:s9] =	ssyncadd.s32 @!p3 $0xFFFFC000;
	s9 =	sadd.s32 @!p3 $0x18000, s8  }
0x18f: {  	[tilespmem:s15], [sflag:$0x2] =	stream.indirect.gather @!p3 [spmem:s3], $0x80, s9, s13, $0xb8;
	[tilespmem:$0x1E838] =	vst v63  }
.Ltmp10:
0x190: {  	_ = 	snop;
	(pc) =	sbr.rel @p2 .LBB2_14-.Ltmp10, $4  }
0x191: {  	s9 =	sadd.s32 @!p3 $0x18080, s8;
	s15 =	simm.s32 @!p3 $0x4000  }
0x192: {  	[tilespmem:s15], [sflag:$0x2] =	stream.indirect.gather @!p3 [spmem:s4], $0x80, s9, s13, $0xb8;
	[tilespmem:$0x1E838] =	vst v63  }
0x193: {  	s8 =	sadd.s32 @!p3 $0x18100, s8;
	s9 =	simm.s32 @!p3 $0x8000  }
0x194: {  	[tilespmem:s9], [sflag:$0x2] =	stream.indirect.gather @!p3 [spmem:s5], $0x80, s8, s13, $0xb8;
	[tilespmem:$0x1E838] =	vst v63  }
0x195: {  	_ =	swait.ge [sflag:s29], $0x4000  }
0x196: {  	[sflag:s29] =	ssyncset.done $0x0  }
0x197: {  	[sflag:s29] =	ssyncadd.s32 $0xFFFFC000  }
0x198: {  	_ =	swait.ge [sflag:s29], $0x4000  }
0x199: {  	[sflag:s29] =	ssyncset.done $0x0  }
0x19a: {  	[sflag:s29] =	ssyncadd.s32 $0xFFFFC000  }
0x19b: {  	_ =	swait.ge [sflag:s29], $0x4000  }
0x19c: {  	[sflag:s29] =	ssyncset.done $0x0  }
0x19d: {  	s13 =	simm.s32 $0xC100;
	[sflag:s29] =	ssyncadd.s32 $0xFFFFC000  }
0x19e: {  	s15 =	simm.s32 $0x10100;
	v0 =	vld [tilespmem:s13+$0x80]  }
0x19f: {  	s9 =	simm.s32 $0x14100;
	v1 =	vld [tilespmem:s15+$0x80]  }
0x1a0: {  	v2 =	vld [tilespmem:s9+$0x80]  }
0x1a1: {  	v3 =	vld [tilespmem:s13+$0xFFFFFF80]  }
0x1a2: {  	v5 =	vld [tilespmem:s15+$0xFFFFFF80]  }
0x1a3: {  	v6 =	vld [tilespmem:s13+$0x0]  }
0x1a4: {  	v7 =	vld [tilespmem:s13+$0xFFFFFF00]  }
0x1a5: {  	v8 =	vld [tilespmem:s9+$0xFFFFFF00]  }
0x1a6: {  	v9 =	vld [tilespmem:s9+$0x0]  }
0x1a7: {  	v10 =	vld [tilespmem:s13+$0xFFFFFF60]  }
0x1a8: {  	s22 =	simm.s32 $0x10300;
	v11 =	vld [tilespmem:s13+$0xFFFFFFE0]  }
0x1a9: {  	s8 =	simm.s32 $0x14300;
	v13 =	vld [tilespmem:s22+$0x80]  }
0x1aa: {  	v14 =	vld [tilespmem:s8+$0x80]  }
0x1ab: {  	s24 =	simm.s32 $0xC300;
	v16 =	vld [tilespmem:s22+$0xFFFFFF80];
	v0 =	vadd.f32 v1, v0  }
0x1ac: {  	v17 =	vld [tilespmem:s24+$0x0]  }
0x1ad: {  	v18 =	vld [tilespmem:s24+$0xFFFFFF00];
	v0 =	vadd.f32 v2, v0  }
0x1ae: {  	v19 =	vld [tilespmem:s8+$0xFFFFFF00]  }
0x1af: {  	[tilespmem:s13+$0x80] =	vst v0;
	v0 =	vld [tilespmem:s13+$0x90]  }
0x1b0: {  	v2 =	vld [tilespmem:s15+$0x90]  }
0x1b1: {  	v20 =	vld [tilespmem:s8+$0x0]  }
0x1b2: {  	v4 =	vld [tilespmem:s9+$0x90]  }
0x1b3: {  	v29 =	vld [tilespmem:s24+$0xFFFFFF10]  }
0x1b4: {  	v1 =	vld [tilespmem:s15+$0xFFFFFF00]  }
0x1b5: {  	v31 =	vld [tilespmem:s24+$0xFFFFFF90];
	v0 =	vadd.f32 v2, v0  }
0x1b6: {  	v36 =	vld [tilespmem:s24+$0xFFFFFF20]  }
0x1b7: {  	v2 =	vld [tilespmem:s15+$0x0];
	v0 =	vadd.f32 v4, v0  }
0x1b8: {  	v4 =	vld [tilespmem:s9+$0xFFFFFF80]  }
0x1b9: {  	[tilespmem:s13+$0x90] =	vst v0;
	v0 =	vadd.f32 v1, v7;
	v1 =	vld [tilespmem:s13+$0xA0]  }
0x1ba: {  	v7 =	vld [tilespmem:s15+$0xA0]  }
0x1bb: {  	v3 =	vadd.f32 v5, v3;
	v5 =	vld [tilespmem:s9+$0xA0]  }
0x1bc: {  	v2 =	vadd.f32 v2, v6;
	v6 =	vld [tilespmem:s13+$0xFFFFFF90];
	v0 =	vadd.f32 v8, v0  }
0x1bd: {  	v8 =	vld [tilespmem:s13+$0xFFFFFF10]  }
0x1be: {  	v2 =	vadd.f32 v9, v2;
	[tilespmem:s13+$0xFFFFFF00] =	vst v0;
	v0 =	vadd.f32 v4, v3;
	v4 =	vld [tilespmem:s13+$0x10]  }
0x1bf: {  	v3 =	vld [tilespmem:s15+$0xFFFFFF10]  }
0x1c0: {  	[tilespmem:s13+$0x0] =	vst v2;
	v1 =	vadd.f32 v7, v1;
	v7 =	vld [tilespmem:s9+$0xFFFFFF10]  }
0x1c1: {  	[tilespmem:s13+$0xFFFFFF80] =	vst v0;
	v2 =	vld [tilespmem:s15+$0x10]  }
0x1c2: {  	v0 =	vld [tilespmem:s15+$0xFFFFFF90];
	v1 =	vadd.f32 v5, v1  }
0x1c3: {  	v5 =	vld [tilespmem:s9+$0xFFFFFF90]  }
0x1c4: {  	v3 =	vadd.f32 v3, v8;
	[tilespmem:s13+$0xA0] =	vst v1;
	v1 =	vld [tilespmem:s13+$0xB0]  }
0x1c5: {  	v8 =	vld [tilespmem:s9+$0x10]  }
0x1c6: {  	v3 =	vadd.f32 v7, v3;
	v7 =	vld [tilespmem:s15+$0xB0]  }
0x1c7: {  	v0 =	vadd.f32 v0, v6;
	v6 =	vld [tilespmem:s13+$0xFFFFFF20]  }
0x1c8: {  	[tilespmem:s13+$0xFFFFFF10] =	vst v3;
	v3 =	vld [tilespmem:s9+$0xB0]  }
0x1c9: {  	v0 =	vadd.f32 v5, v0;
	v5 =	vld [tilespmem:s13+$0xFFFFFFA0]  }
0x1ca: {  	v2 =	vadd.f32 v2, v4;
	v9 =	vld [tilespmem:s15+$0xFFFFFF20]  }
0x1cb: {  	[tilespmem:s13+$0xFFFFFF90] =	vst v0;
	v0 =	vld [tilespmem:s13+$0x20]  }
0x1cc: {  	v2 =	vadd.f32 v8, v2;
	v1 =	vadd.f32 v7, v1;
	v4 =	vld [tilespmem:s15+$0xFFFFFFA0]  }
0x1cd: {  	v7 =	vld [tilespmem:s9+$0xFFFFFFA0]  }
0x1ce: {  	[tilespmem:s13+$0x10] =	vst v2;
	v1 =	vadd.f32 v3, v1;
	v3 =	vld [tilespmem:s9+$0xFFFFFF20]  }
0x1cf: {  	v8 =	vld [tilespmem:s15+$0x20]  }
0x1d0: {  	[tilespmem:s13+$0xB0] =	vst v1;
	v1 =	vld [tilespmem:s13+$0xC0]  }
0x1d1: {  	v6 =	vadd.f32 v9, v6;
	v2 =	vld [tilespmem:s15+$0xC0]  }
0x1d2: {  	v9 =	vld [tilespmem:s9+$0x20]  }
0x1d3: {  	v4 =	vadd.f32 v4, v5;
	v5 =	vld [tilespmem:s9+$0xC0];
	v3 =	vadd.f32 v3, v6  }
0x1d4: {  	v6 =	vld [tilespmem:s13+$0xFFFFFF30]  }
0x1d5: {  	v0 =	vadd.f32 v8, v0;
	v4 =	vadd.f32 v7, v4;
	v7 =	vld [tilespmem:s13+$0xFFFFFFB0];
	[tilespmem:s13+$0xFFFFFF20] =	vst v3  }
0x1d6: {  	v1 =	vadd.f32 v2, v1;
	v2 =	vld [tilespmem:s15+$0xFFFFFF30]  }
0x1d7: {  	v0 =	vadd.f32 v9, v0;
	v9 =	vld [tilespmem:s13+$0x30]  }
0x1d8: {  	[tilespmem:s13+$0xFFFFFFA0] =	vst v4;
	v4 =	vld [tilespmem:s9+$0xFFFFFF30];
	v1 =	vadd.f32 v5, v1  }
0x1d9: {  	v3 =	vld [tilespmem:s15+$0xFFFFFFB0]  }
0x1da: {  	[tilespmem:s13+$0xC0] =	vst v1;
	v1 =	vld [tilespmem:s13+$0xD0]  }
0x1db: {  	[tilespmem:s13+$0x20] =	vst v0;
	v0 =	vld [tilespmem:s15+$0xD0];
	v2 =	vadd.f32 v2, v6  }
0x1dc: {  	v5 =	vld [tilespmem:s9+$0xFFFFFFB0]  }
0x1dd: {  	v6 =	vld [tilespmem:s9+$0xD0];
	v2 =	vadd.f32 v4, v2  }
0x1de: {  	v8 =	vld [tilespmem:s15+$0x30]  }
0x1df: {  	v3 =	vadd.f32 v3, v7;
	v4 =	vld [tilespmem:s13+$0xFFFFFF40];
	[tilespmem:s13+$0xFFFFFF30] =	vst v2  }
0x1e0: {  	v0 =	vadd.f32 v0, v1;
	v2 =	vld [tilespmem:s15+$0xFFFFFF40]  }
0x1e1: {  	v7 =	vld [tilespmem:s9+$0x30];
	v3 =	vadd.f32 v5, v3  }
0x1e2: {  	v0 =	vadd.f32 v6, v0;
	v6 =	vld [tilespmem:s9+$0xFFFFFF40]  }
0x1e3: {  	[tilespmem:s13+$0xFFFFFFB0] =	vst v3;
	v1 =	vld [tilespmem:s13+$0xFFFFFFC0]  }
0x1e4: {  	v5 =	vadd.f32 v8, v9;
	v3 =	vld [tilespmem:s15+$0xFFFFFFC0]  }
0x1e5: {  	[tilespmem:s13+$0xD0] =	vst v0;
	v0 =	vld [tilespmem:s13+$0xE0];
	v2 =	vadd.f32 v2, v4  }
0x1e6: {  	v5 =	vadd.f32 v7, v5;
	v7 =	vld [tilespmem:s15+$0xE0]  }
0x1e7: {  	v2 =	vadd.f32 v6, v2;
	v6 =	vld [tilespmem:s9+$0xFFFFFFC0]  }
0x1e8: {  	v8 =	vld [tilespmem:s13+$0x40]  }
0x1e9: {  	[tilespmem:s13+$0x30] =	vst v5;
	v4 =	vld [tilespmem:s9+$0xE0]  }
0x1ea: {  	v5 =	vld [tilespmem:s15+$0x40];
	v1 =	vadd.f32 v3, v1  }
0x1eb: {  	v38 =	vld [tilespmem:s24+$0xFFFFFFA0]  }
0x1ec: {  	v9 =	vld [tilespmem:s9+$0x40];
	v0 =	vadd.f32 v7, v0;
	v1 =	vadd.f32 v6, v1  }
0x1ed: {  	v7 =	vld [tilespmem:s13+$0xFFFFFF50]  }
0x1ee: {  	v0 =	vadd.f32 v4, v0;
	v4 =	vld [tilespmem:s13+$0xFFFFFFD0];
	[tilespmem:s13+$0xFFFFFFC0] =	vst v1  }
0x1ef: {  	[tilespmem:s13+$0xFFFFFF40] =	vst v2;
	v2 =	vadd.f32 v5, v8;
	v5 =	vld [tilespmem:s15+$0xFFFFFFD0]  }
0x1f0: {  	v3 =	vld [tilespmem:s15+$0xFFFFFF50]  }
0x1f1: {  	v2 =	vadd.f32 v9, v2;
	v9 =	vld [tilespmem:s9+$0xFFFFFFD0]  }
0x1f2: {  	v43 =	vld [tilespmem:s24+$0xFFFFFF30]  }
0x1f3: {  	v8 =	vld [tilespmem:s9+$0xFFFFFF50]  }
0x1f4: {  	v6 =	vld [tilespmem:s13+$0x50];
	[tilespmem:s13+$0x40] =	vst v2;
	v4 =	vadd.f32 v5, v4  }
0x1f5: {  	v3 =	vadd.f32 v3, v7;
	v7 =	vld [tilespmem:s15+$0x50]  }
0x1f6: {  	v44 =	vld [tilespmem:s24+$0xFFFFFFB0];
	v4 =	vadd.f32 v9, v4  }
0x1f7: {  	v48 =	vld [tilespmem:s24+$0x30]  }
0x1f8: {  	v53 =	vld [tilespmem:s24+$0x40];
	v3 =	vadd.f32 v8, v3;
	[tilespmem:s13+$0xFFFFFFD0] =	vst v4  }
0x1f9: {  	v4 =	vld [tilespmem:s15+$0xFFFFFFE0]  }
0x1fa: {  	[tilespmem:s13+$0xFFFFFF50] =	vst v3;
	v3 =	vadd.f32 v7, v6;
	v7 =	vld [tilespmem:s24+$0x80]  }
0x1fb: {  	v6 =	vld [tilespmem:s9+$0xFFFFFFE0]  }
0x1fc: {  	v56 =	vld [tilespmem:s24+$0x50]  }
0x1fd: {  	v57 =	vld [tilespmem:s24+$0xF0]  }
0x1fe: {  	v5 =	vld [tilespmem:s9+$0x50];
	v11 =	vadd.f32 v4, v11  }
0x1ff: {  	[tilespmem:s13+$0xE0] =	vst v0;
	v0 =	vld [tilespmem:s13+$0xF0]  }
0x200: {  	v9 =	vld [tilespmem:s15+$0xFFFFFF60];
	v6 =	vadd.f32 v6, v11;
	v11 =	vadd.f32 v13, v7  }
0x201: {  	v1 =	vld [tilespmem:s15+$0xF0]  }
0x202: {  	v12 =	vld [tilespmem:s9+$0xFFFFFF60];
	v11 =	vadd.f32 v14, v11  }
0x203: {  	v2 =	vld [tilespmem:s9+$0xF0];
	v5 =	vadd.f32 v5, v3  }
0x204: {  	[tilespmem:s24+$0x80] =	vst v11;
	v11 =	vld [tilespmem:s24+$0x90]  }
0x205: {  	[tilespmem:s13+$0x50] =	vst v5;
	v5 =	vadd.f32 v9, v10;
	v13 =	vld [tilespmem:s22+$0x90]  }
0x206: {  	v61 =	vld [tilespmem:s24+$0x60]  }
0x207: {  	v12 =	vadd.f32 v12, v5;
	v15 =	vld [tilespmem:s8+$0x90]  }
0x208: {  	v8 =	vld [tilespmem:s13+$0x60];
	v0 =	vadd.f32 v1, v0  }
0x209: {  	[tilespmem:s13+$0xFFFFFF60] =	vst v12;
	v12 =	vld [tilespmem:s22+$0xFFFFFF00]  }
0x20a: {  	v2 =	vadd.f32 v2, v0;
	v0 =	vld [tilespmem:s24+$0x70];
	v11 =	vadd.f32 v13, v11  }
0x20b: {  	v3 =	vld [tilespmem:s13+$0xFFFFFF70]  }
0x20c: {  	v14 =	vld [tilespmem:s24+$0xFFFFFF80];
	v11 =	vadd.f32 v15, v11  }
0x20d: {  	v10 =	vld [tilespmem:s15+$0x60]  }
0x20e: {  	v15 =	vld [tilespmem:s8+$0xFFFFFF80];
	[tilespmem:s24+$0x90] =	vst v11;
	v11 =	vadd.f32 v12, v18  }
0x20f: {  	v12 =	vld [tilespmem:s24+$0xA0]  }
0x210: {  	v28 =	vld [tilespmem:s22+$0xA0];
	v11 =	vadd.f32 v19, v11  }
0x211: {  	v14 =	vadd.f32 v16, v14;
	v13 =	vld [tilespmem:s22+$0x0]  }
0x212: {  	v30 =	vld [tilespmem:s8+$0xA0];
	[tilespmem:s24+$0xFFFFFF00] =	vst v11  }
0x213: {  	v11 =	vadd.f32 v15, v14;
	v14 =	vld [tilespmem:s22+$0xFFFFFF10]  }
0x214: {  	v9 =	vld [tilespmem:s9+$0x60]  }
0x215: {  	v32 =	vld [tilespmem:s8+$0xFFFFFF10];
	v12 =	vadd.f32 v28, v12;
	[tilespmem:s24+$0xFFFFFF80] =	vst v11  }
0x216: {  	v13 =	vadd.f32 v13, v17;
	v11 =	vld [tilespmem:s22+$0xFFFFFF90]  }
0x217: {  	v15 =	vld [tilespmem:s24+$0x10];
	v12 =	vadd.f32 v30, v12  }
0x218: {  	v13 =	vadd.f32 v20, v13;
	v33 =	vld [tilespmem:s8+$0xFFFFFF90];
	v14 =	vadd.f32 v14, v29  }
0x219: {  	[tilespmem:s24+$0xA0] =	vst v12;
	v12 =	vld [tilespmem:s24+$0xB0]  }
0x21a: {  	[tilespmem:s24+$0x0] =	vst v13;
	v34 =	vld [tilespmem:s22+$0xB0];
	v14 =	vadd.f32 v32, v14  }
0x21b: {  	v13 =	vld [tilespmem:s22+$0x10];
	v11 =	vadd.f32 v11, v31  }
0x21c: {  	[tilespmem:s24+$0xFFFFFF10] =	vst v14;
	v14 =	vld [tilespmem:s8+$0xB0]  }
0x21d: {  	v35 =	vld [tilespmem:s8+$0x10];
	v11 =	vadd.f32 v33, v11  }
0x21e: {  	v37 =	vld [tilespmem:s22+$0xFFFFFF20]  }
0x21f: {  	v12 =	vadd.f32 v34, v12;
	[tilespmem:s24+$0xFFFFFF90] =	vst v11;
	v11 =	vld [tilespmem:s24+$0x20]  }
0x220: {  	v13 =	vadd.f32 v13, v15;
	v15 =	vld [tilespmem:s22+$0xFFFFFFA0]  }
0x221: {  	v12 =	vadd.f32 v14, v12;
	v14 =	vld [tilespmem:s8+$0xFFFFFF20]  }
0x222: {  	v13 =	vadd.f32 v35, v13;
	v39 =	vld [tilespmem:s8+$0xFFFFFFA0]  }
0x223: {  	[tilespmem:s24+$0xB0] =	vst v12;
	v12 =	vld [tilespmem:s24+$0xC0]  }
0x224: {  	[tilespmem:s24+$0x10] =	vst v13;
	v17 =	vadd.f32 v37, v36;
	v13 =	vld [tilespmem:s22+$0xC0]  }
0x225: {  	v40 =	vld [tilespmem:s22+$0x20];
	v15 =	vadd.f32 v15, v38  }
0x226: {  	v41 =	vld [tilespmem:s8+$0xC0];
	v14 =	vadd.f32 v14, v17  }
0x227: {  	v42 =	vld [tilespmem:s8+$0x20];
	v15 =	vadd.f32 v39, v15  }
0x228: {  	v5 =	vld [tilespmem:s13+$0x70];
	[tilespmem:s24+$0xFFFFFF20] =	vst v14  }
0x229: {  	[tilespmem:s24+$0xFFFFFFA0] =	vst v15;
	v12 =	vadd.f32 v13, v12;
	v13 =	vld [tilespmem:s22+$0xFFFFFF30]  }
0x22a: {  	v11 =	vadd.f32 v40, v11;
	v14 =	vld [tilespmem:s22+$0xFFFFFFB0]  }
0x22b: {  	v15 =	vld [tilespmem:s8+$0xFFFFFF30];
	v12 =	vadd.f32 v41, v12  }
0x22c: {  	v11 =	vadd.f32 v42, v11;
	v45 =	vld [tilespmem:s8+$0xFFFFFFB0]  }
0x22d: {  	[tilespmem:s24+$0xC0] =	vst v12;
	v12 =	vld [tilespmem:s24+$0xD0]  }
0x22e: {  	[tilespmem:s24+$0x20] =	vst v11;
	v11 =	vld [tilespmem:s22+$0xD0]  }
0x22f: {  	v46 =	vld [tilespmem:s22+$0x30];
	v13 =	vadd.f32 v13, v43  }
0x230: {  	v47 =	vld [tilespmem:s8+$0xD0];
	v14 =	vadd.f32 v14, v44  }
0x231: {  	v49 =	vld [tilespmem:s8+$0x30];
	v13 =	vadd.f32 v15, v13  }
0x232: {  	v15 =	vld [tilespmem:s24+$0xFFFFFF40];
	v14 =	vadd.f32 v45, v14  }
0x233: {  	[tilespmem:s24+$0xFFFFFF30] =	vst v13;
	v11 =	vadd.f32 v11, v12;
	v12 =	vld [tilespmem:s24+$0xFFFFFFC0]  }
0x234: {  	[tilespmem:s24+$0xFFFFFFB0] =	vst v14;
	v13 =	vld [tilespmem:s22+$0xFFFFFF40]  }
0x235: {  	v14 =	vld [tilespmem:s22+$0xFFFFFFC0];
	v11 =	vadd.f32 v47, v11  }
0x236: {  	v51 =	vld [tilespmem:s8+$0xFFFFFF40]  }
0x237: {  	v50 =	vadd.f32 v46, v48;
	[tilespmem:s24+$0xD0] =	vst v11;
	v11 =	vld [tilespmem:s24+$0xE0]  }
0x238: {  	v52 =	vld [tilespmem:s22+$0xE0]  }
0x239: {  	v16 =	vadd.f32 v49, v50;
	v54 =	vld [tilespmem:s8+$0xFFFFFFC0]  }
0x23a: {  	v13 =	vadd.f32 v13, v15;
	v15 =	vld [tilespmem:s8+$0xE0]  }
0x23b: {  	v4 =	vld [tilespmem:s13+$0xFFFFFFF0];
	[tilespmem:s24+$0x30] =	vst v16  }
0x23c: {  	v16 =	vld [tilespmem:s22+$0x40];
	v12 =	vadd.f32 v14, v12  }
0x23d: {  	v7 =	vld [tilespmem:s15+$0xFFFFFF70];
	v13 =	vadd.f32 v51, v13;
	v11 =	vadd.f32 v52, v11  }
0x23e: {  	[tilespmem:s13+$0xFFFFFFE0] =	vst v6;
	v55 =	vld [tilespmem:s8+$0x40];
	v12 =	vadd.f32 v54, v12  }
0x23f: {  	v6 =	vld [tilespmem:s15+$0xFFFFFFF0];
	[tilespmem:s24+$0xFFFFFF40] =	vst v13;
	v11 =	vadd.f32 v15, v11  }
0x240: {  	v13 =	vld [tilespmem:s24+$0xFFFFFF50];
	[tilespmem:s24+$0xFFFFFFC0] =	vst v12  }
0x241: {  	v58 =	vld [tilespmem:s22+$0xFFFFFFD0];
	[tilespmem:s24+$0xE0] =	vst v11;
	v11 =	vadd.f32 v16, v53  }
0x242: {  	v15 =	vld [tilespmem:s24+$0xFFFFFFD0]  }
0x243: {  	v14 =	vld [tilespmem:s22+$0xFFFFFF50];
	v11 =	vadd.f32 v55, v11  }
0x244: {  	v8 =	vadd.f32 v10, v8;
	v10 =	vld [tilespmem:s8+$0xFFFFFFD0]  }
0x245: {  	[tilespmem:s24+$0x40] =	vst v11;
	v11 =	vld [tilespmem:s8+$0xFFFFFF50]  }
0x246: {  	v60 =	vld [tilespmem:s22+$0x50]  }
0x247: {  	v8 =	vadd.f32 v9, v8;
	v9 =	vld [tilespmem:s24+$0xFFFFFF60];
	v15 =	vadd.f32 v58, v15  }
0x248: {  	v13 =	vadd.f32 v14, v13;
	v14 =	vld [tilespmem:s8+$0x50]  }
0x249: {  	[tilespmem:s13+$0x60] =	vst v8;
	v8 =	vld [tilespmem:s24+$0xFFFFFF70];
	v10 =	vadd.f32 v10, v15  }
0x24a: {  	v12 =	vld [tilespmem:s22+$0xF0]  }
0x24b: {  	v59 =	vld [tilespmem:s8+$0xF0];
	[tilespmem:s24+$0xFFFFFFD0] =	vst v10;
	v11 =	vadd.f32 v11, v13;
	v17 =	vadd.f32 v60, v56  }
0x24c: {  	v10 =	vld [tilespmem:s22+$0xFFFFFFE0]  }
0x24d: {  	v13 =	vld [tilespmem:s24+$0xFFFFFFE0];
	[tilespmem:s24+$0xFFFFFF50] =	vst v11;
	v11 =	vadd.f32 v14, v17  }
0x24e: {  	v14 =	vld [tilespmem:s22+$0xFFFFFF60]  }
0x24f: {  	v62 =	vld [tilespmem:s8+$0xFFFFFF60];
	[tilespmem:s24+$0x50] =	vst v11  }
0x250: {  	v12 =	vadd.f32 v12, v57;
	v11 =	vld [tilespmem:s22+$0x60]  }
0x251: {  	v1 =	vld [tilespmem:s8+$0xFFFFFFE0]  }
0x252: {  	v12 =	vadd.f32 v59, v12;
	v63 =	vld [tilespmem:s8+$0x60]  }
0x253: {  	v15 =	vld [tilespmem:s15+$0x70];
	v14 =	vadd.f32 v14, v9  }
0x254: {  	[tilespmem:s24+$0xF0] =	vst v12;
	v12 =	vld [tilespmem:s9+$0xFFFFFFF0];
	v10 =	vadd.f32 v10, v13  }
0x255: {  	[tilespmem:s13+$0xF0] =	vst v2;
	v13 =	vadd.f32 v62, v14;
	v2 =	vadd.f32 v11, v61;
	v11 =	vld [tilespmem:s9+$0xFFFFFF70]  }
0x256: {  	v9 =	vld [tilespmem:s24+$0xFFFFFFF0];
	v14 =	vadd.f32 v1, v10  }
0x257: {  	v10 =	vld [tilespmem:s9+$0x70];
	[tilespmem:s24+$0xFFFFFF60] =	vst v13;
	v13 =	vadd.f32 v63, v2  }
0x258: {  	s17 =	simm.s32 $0xC500;
	v1 =	vadd.f32 v7, v3;
	[tilespmem:s24+$0xFFFFFFE0] =	vst v14;
	v7 =	vld [tilespmem:s22+$0xFFFFFF70]  }
0x259: {  	s18 =	simm.s32 $0x10300;
	s15 =	simm.s32 $0x14300;
	v3 =	vadd.f32 v15, v5;
	s9 =	simm.s32 $0x4;
	v2 =	vadd.f32 v6, v4;
	v4 =	vld [tilespmem:s22+$0xFFFFFFF0];
	[tilespmem:s24+$0x60] =	vst v13  }
.LBB2_12:
0x25a: {  	v5 =	vld [tilespmem:s17+$0x80];
	s22 =	sadd.s32 $0x200, s22;
	v1 =	vadd.f32 v11, v1  }
0x25b: {  	s9 =	sadd.s32 $0x4, s9;
	v6 =	vld [tilespmem:s22+$0x80];
	v2 =	vadd.f32 v12, v2  }
0x25c: {  	s8 =	sadd.s32 $0x200, s8;
	p2 =	slt.u32 s9, $0x7C;
	v11 =	vld [tilespmem:s22+$0xFFFFFF00];
	[tilespmem:s13+$0xFFFFFF70] =	vst v1;
	v3 =	vadd.f32 v10, v3  }
0x25d: {  	v10 =	vld [tilespmem:s8+$0x80];
	v1 =	vadd.f32 v7, v8;
	[tilespmem:s13+$0xFFFFFFF0] =	vst v2  }
0x25e: {  	v7 =	vld [tilespmem:s17+$0xFFFFFF80];
	v2 =	vadd.f32 v4, v9;
	[tilespmem:s13+$0x70] =	vst v3;
	s13 =	smov.u32 s24;
	s24 =	smov.u32 s17  }
0x25f: {  	v3 =	vld [tilespmem:s22+$0xFFFFFF80]  }
0x260: {  	v4 =	vld [tilespmem:s17+$0x0];
	v5 =	vadd.f32 v6, v5  }
0x261: {  	v6 =	vld [tilespmem:s22+$0x0]  }
0x262: {  	v8 =	vld [tilespmem:s17+$0xFFFFFF00];
	v5 =	vadd.f32 v10, v5  }
0x263: {  	v9 =	vld [tilespmem:s8+$0xFFFFFF00]  }
0x264: {  	v3 =	vadd.f32 v3, v7;
	[tilespmem:s17+$0x80] =	vst v5;
	v5 =	vld [tilespmem:s17+$0x90]  }
0x265: {  	v7 =	vld [tilespmem:s22+$0x90]  }
0x266: {  	v10 =	vld [tilespmem:s8+$0xFFFFFF80];
	v4 =	vadd.f32 v6, v4  }
0x267: {  	v6 =	vadd.f32 v11, v8;
	v8 =	vld [tilespmem:s8+$0x90]  }
0x268: {  	v11 =	vld [tilespmem:s8+$0x0]  }
0x269: {  	v6 =	vadd.f32 v9, v6;
	v9 =	vld [tilespmem:s17+$0xFFFFFF10]  }
0x26a: {  	v12 =	vld [tilespmem:s17+$0xFFFFFF90];
	v5 =	vadd.f32 v7, v5  }
0x26b: {  	[tilespmem:s17+$0xFFFFFF00] =	vst v6;
	v3 =	vadd.f32 v10, v3;
	v6 =	vld [tilespmem:s17+$0x10]  }
0x26c: {  	v7 =	vld [tilespmem:s22+$0xFFFFFF10];
	v5 =	vadd.f32 v8, v5  }
0x26d: {  	v8 =	vld [tilespmem:s8+$0xFFFFFF10];
	[tilespmem:s17+$0xFFFFFF80] =	vst v3;
	v3 =	vadd.f32 v11, v4  }
0x26e: {  	[tilespmem:s17+$0x90] =	vst v5;
	v4 =	vld [tilespmem:s17+$0xA0]  }
0x26f: {  	[tilespmem:s17+$0x0] =	vst v3;
	v3 =	vld [tilespmem:s22+$0xA0]  }
0x270: {  	v5 =	vld [tilespmem:s22+$0xFFFFFF90]  }
0x271: {  	v7 =	vadd.f32 v7, v9;
	v9 =	vld [tilespmem:s8+$0xA0]  }
0x272: {  	v10 =	vld [tilespmem:s22+$0x10]  }
0x273: {  	v7 =	vadd.f32 v8, v7;
	v8 =	vld [tilespmem:s8+$0xFFFFFF90]  }
0x274: {  	v11 =	vld [tilespmem:s8+$0x10];
	v3 =	vadd.f32 v3, v4  }
0x275: {  	[tilespmem:s17+$0xFFFFFF10] =	vst v7;
	v4 =	vld [tilespmem:s17+$0xFFFFFF20];
	v5 =	vadd.f32 v5, v12  }
0x276: {  	v7 =	vld [tilespmem:s22+$0xFFFFFF20];
	v3 =	vadd.f32 v9, v3  }
0x277: {  	v9 =	vld [tilespmem:s17+$0xFFFFFFA0];
	v6 =	vadd.f32 v10, v6  }
0x278: {  	v5 =	vadd.f32 v8, v5;
	[tilespmem:s17+$0xA0] =	vst v3;
	v3 =	vld [tilespmem:s17+$0xB0]  }
0x279: {  	v6 =	vadd.f32 v11, v6;
	v8 =	vld [tilespmem:s22+$0xB0]  }
0x27a: {  	[tilespmem:s17+$0xFFFFFF90] =	vst v5;
	v5 =	vld [tilespmem:s17+$0x20]  }
0x27b: {  	v4 =	vadd.f32 v7, v4;
	[tilespmem:s17+$0x10] =	vst v6;
	v6 =	vld [tilespmem:s8+$0xB0]  }
0x27c: {  	v7 =	vld [tilespmem:s22+$0xFFFFFFA0]  }
0x27d: {  	v10 =	vld [tilespmem:s22+$0x20]  }
0x27e: {  	v11 =	vld [tilespmem:s8+$0xFFFFFF20];
	v3 =	vadd.f32 v8, v3  }
0x27f: {  	v8 =	vld [tilespmem:s8+$0xFFFFFFA0]  }
0x280: {  	v12 =	vld [tilespmem:s8+$0x20];
	v3 =	vadd.f32 v6, v3  }
0x281: {  	v6 =	vld [tilespmem:s17+$0xFFFFFF30];
	v7 =	vadd.f32 v7, v9  }
0x282: {  	v5 =	vadd.f32 v10, v5;
	[tilespmem:s17+$0xB0] =	vst v3;
	v3 =	vld [tilespmem:s17+$0xC0]  }
0x283: {  	v4 =	vadd.f32 v11, v4;
	v9 =	vld [tilespmem:s22+$0xC0]  }
0x284: {  	v7 =	vadd.f32 v8, v7;
	v8 =	vld [tilespmem:s17+$0xFFFFFFB0]  }
0x285: {  	[tilespmem:s17+$0xFFFFFF20] =	vst v4;
	v4 =	vadd.f32 v12, v5;
	v5 =	vld [tilespmem:s8+$0xC0]  }
0x286: {  	v10 =	vld [tilespmem:s22+$0xFFFFFF30];
	[tilespmem:s17+$0xFFFFFFA0] =	vst v7  }
0x287: {  	v7 =	vld [tilespmem:s22+$0xFFFFFFB0];
	[tilespmem:s17+$0x20] =	vst v4  }
0x288: {  	v4 =	vld [tilespmem:s22+$0x30];
	v3 =	vadd.f32 v9, v3  }
0x289: {  	v9 =	vld [tilespmem:s17+$0x30]  }
0x28a: {  	v11 =	vld [tilespmem:s8+$0xFFFFFF30];
	v3 =	vadd.f32 v5, v3  }
0x28b: {  	v5 =	vadd.f32 v10, v6;
	v6 =	vld [tilespmem:s8+$0xFFFFFFB0]  }
0x28c: {  	v7 =	vadd.f32 v7, v8;
	[tilespmem:s17+$0xC0] =	vst v3;
	v3 =	vld [tilespmem:s17+$0xD0]  }
0x28d: {  	v8 =	vld [tilespmem:s22+$0xD0]  }
0x28e: {  	v4 =	vadd.f32 v4, v9;
	v9 =	vld [tilespmem:s8+$0x30]  }
0x28f: {  	v5 =	vadd.f32 v11, v5;
	v10 =	vld [tilespmem:s8+$0xD0]  }
0x290: {  	v11 =	vld [tilespmem:s17+$0xFFFFFF40];
	v6 =	vadd.f32 v6, v7  }
0x291: {  	[tilespmem:s17+$0xFFFFFF30] =	vst v5;
	v5 =	vld [tilespmem:s17+$0xFFFFFFC0]  }
0x292: {  	v7 =	vld [tilespmem:s22+$0xFFFFFF40];
	[tilespmem:s17+$0xFFFFFFB0] =	vst v6;
	v3 =	vadd.f32 v8, v3  }
0x293: {  	v6 =	vld [tilespmem:s22+$0xFFFFFFC0];
	v4 =	vadd.f32 v9, v4  }
0x294: {  	v8 =	vld [tilespmem:s17+$0x40];
	v3 =	vadd.f32 v10, v3  }
0x295: {  	v9 =	vld [tilespmem:s8+$0xFFFFFF40];
	[tilespmem:s17+$0x30] =	vst v4  }
0x296: {  	[tilespmem:s17+$0xD0] =	vst v3;
	v3 =	vld [tilespmem:s17+$0xE0]  }
0x297: {  	v4 =	vadd.f32 v7, v11;
	v7 =	vld [tilespmem:s22+$0xE0]  }
0x298: {  	v5 =	vadd.f32 v6, v5;
	v6 =	vld [tilespmem:s22+$0x40]  }
0x299: {  	v10 =	vld [tilespmem:s8+$0xE0]  }
0x29a: {  	v4 =	vadd.f32 v9, v4;
	v9 =	vld [tilespmem:s8+$0xFFFFFFC0]  }
0x29b: {  	v11 =	vld [tilespmem:s8+$0x40]  }
0x29c: {  	[tilespmem:s17+$0xFFFFFF40] =	vst v4;
	v4 =	vld [tilespmem:s17+$0xFFFFFF50];
	v3 =	vadd.f32 v7, v3  }
0x29d: {  	v7 =	vld [tilespmem:s22+$0xFFFFFF50];
	v6 =	vadd.f32 v6, v8  }
0x29e: {  	v8 =	vld [tilespmem:s17+$0xFFFFFFD0];
	v3 =	vadd.f32 v10, v3  }
0x29f: {  	v5 =	vadd.f32 v9, v5;
	v9 =	vld [tilespmem:s17+$0x50]  }
0x2a0: {  	v6 =	vadd.f32 v11, v6;
	[tilespmem:s17+$0xE0] =	vst v3;
	v3 =	vld [tilespmem:s17+$0xF0]  }
0x2a1: {  	[tilespmem:s17+$0xFFFFFFC0] =	vst v5;
	v5 =	vld [tilespmem:s22+$0xF0]  }
0x2a2: {  	v4 =	vadd.f32 v7, v4;
	v7 =	vld [tilespmem:s22+$0xFFFFFFD0];
	[tilespmem:s17+$0x40] =	vst v6  }
0x2a3: {  	v6 =	vld [tilespmem:s8+$0xF0]  }
0x2a4: {  	v10 =	vld [tilespmem:s22+$0x50]  }
0x2a5: {  	v11 =	vld [tilespmem:s8+$0xFFFFFF50]  }
0x2a6: {  	v12 =	vld [tilespmem:s8+$0xFFFFFFD0];
	v3 =	vadd.f32 v5, v3  }
0x2a7: {  	v5 =	vadd.f32 v7, v8;
	v7 =	vld [tilespmem:s8+$0x50]  }
0x2a8: {  	v13 =	vld [tilespmem:s17+$0xFFFFFF60];
	v3 =	vadd.f32 v6, v3  }
0x2a9: {  	v6 =	vld [tilespmem:s17+$0xFFFFFFE0];
	v9 =	vadd.f32 v10, v9  }
0x2aa: {  	v4 =	vadd.f32 v11, v4;
	v10 =	vld [tilespmem:s17+$0x60];
	[tilespmem:s17+$0xF0] =	vst v3  }
0x2ab: {  	v3 =	vadd.f32 v12, v5;
	v5 =	vld [tilespmem:s18+$0x70];
	s18 =	smov.u32 s22  }
0x2ac: {  	[tilespmem:s17+$0xFFFFFF50] =	vst v4;
	v8 =	vld [tilespmem:s17+$0xFFFFFF70];
	v4 =	vadd.f32 v7, v9  }
0x2ad: {  	v7 =	vld [tilespmem:s22+$0xFFFFFF60];
	[tilespmem:s17+$0xFFFFFFD0] =	vst v3  }
0x2ae: {  	v9 =	vld [tilespmem:s22+$0xFFFFFFE0];
	[tilespmem:s17+$0x50] =	vst v4  }
0x2af: {  	v4 =	vld [tilespmem:s22+$0x60]  }
0x2b0: {  	v11 =	vld [tilespmem:s8+$0xFFFFFF60];
	v3 =	vadd.f32 v5, v0  }
0x2b1: {  	v5 =	vld [tilespmem:s8+$0xFFFFFFE0]  }
0x2b2: {  	v7 =	vadd.f32 v7, v13;
	v13 =	vld [tilespmem:s8+$0x60]  }
0x2b3: {  	v6 =	vadd.f32 v9, v6;
	v9 =	vld [tilespmem:s17+$0xFFFFFFF0]  }
0x2b4: {  	v4 =	vadd.f32 v4, v10;
	v0 =	vld [tilespmem:s17+$0x70]  }
.Ltmp11:
0x2b5: {  	v7 =	vadd.f32 v11, v7;
	v11 =	vld [tilespmem:s15+$0xFFFFFF70];
	(pc) =	sbr.rel @p2 .LBB2_12-.Ltmp11, $4  }
0x2b6: {  	v5 =	vadd.f32 v5, v6;
	v12 =	vld [tilespmem:s15+$0xFFFFFFF0]  }
0x2b7: {  	[tilespmem:s17+$0xFFFFFF60] =	vst v7;
	v6 =	vadd.f32 v13, v4;
	v10 =	vld [tilespmem:s15+$0x70];
	s15 =	smov.u32 s8  }
0x2b8: {  	v7 =	vld [tilespmem:s22+$0xFFFFFF70];
	[tilespmem:s17+$0xFFFFFFE0] =	vst v5  }
0x2b9: {  	s17 =	sadd.s32 $0x200, s17;
	v4 =	vld [tilespmem:s22+$0xFFFFFFF0];
	[tilespmem:s24+$0x60] =	vst v6  }
0x2ba: {  	v5 =	vld [tilespmem:s18+$0x70]  }
0x2bb: {  	v6 =	vld [tilespmem:s15+$0xFFFFFF70]  }
0x2bc: {  	v13 =	vld [tilespmem:s15+$0xFFFFFFF0]  }
0x2bd: {  	v1 =	vadd.f32 v11, v1;
	v59 =	vld [tilespmem:s15+$0x70]  }
0x2be: {  	v2 =	vadd.f32 v12, v2;
	v7 =	vadd.f32 v7, v8  }
0x2bf: {  	[tilespmem:s13+$0xFFFFFF70] =	vst v1;
	v60 =	vadd.f32 v10, v3;
	v61 =	vadd.f32 v4, v9  }
0x2c0: {  	[tilespmem:s13+$0xFFFFFFF0] =	vst v2;
	v0 =	vadd.f32 v5, v0;
	v62 =	vadd.f32 v6, v7  }
.Ltmp12:
0x2c1: {  	s8 =	sshll.u32 s12, $0x13;
	[tilespmem:s13+$0x70] =	vst v60;
	v63 =	vadd.f32 v13, v61;
	(pc) =	sbr.rel .LBB2_14-.Ltmp12, $4  }
0x2c2: {  	s8 =	sor.u32 s11, s8;
	[tilespmem:s24+$0xFFFFFF70] =	vst v62;
	v0 =	vadd.f32 v59, v0  }
0x2c3: {  	s8 =	sshrl.u32 s8, $0x3;
	[tilespmem:s24+$0xFFFFFFF0] =	vst v63  }
0x2c4: {  	s8 =	sadd.s32 s2, s8;
	[tilespmem:s24+$0x70] =	vst v0  }
0x2c5: {  	[hbm4b:s8+s6] =	stream.linear.scatter [tilespmem:s30], [sflag:$0x5], $0x4000, $0x38;
	[tilespmem:$0x1E838] =	vst v63  }
.LBB2_15:
0x2c6: {  	_ =	swait.ge [sflag:s31], $0x4000  }
.Ltmp13:
0x2c7: {  	[sflag:s31] =	ssyncset.done $0x0;
	(pc) =	sbr.rel @p1 .LBB2_19-.Ltmp13, $4  }
0x2c8: {  	[sflag:s31] =	ssyncadd.s32 $0xFFFFC000  }
0x2c9: {  	_ =	swait.ge [sflag:s0], $0x4000  }
0x2ca: {  	[sflag:s0] =	ssyncset.done $0x0  }
0x2cb: {  	[sflag:s0] =	ssyncadd.s32 $0xFFFFC000  }
0x2cc: {  	s1 =	rddreg [dreg:$0x9];
	s8 =	simm.s32 $0x1A400  }
0x2cd: {  	[tilespmem:s8], [sflag:$0x6] =	stream.linear.gather [hbm4b:s1+s6], $0x180, $0x38;
	[tilespmem:$0x1E838] =	vst v63  }
0x2ce: {  	_ =	swait.ge [sflag:s23], $0x180  }
0x2cf: {  	[sflag:s23] =	ssyncset.done $0x0  }
0x2d0: {  	[sflag:s23] =	ssyncadd.s32 $0xFFFFFE80  }
0x2d1: {  	[tilespmem:s6], [sflag:$0x2] =	stream.indirect.gather [spmem:s3], $0x80, s8, s21, $0xb8;
	[tilespmem:$0x1E838] =	vst v63  }
0x2d2: {  	s18 =	simm.s32 $0x4000;
	s22 =	simm.s32 $0x1A480  }
0x2d3: {  	[tilespmem:s18], [sflag:$0x2] =	stream.indirect.gather [spmem:s4], $0x80, s22, s21, $0xb8;
	[tilespmem:$0x1E838] =	vst v63  }
0x2d4: {  	s24 =	simm.s32 $0x8000;
	s26 =	simm.s32 $0x1A500  }
0x2d5: {  	[tilespmem:s24], [sflag:$0x2] =	stream.indirect.gather [spmem:s5], $0x80, s26, s21, $0xb8;
	[tilespmem:$0x1E838] =	vst v63  }
0x2d6: {  	_ =	swait.ge [sflag:s28], $0x4000  }
0x2d7: {  	[sflag:s28] =	ssyncset.done $0x0  }
0x2d8: {  	[sflag:s28] =	ssyncadd.s32 $0xFFFFC000  }
0x2d9: {  	_ =	swait.ge [sflag:s28], $0x4000  }
0x2da: {  	[sflag:s28] =	ssyncset.done $0x0  }
0x2db: {  	[sflag:s28] =	ssyncadd.s32 $0xFFFFC000  }
0x2dc: {  	_ =	swait.ge [sflag:s28], $0x4000  }
0x2dd: {  	[sflag:s28] =	ssyncset.done $0x0  }
0x2de: {  	s1 =	simm.s32 $0x100;
	[sflag:s28] =	ssyncadd.s32 $0xFFFFC000  }
0x2df: {  	s15 =	simm.s32 $0x4100;
	v0 =	vld [tilespmem:s1+$0x80]  }
0x2e0: {  	s9 =	simm.s32 $0x8100;
	v1 =	vld [tilespmem:s15+$0x80]  }
0x2e1: {  	v2 =	vld [tilespmem:s9+$0x80]  }
0x2e2: {  	v3 =	vld [tilespmem:s1+$0xFFFFFF80]  }
0x2e3: {  	v5 =	vld [tilespmem:s15+$0xFFFFFF80]  }
0x2e4: {  	v6 =	vld [tilespmem:s1+$0x0]  }
0x2e5: {  	v7 =	vld [tilespmem:s1+$0xFFFFFF00]  }
0x2e6: {  	v8 =	vld [tilespmem:s9+$0xFFFFFF00]  }
0x2e7: {  	v9 =	vld [tilespmem:s9+$0x0]  }
0x2e8: {  	v10 =	vld [tilespmem:s1+$0xFFFFFF60]  }
0x2e9: {  	s13 =	simm.s32 $0x4300;
	v11 =	vld [tilespmem:s1+$0xFFFFFFE0]  }
0x2ea: {  	s8 =	simm.s32 $0x8300;
	v13 =	vld [tilespmem:s13+$0x80]  }
0x2eb: {  	v14 =	vld [tilespmem:s8+$0x80]  }
0x2ec: {  	s12 =	simm.s32 $0x300;
	v16 =	vld [tilespmem:s13+$0xFFFFFF80];
	v0 =	vadd.f32 v1, v0  }
0x2ed: {  	v17 =	vld [tilespmem:s12+$0x0]  }
0x2ee: {  	v18 =	vld [tilespmem:s12+$0xFFFFFF00];
	v0 =	vadd.f32 v2, v0  }
0x2ef: {  	v19 =	vld [tilespmem:s8+$0xFFFFFF00]  }
0x2f0: {  	[tilespmem:s1+$0x80] =	vst v0;
	v0 =	vld [tilespmem:s1+$0x90]  }
0x2f1: {  	v2 =	vld [tilespmem:s15+$0x90]  }
0x2f2: {  	v20 =	vld [tilespmem:s8+$0x0]  }
0x2f3: {  	v4 =	vld [tilespmem:s9+$0x90]  }
0x2f4: {  	v29 =	vld [tilespmem:s12+$0xFFFFFF10]  }
0x2f5: {  	v1 =	vld [tilespmem:s15+$0xFFFFFF00]  }
0x2f6: {  	v31 =	vld [tilespmem:s12+$0xFFFFFF90];
	v0 =	vadd.f32 v2, v0  }
0x2f7: {  	v36 =	vld [tilespmem:s12+$0xFFFFFF20]  }
0x2f8: {  	v2 =	vld [tilespmem:s15+$0x0];
	v0 =	vadd.f32 v4, v0  }
0x2f9: {  	v4 =	vld [tilespmem:s9+$0xFFFFFF80]  }
0x2fa: {  	[tilespmem:s1+$0x90] =	vst v0;
	v0 =	vadd.f32 v1, v7;
	v1 =	vld [tilespmem:s1+$0xA0]  }
0x2fb: {  	v7 =	vld [tilespmem:s15+$0xA0]  }
0x2fc: {  	v3 =	vadd.f32 v5, v3;
	v5 =	vld [tilespmem:s9+$0xA0]  }
0x2fd: {  	v2 =	vadd.f32 v2, v6;
	v6 =	vld [tilespmem:s1+$0xFFFFFF90];
	v0 =	vadd.f32 v8, v0  }
0x2fe: {  	v8 =	vld [tilespmem:s1+$0xFFFFFF10]  }
0x2ff: {  	v2 =	vadd.f32 v9, v2;
	[tilespmem:s1+$0xFFFFFF00] =	vst v0;
	v0 =	vadd.f32 v4, v3;
	v4 =	vld [tilespmem:s1+$0x10]  }
0x300: {  	v3 =	vld [tilespmem:s15+$0xFFFFFF10]  }
0x301: {  	[tilespmem:s1+$0x0] =	vst v2;
	v1 =	vadd.f32 v7, v1;
	v7 =	vld [tilespmem:s9+$0xFFFFFF10]  }
0x302: {  	[tilespmem:s1+$0xFFFFFF80] =	vst v0;
	v2 =	vld [tilespmem:s15+$0x10]  }
0x303: {  	v0 =	vld [tilespmem:s15+$0xFFFFFF90];
	v1 =	vadd.f32 v5, v1  }
0x304: {  	v5 =	vld [tilespmem:s9+$0xFFFFFF90]  }
0x305: {  	v3 =	vadd.f32 v3, v8;
	[tilespmem:s1+$0xA0] =	vst v1;
	v1 =	vld [tilespmem:s1+$0xB0]  }
0x306: {  	v8 =	vld [tilespmem:s9+$0x10]  }
0x307: {  	v3 =	vadd.f32 v7, v3;
	v7 =	vld [tilespmem:s15+$0xB0]  }
0x308: {  	v0 =	vadd.f32 v0, v6;
	v6 =	vld [tilespmem:s1+$0xFFFFFF20]  }
0x309: {  	[tilespmem:s1+$0xFFFFFF10] =	vst v3;
	v3 =	vld [tilespmem:s9+$0xB0]  }
0x30a: {  	v0 =	vadd.f32 v5, v0;
	v5 =	vld [tilespmem:s1+$0xFFFFFFA0]  }
0x30b: {  	v2 =	vadd.f32 v2, v4;
	v9 =	vld [tilespmem:s15+$0xFFFFFF20]  }
0x30c: {  	[tilespmem:s1+$0xFFFFFF90] =	vst v0;
	v0 =	vld [tilespmem:s1+$0x20]  }
0x30d: {  	v2 =	vadd.f32 v8, v2;
	v1 =	vadd.f32 v7, v1;
	v4 =	vld [tilespmem:s15+$0xFFFFFFA0]  }
0x30e: {  	v7 =	vld [tilespmem:s9+$0xFFFFFFA0]  }
0x30f: {  	[tilespmem:s1+$0x10] =	vst v2;
	v1 =	vadd.f32 v3, v1;
	v3 =	vld [tilespmem:s9+$0xFFFFFF20]  }
0x310: {  	v8 =	vld [tilespmem:s15+$0x20]  }
0x311: {  	[tilespmem:s1+$0xB0] =	vst v1;
	v1 =	vld [tilespmem:s1+$0xC0]  }
0x312: {  	v6 =	vadd.f32 v9, v6;
	v2 =	vld [tilespmem:s15+$0xC0]  }
0x313: {  	v9 =	vld [tilespmem:s9+$0x20]  }
0x314: {  	v4 =	vadd.f32 v4, v5;
	v5 =	vld [tilespmem:s9+$0xC0];
	v3 =	vadd.f32 v3, v6  }
0x315: {  	v6 =	vld [tilespmem:s1+$0xFFFFFF30]  }
0x316: {  	v0 =	vadd.f32 v8, v0;
	v4 =	vadd.f32 v7, v4;
	v7 =	vld [tilespmem:s1+$0xFFFFFFB0];
	[tilespmem:s1+$0xFFFFFF20] =	vst v3  }
0x317: {  	v1 =	vadd.f32 v2, v1;
	v2 =	vld [tilespmem:s15+$0xFFFFFF30]  }
0x318: {  	v0 =	vadd.f32 v9, v0;
	v9 =	vld [tilespmem:s1+$0x30]  }
0x319: {  	[tilespmem:s1+$0xFFFFFFA0] =	vst v4;
	v4 =	vld [tilespmem:s9+$0xFFFFFF30];
	v1 =	vadd.f32 v5, v1  }
0x31a: {  	v3 =	vld [tilespmem:s15+$0xFFFFFFB0]  }
0x31b: {  	[tilespmem:s1+$0xC0] =	vst v1;
	v1 =	vld [tilespmem:s1+$0xD0]  }
0x31c: {  	[tilespmem:s1+$0x20] =	vst v0;
	v0 =	vld [tilespmem:s15+$0xD0];
	v2 =	vadd.f32 v2, v6  }
0x31d: {  	v5 =	vld [tilespmem:s9+$0xFFFFFFB0]  }
0x31e: {  	v6 =	vld [tilespmem:s9+$0xD0];
	v2 =	vadd.f32 v4, v2  }
0x31f: {  	v8 =	vld [tilespmem:s15+$0x30]  }
0x320: {  	v3 =	vadd.f32 v3, v7;
	v4 =	vld [tilespmem:s1+$0xFFFFFF40];
	[tilespmem:s1+$0xFFFFFF30] =	vst v2  }
0x321: {  	v0 =	vadd.f32 v0, v1;
	v2 =	vld [tilespmem:s15+$0xFFFFFF40]  }
0x322: {  	v7 =	vld [tilespmem:s9+$0x30];
	v3 =	vadd.f32 v5, v3  }
0x323: {  	v0 =	vadd.f32 v6, v0;
	v6 =	vld [tilespmem:s9+$0xFFFFFF40]  }
0x324: {  	[tilespmem:s1+$0xFFFFFFB0] =	vst v3;
	v1 =	vld [tilespmem:s1+$0xFFFFFFC0]  }
0x325: {  	v5 =	vadd.f32 v8, v9;
	v3 =	vld [tilespmem:s15+$0xFFFFFFC0]  }
0x326: {  	[tilespmem:s1+$0xD0] =	vst v0;
	v0 =	vld [tilespmem:s1+$0xE0];
	v2 =	vadd.f32 v2, v4  }
0x327: {  	v5 =	vadd.f32 v7, v5;
	v7 =	vld [tilespmem:s15+$0xE0]  }
0x328: {  	v2 =	vadd.f32 v6, v2;
	v6 =	vld [tilespmem:s9+$0xFFFFFFC0]  }
0x329: {  	v8 =	vld [tilespmem:s1+$0x40]  }
0x32a: {  	[tilespmem:s1+$0x30] =	vst v5;
	v4 =	vld [tilespmem:s9+$0xE0]  }
0x32b: {  	v5 =	vld [tilespmem:s15+$0x40];
	v1 =	vadd.f32 v3, v1  }
0x32c: {  	v38 =	vld [tilespmem:s12+$0xFFFFFFA0]  }
0x32d: {  	v9 =	vld [tilespmem:s9+$0x40];
	v0 =	vadd.f32 v7, v0;
	v1 =	vadd.f32 v6, v1  }
0x32e: {  	v7 =	vld [tilespmem:s1+$0xFFFFFF50]  }
0x32f: {  	v0 =	vadd.f32 v4, v0;
	v4 =	vld [tilespmem:s1+$0xFFFFFFD0];
	[tilespmem:s1+$0xFFFFFFC0] =	vst v1  }
0x330: {  	[tilespmem:s1+$0xFFFFFF40] =	vst v2;
	v2 =	vadd.f32 v5, v8;
	v5 =	vld [tilespmem:s15+$0xFFFFFFD0]  }
0x331: {  	v3 =	vld [tilespmem:s15+$0xFFFFFF50]  }
0x332: {  	v2 =	vadd.f32 v9, v2;
	v9 =	vld [tilespmem:s9+$0xFFFFFFD0]  }
0x333: {  	v43 =	vld [tilespmem:s12+$0xFFFFFF30]  }
0x334: {  	v8 =	vld [tilespmem:s9+$0xFFFFFF50]  }
0x335: {  	v6 =	vld [tilespmem:s1+$0x50];
	[tilespmem:s1+$0x40] =	vst v2;
	v4 =	vadd.f32 v5, v4  }
0x336: {  	v3 =	vadd.f32 v3, v7;
	v7 =	vld [tilespmem:s15+$0x50]  }
0x337: {  	v44 =	vld [tilespmem:s12+$0xFFFFFFB0];
	v4 =	vadd.f32 v9, v4  }
0x338: {  	v48 =	vld [tilespmem:s12+$0x30]  }
0x339: {  	v53 =	vld [tilespmem:s12+$0x40];
	v3 =	vadd.f32 v8, v3;
	[tilespmem:s1+$0xFFFFFFD0] =	vst v4  }
0x33a: {  	v4 =	vld [tilespmem:s15+$0xFFFFFFE0]  }
0x33b: {  	[tilespmem:s1+$0xFFFFFF50] =	vst v3;
	v3 =	vadd.f32 v7, v6;
	v7 =	vld [tilespmem:s12+$0x80]  }
0x33c: {  	v6 =	vld [tilespmem:s9+$0xFFFFFFE0]  }
0x33d: {  	v56 =	vld [tilespmem:s12+$0x50]  }
0x33e: {  	v57 =	vld [tilespmem:s12+$0xF0]  }
0x33f: {  	v5 =	vld [tilespmem:s9+$0x50];
	v11 =	vadd.f32 v4, v11  }
0x340: {  	[tilespmem:s1+$0xE0] =	vst v0;
	v0 =	vld [tilespmem:s1+$0xF0]  }
0x341: {  	v9 =	vld [tilespmem:s15+$0xFFFFFF60];
	v6 =	vadd.f32 v6, v11;
	v11 =	vadd.f32 v13, v7  }
0x342: {  	v1 =	vld [tilespmem:s15+$0xF0]  }
0x343: {  	v12 =	vld [tilespmem:s9+$0xFFFFFF60];
	v11 =	vadd.f32 v14, v11  }
0x344: {  	v2 =	vld [tilespmem:s9+$0xF0];
	v5 =	vadd.f32 v5, v3  }
0x345: {  	[tilespmem:s12+$0x80] =	vst v11;
	v11 =	vld [tilespmem:s12+$0x90]  }
0x346: {  	[tilespmem:s1+$0x50] =	vst v5;
	v5 =	vadd.f32 v9, v10;
	v13 =	vld [tilespmem:s13+$0x90]  }
0x347: {  	v61 =	vld [tilespmem:s12+$0x60]  }
0x348: {  	v12 =	vadd.f32 v12, v5;
	v15 =	vld [tilespmem:s8+$0x90]  }
0x349: {  	v8 =	vld [tilespmem:s1+$0x60];
	v0 =	vadd.f32 v1, v0  }
0x34a: {  	[tilespmem:s1+$0xFFFFFF60] =	vst v12;
	v12 =	vld [tilespmem:s13+$0xFFFFFF00]  }
0x34b: {  	v2 =	vadd.f32 v2, v0;
	v0 =	vld [tilespmem:s12+$0x70];
	v11 =	vadd.f32 v13, v11  }
0x34c: {  	v3 =	vld [tilespmem:s1+$0xFFFFFF70]  }
0x34d: {  	v14 =	vld [tilespmem:s12+$0xFFFFFF80];
	v11 =	vadd.f32 v15, v11  }
0x34e: {  	v10 =	vld [tilespmem:s15+$0x60]  }
0x34f: {  	v15 =	vld [tilespmem:s8+$0xFFFFFF80];
	[tilespmem:s12+$0x90] =	vst v11;
	v11 =	vadd.f32 v12, v18  }
0x350: {  	v12 =	vld [tilespmem:s12+$0xA0]  }
0x351: {  	v28 =	vld [tilespmem:s13+$0xA0];
	v11 =	vadd.f32 v19, v11  }
0x352: {  	v14 =	vadd.f32 v16, v14;
	v13 =	vld [tilespmem:s13+$0x0]  }
0x353: {  	v30 =	vld [tilespmem:s8+$0xA0];
	[tilespmem:s12+$0xFFFFFF00] =	vst v11  }
0x354: {  	v11 =	vadd.f32 v15, v14;
	v14 =	vld [tilespmem:s13+$0xFFFFFF10]  }
0x355: {  	v9 =	vld [tilespmem:s9+$0x60]  }
0x356: {  	v32 =	vld [tilespmem:s8+$0xFFFFFF10];
	v12 =	vadd.f32 v28, v12;
	[tilespmem:s12+$0xFFFFFF80] =	vst v11  }
0x357: {  	v13 =	vadd.f32 v13, v17;
	v11 =	vld [tilespmem:s13+$0xFFFFFF90]  }
0x358: {  	v15 =	vld [tilespmem:s12+$0x10];
	v12 =	vadd.f32 v30, v12  }
0x359: {  	v13 =	vadd.f32 v20, v13;
	v33 =	vld [tilespmem:s8+$0xFFFFFF90];
	v14 =	vadd.f32 v14, v29  }
0x35a: {  	[tilespmem:s12+$0xA0] =	vst v12;
	v12 =	vld [tilespmem:s12+$0xB0]  }
0x35b: {  	[tilespmem:s12+$0x0] =	vst v13;
	v34 =	vld [tilespmem:s13+$0xB0];
	v14 =	vadd.f32 v32, v14  }
0x35c: {  	v13 =	vld [tilespmem:s13+$0x10];
	v11 =	vadd.f32 v11, v31  }
0x35d: {  	[tilespmem:s12+$0xFFFFFF10] =	vst v14;
	v14 =	vld [tilespmem:s8+$0xB0]  }
0x35e: {  	v35 =	vld [tilespmem:s8+$0x10];
	v11 =	vadd.f32 v33, v11  }
0x35f: {  	v37 =	vld [tilespmem:s13+$0xFFFFFF20]  }
0x360: {  	v12 =	vadd.f32 v34, v12;
	[tilespmem:s12+$0xFFFFFF90] =	vst v11;
	v11 =	vld [tilespmem:s12+$0x20]  }
0x361: {  	v13 =	vadd.f32 v13, v15;
	v15 =	vld [tilespmem:s13+$0xFFFFFFA0]  }
0x362: {  	v12 =	vadd.f32 v14, v12;
	v14 =	vld [tilespmem:s8+$0xFFFFFF20]  }
0x363: {  	v13 =	vadd.f32 v35, v13;
	v39 =	vld [tilespmem:s8+$0xFFFFFFA0]  }
0x364: {  	[tilespmem:s12+$0xB0] =	vst v12;
	v12 =	vld [tilespmem:s12+$0xC0]  }
0x365: {  	[tilespmem:s12+$0x10] =	vst v13;
	v17 =	vadd.f32 v37, v36;
	v13 =	vld [tilespmem:s13+$0xC0]  }
0x366: {  	v40 =	vld [tilespmem:s13+$0x20];
	v15 =	vadd.f32 v15, v38  }
0x367: {  	v41 =	vld [tilespmem:s8+$0xC0];
	v14 =	vadd.f32 v14, v17  }
0x368: {  	v42 =	vld [tilespmem:s8+$0x20];
	v15 =	vadd.f32 v39, v15  }
0x369: {  	v5 =	vld [tilespmem:s1+$0x70];
	[tilespmem:s12+$0xFFFFFF20] =	vst v14  }
0x36a: {  	[tilespmem:s12+$0xFFFFFFA0] =	vst v15;
	v12 =	vadd.f32 v13, v12;
	v13 =	vld [tilespmem:s13+$0xFFFFFF30]  }
0x36b: {  	v11 =	vadd.f32 v40, v11;
	v14 =	vld [tilespmem:s13+$0xFFFFFFB0]  }
0x36c: {  	v15 =	vld [tilespmem:s8+$0xFFFFFF30];
	v12 =	vadd.f32 v41, v12  }
0x36d: {  	v11 =	vadd.f32 v42, v11;
	v45 =	vld [tilespmem:s8+$0xFFFFFFB0]  }
0x36e: {  	[tilespmem:s12+$0xC0] =	vst v12;
	v12 =	vld [tilespmem:s12+$0xD0]  }
0x36f: {  	[tilespmem:s12+$0x20] =	vst v11;
	v11 =	vld [tilespmem:s13+$0xD0]  }
0x370: {  	v46 =	vld [tilespmem:s13+$0x30];
	v13 =	vadd.f32 v13, v43  }
0x371: {  	v47 =	vld [tilespmem:s8+$0xD0];
	v14 =	vadd.f32 v14, v44  }
0x372: {  	v49 =	vld [tilespmem:s8+$0x30];
	v13 =	vadd.f32 v15, v13  }
0x373: {  	v15 =	vld [tilespmem:s12+$0xFFFFFF40];
	v14 =	vadd.f32 v45, v14  }
0x374: {  	[tilespmem:s12+$0xFFFFFF30] =	vst v13;
	v11 =	vadd.f32 v11, v12;
	v12 =	vld [tilespmem:s12+$0xFFFFFFC0]  }
0x375: {  	[tilespmem:s12+$0xFFFFFFB0] =	vst v14;
	v13 =	vld [tilespmem:s13+$0xFFFFFF40]  }
0x376: {  	v14 =	vld [tilespmem:s13+$0xFFFFFFC0];
	v11 =	vadd.f32 v47, v11  }
0x377: {  	v51 =	vld [tilespmem:s8+$0xFFFFFF40]  }
0x378: {  	v50 =	vadd.f32 v46, v48;
	[tilespmem:s12+$0xD0] =	vst v11;
	v11 =	vld [tilespmem:s12+$0xE0]  }
0x379: {  	v52 =	vld [tilespmem:s13+$0xE0]  }
0x37a: {  	v16 =	vadd.f32 v49, v50;
	v54 =	vld [tilespmem:s8+$0xFFFFFFC0]  }
0x37b: {  	v13 =	vadd.f32 v13, v15;
	v15 =	vld [tilespmem:s8+$0xE0]  }
0x37c: {  	v4 =	vld [tilespmem:s1+$0xFFFFFFF0];
	[tilespmem:s12+$0x30] =	vst v16  }
0x37d: {  	v16 =	vld [tilespmem:s13+$0x40];
	v12 =	vadd.f32 v14, v12  }
0x37e: {  	v7 =	vld [tilespmem:s15+$0xFFFFFF70];
	v13 =	vadd.f32 v51, v13;
	v11 =	vadd.f32 v52, v11  }
0x37f: {  	[tilespmem:s1+$0xFFFFFFE0] =	vst v6;
	v55 =	vld [tilespmem:s8+$0x40];
	v12 =	vadd.f32 v54, v12  }
0x380: {  	v6 =	vld [tilespmem:s15+$0xFFFFFFF0];
	[tilespmem:s12+$0xFFFFFF40] =	vst v13;
	v11 =	vadd.f32 v15, v11  }
0x381: {  	v13 =	vld [tilespmem:s12+$0xFFFFFF50];
	[tilespmem:s12+$0xFFFFFFC0] =	vst v12  }
0x382: {  	v58 =	vld [tilespmem:s13+$0xFFFFFFD0];
	[tilespmem:s12+$0xE0] =	vst v11;
	v11 =	vadd.f32 v16, v53  }
0x383: {  	v15 =	vld [tilespmem:s12+$0xFFFFFFD0]  }
0x384: {  	v14 =	vld [tilespmem:s13+$0xFFFFFF50];
	v11 =	vadd.f32 v55, v11  }
0x385: {  	v8 =	vadd.f32 v10, v8;
	v10 =	vld [tilespmem:s8+$0xFFFFFFD0]  }
0x386: {  	[tilespmem:s12+$0x40] =	vst v11;
	v11 =	vld [tilespmem:s8+$0xFFFFFF50]  }
0x387: {  	v60 =	vld [tilespmem:s13+$0x50]  }
0x388: {  	v8 =	vadd.f32 v9, v8;
	v9 =	vld [tilespmem:s12+$0xFFFFFF60];
	v15 =	vadd.f32 v58, v15  }
0x389: {  	v13 =	vadd.f32 v14, v13;
	v14 =	vld [tilespmem:s8+$0x50]  }
0x38a: {  	[tilespmem:s1+$0x60] =	vst v8;
	v8 =	vld [tilespmem:s12+$0xFFFFFF70];
	v10 =	vadd.f32 v10, v15  }
0x38b: {  	v12 =	vld [tilespmem:s13+$0xF0]  }
0x38c: {  	v59 =	vld [tilespmem:s8+$0xF0];
	[tilespmem:s12+$0xFFFFFFD0] =	vst v10;
	v11 =	vadd.f32 v11, v13;
	v17 =	vadd.f32 v60, v56  }
0x38d: {  	v10 =	vld [tilespmem:s13+$0xFFFFFFE0]  }
0x38e: {  	v13 =	vld [tilespmem:s12+$0xFFFFFFE0];
	[tilespmem:s12+$0xFFFFFF50] =	vst v11;
	v11 =	vadd.f32 v14, v17  }
0x38f: {  	v14 =	vld [tilespmem:s13+$0xFFFFFF60]  }
0x390: {  	v62 =	vld [tilespmem:s8+$0xFFFFFF60];
	[tilespmem:s12+$0x50] =	vst v11  }
0x391: {  	v12 =	vadd.f32 v12, v57;
	v11 =	vld [tilespmem:s13+$0x60]  }
0x392: {  	v1 =	vld [tilespmem:s8+$0xFFFFFFE0]  }
0x393: {  	v12 =	vadd.f32 v59, v12;
	v63 =	vld [tilespmem:s8+$0x60]  }
0x394: {  	v15 =	vld [tilespmem:s15+$0x70];
	v14 =	vadd.f32 v14, v9  }
0x395: {  	[tilespmem:s12+$0xF0] =	vst v12;
	v12 =	vld [tilespmem:s9+$0xFFFFFFF0];
	v10 =	vadd.f32 v10, v13  }
0x396: {  	[tilespmem:s1+$0xF0] =	vst v2;
	v13 =	vadd.f32 v62, v14;
	v2 =	vadd.f32 v11, v61;
	v11 =	vld [tilespmem:s9+$0xFFFFFF70]  }
0x397: {  	v9 =	vld [tilespmem:s12+$0xFFFFFFF0];
	v14 =	vadd.f32 v1, v10  }
0x398: {  	v10 =	vld [tilespmem:s9+$0x70];
	[tilespmem:s12+$0xFFFFFF60] =	vst v13;
	v13 =	vadd.f32 v63, v2  }
0x399: {  	s17 =	simm.s32 $0x500;
	v1 =	vadd.f32 v7, v3;
	[tilespmem:s12+$0xFFFFFFE0] =	vst v14;
	v7 =	vld [tilespmem:s13+$0xFFFFFF70]  }
0x39a: {  	s18 =	simm.s32 $0x4300;
	s15 =	simm.s32 $0x8300;
	v3 =	vadd.f32 v15, v5;
	s9 =	simm.s32 $0x4;
	v2 =	vadd.f32 v6, v4;
	v4 =	vld [tilespmem:s13+$0xFFFFFFF0];
	[tilespmem:s12+$0x60] =	vst v13  }
.LBB2_17:
0x39b: {  	v5 =	vld [tilespmem:s17+$0x80];
	s13 =	sadd.s32 $0x200, s13;
	v1 =	vadd.f32 v11, v1  }
0x39c: {  	s9 =	sadd.s32 $0x4, s9;
	v6 =	vld [tilespmem:s13+$0x80];
	v2 =	vadd.f32 v12, v2  }
0x39d: {  	s8 =	sadd.s32 $0x200, s8;
	p2 =	slt.u32 s9, $0x1C;
	v11 =	vld [tilespmem:s13+$0xFFFFFF00];
	[tilespmem:s1+$0xFFFFFF70] =	vst v1;
	v3 =	vadd.f32 v10, v3  }
0x39e: {  	v10 =	vld [tilespmem:s8+$0x80];
	v1 =	vadd.f32 v7, v8;
	[tilespmem:s1+$0xFFFFFFF0] =	vst v2  }
0x39f: {  	v7 =	vld [tilespmem:s17+$0xFFFFFF80];
	v2 =	vadd.f32 v4, v9;
	[tilespmem:s1+$0x70] =	vst v3;
	s1 =	smov.u32 s12;
	s12 =	smov.u32 s17  }
0x3a0: {  	v3 =	vld [tilespmem:s13+$0xFFFFFF80]  }
0x3a1: {  	v4 =	vld [tilespmem:s17+$0x0];
	v5 =	vadd.f32 v6, v5  }
0x3a2: {  	v6 =	vld [tilespmem:s13+$0x0]  }
0x3a3: {  	v8 =	vld [tilespmem:s17+$0xFFFFFF00];
	v5 =	vadd.f32 v10, v5  }
0x3a4: {  	v9 =	vld [tilespmem:s8+$0xFFFFFF00]  }
0x3a5: {  	v3 =	vadd.f32 v3, v7;
	[tilespmem:s17+$0x80] =	vst v5;
	v5 =	vld [tilespmem:s17+$0x90]  }
0x3a6: {  	v7 =	vld [tilespmem:s13+$0x90]  }
0x3a7: {  	v10 =	vld [tilespmem:s8+$0xFFFFFF80];
	v4 =	vadd.f32 v6, v4  }
0x3a8: {  	v6 =	vadd.f32 v11, v8;
	v8 =	vld [tilespmem:s8+$0x90]  }
0x3a9: {  	v11 =	vld [tilespmem:s8+$0x0]  }
0x3aa: {  	v6 =	vadd.f32 v9, v6;
	v9 =	vld [tilespmem:s17+$0xFFFFFF10]  }
0x3ab: {  	v12 =	vld [tilespmem:s17+$0xFFFFFF90];
	v5 =	vadd.f32 v7, v5  }
0x3ac: {  	[tilespmem:s17+$0xFFFFFF00] =	vst v6;
	v3 =	vadd.f32 v10, v3;
	v6 =	vld [tilespmem:s17+$0x10]  }
0x3ad: {  	v7 =	vld [tilespmem:s13+$0xFFFFFF10];
	v5 =	vadd.f32 v8, v5  }
0x3ae: {  	v8 =	vld [tilespmem:s8+$0xFFFFFF10];
	[tilespmem:s17+$0xFFFFFF80] =	vst v3;
	v3 =	vadd.f32 v11, v4  }
0x3af: {  	[tilespmem:s17+$0x90] =	vst v5;
	v4 =	vld [tilespmem:s17+$0xA0]  }
0x3b0: {  	[tilespmem:s17+$0x0] =	vst v3;
	v3 =	vld [tilespmem:s13+$0xA0]  }
0x3b1: {  	v5 =	vld [tilespmem:s13+$0xFFFFFF90]  }
0x3b2: {  	v7 =	vadd.f32 v7, v9;
	v9 =	vld [tilespmem:s8+$0xA0]  }
0x3b3: {  	v10 =	vld [tilespmem:s13+$0x10]  }
0x3b4: {  	v7 =	vadd.f32 v8, v7;
	v8 =	vld [tilespmem:s8+$0xFFFFFF90]  }
0x3b5: {  	v11 =	vld [tilespmem:s8+$0x10];
	v3 =	vadd.f32 v3, v4  }
0x3b6: {  	[tilespmem:s17+$0xFFFFFF10] =	vst v7;
	v4 =	vld [tilespmem:s17+$0xFFFFFF20];
	v5 =	vadd.f32 v5, v12  }
0x3b7: {  	v7 =	vld [tilespmem:s13+$0xFFFFFF20];
	v3 =	vadd.f32 v9, v3  }
0x3b8: {  	v9 =	vld [tilespmem:s17+$0xFFFFFFA0];
	v6 =	vadd.f32 v10, v6  }
0x3b9: {  	v5 =	vadd.f32 v8, v5;
	[tilespmem:s17+$0xA0] =	vst v3;
	v3 =	vld [tilespmem:s17+$0xB0]  }
0x3ba: {  	v6 =	vadd.f32 v11, v6;
	v8 =	vld [tilespmem:s13+$0xB0]  }
0x3bb: {  	[tilespmem:s17+$0xFFFFFF90] =	vst v5;
	v5 =	vld [tilespmem:s17+$0x20]  }
0x3bc: {  	v4 =	vadd.f32 v7, v4;
	[tilespmem:s17+$0x10] =	vst v6;
	v6 =	vld [tilespmem:s8+$0xB0]  }
0x3bd: {  	v7 =	vld [tilespmem:s13+$0xFFFFFFA0]  }
0x3be: {  	v10 =	vld [tilespmem:s13+$0x20]  }
0x3bf: {  	v11 =	vld [tilespmem:s8+$0xFFFFFF20];
	v3 =	vadd.f32 v8, v3  }
0x3c0: {  	v8 =	vld [tilespmem:s8+$0xFFFFFFA0]  }
0x3c1: {  	v12 =	vld [tilespmem:s8+$0x20];
	v3 =	vadd.f32 v6, v3  }
0x3c2: {  	v6 =	vld [tilespmem:s17+$0xFFFFFF30];
	v7 =	vadd.f32 v7, v9  }
0x3c3: {  	v5 =	vadd.f32 v10, v5;
	[tilespmem:s17+$0xB0] =	vst v3;
	v3 =	vld [tilespmem:s17+$0xC0]  }
0x3c4: {  	v4 =	vadd.f32 v11, v4;
	v9 =	vld [tilespmem:s13+$0xC0]  }
0x3c5: {  	v7 =	vadd.f32 v8, v7;
	v8 =	vld [tilespmem:s17+$0xFFFFFFB0]  }
0x3c6: {  	[tilespmem:s17+$0xFFFFFF20] =	vst v4;
	v4 =	vadd.f32 v12, v5;
	v5 =	vld [tilespmem:s8+$0xC0]  }
0x3c7: {  	v10 =	vld [tilespmem:s13+$0xFFFFFF30];
	[tilespmem:s17+$0xFFFFFFA0] =	vst v7  }
0x3c8: {  	v7 =	vld [tilespmem:s13+$0xFFFFFFB0];
	[tilespmem:s17+$0x20] =	vst v4  }
0x3c9: {  	v4 =	vld [tilespmem:s13+$0x30];
	v3 =	vadd.f32 v9, v3  }
0x3ca: {  	v9 =	vld [tilespmem:s17+$0x30]  }
0x3cb: {  	v11 =	vld [tilespmem:s8+$0xFFFFFF30];
	v3 =	vadd.f32 v5, v3  }
0x3cc: {  	v5 =	vadd.f32 v10, v6;
	v6 =	vld [tilespmem:s8+$0xFFFFFFB0]  }
0x3cd: {  	v7 =	vadd.f32 v7, v8;
	[tilespmem:s17+$0xC0] =	vst v3;
	v3 =	vld [tilespmem:s17+$0xD0]  }
0x3ce: {  	v8 =	vld [tilespmem:s13+$0xD0]  }
0x3cf: {  	v4 =	vadd.f32 v4, v9;
	v9 =	vld [tilespmem:s8+$0x30]  }
0x3d0: {  	v5 =	vadd.f32 v11, v5;
	v10 =	vld [tilespmem:s8+$0xD0]  }
0x3d1: {  	v11 =	vld [tilespmem:s17+$0xFFFFFF40];
	v6 =	vadd.f32 v6, v7  }
0x3d2: {  	[tilespmem:s17+$0xFFFFFF30] =	vst v5;
	v5 =	vld [tilespmem:s17+$0xFFFFFFC0]  }
0x3d3: {  	v7 =	vld [tilespmem:s13+$0xFFFFFF40];
	[tilespmem:s17+$0xFFFFFFB0] =	vst v6;
	v3 =	vadd.f32 v8, v3  }
0x3d4: {  	v6 =	vld [tilespmem:s13+$0xFFFFFFC0];
	v4 =	vadd.f32 v9, v4  }
0x3d5: {  	v8 =	vld [tilespmem:s17+$0x40];
	v3 =	vadd.f32 v10, v3  }
0x3d6: {  	v9 =	vld [tilespmem:s8+$0xFFFFFF40];
	[tilespmem:s17+$0x30] =	vst v4  }
0x3d7: {  	[tilespmem:s17+$0xD0] =	vst v3;
	v3 =	vld [tilespmem:s17+$0xE0]  }
0x3d8: {  	v4 =	vadd.f32 v7, v11;
	v7 =	vld [tilespmem:s13+$0xE0]  }
0x3d9: {  	v5 =	vadd.f32 v6, v5;
	v6 =	vld [tilespmem:s13+$0x40]  }
0x3da: {  	v10 =	vld [tilespmem:s8+$0xE0]  }
0x3db: {  	v4 =	vadd.f32 v9, v4;
	v9 =	vld [tilespmem:s8+$0xFFFFFFC0]  }
0x3dc: {  	v11 =	vld [tilespmem:s8+$0x40]  }
0x3dd: {  	[tilespmem:s17+$0xFFFFFF40] =	vst v4;
	v4 =	vld [tilespmem:s17+$0xFFFFFF50];
	v3 =	vadd.f32 v7, v3  }
0x3de: {  	v7 =	vld [tilespmem:s13+$0xFFFFFF50];
	v6 =	vadd.f32 v6, v8  }
0x3df: {  	v8 =	vld [tilespmem:s17+$0xFFFFFFD0];
	v3 =	vadd.f32 v10, v3  }
0x3e0: {  	v5 =	vadd.f32 v9, v5;
	v9 =	vld [tilespmem:s17+$0x50]  }
0x3e1: {  	v6 =	vadd.f32 v11, v6;
	[tilespmem:s17+$0xE0] =	vst v3;
	v3 =	vld [tilespmem:s17+$0xF0]  }
0x3e2: {  	[tilespmem:s17+$0xFFFFFFC0] =	vst v5;
	v5 =	vld [tilespmem:s13+$0xF0]  }
0x3e3: {  	v4 =	vadd.f32 v7, v4;
	v7 =	vld [tilespmem:s13+$0xFFFFFFD0];
	[tilespmem:s17+$0x40] =	vst v6  }
0x3e4: {  	v6 =	vld [tilespmem:s8+$0xF0]  }
0x3e5: {  	v10 =	vld [tilespmem:s13+$0x50]  }
0x3e6: {  	v11 =	vld [tilespmem:s8+$0xFFFFFF50]  }
0x3e7: {  	v12 =	vld [tilespmem:s8+$0xFFFFFFD0];
	v3 =	vadd.f32 v5, v3  }
0x3e8: {  	v5 =	vadd.f32 v7, v8;
	v7 =	vld [tilespmem:s8+$0x50]  }
0x3e9: {  	v13 =	vld [tilespmem:s17+$0xFFFFFF60];
	v3 =	vadd.f32 v6, v3  }
0x3ea: {  	v6 =	vld [tilespmem:s17+$0xFFFFFFE0];
	v9 =	vadd.f32 v10, v9  }
0x3eb: {  	v4 =	vadd.f32 v11, v4;
	v10 =	vld [tilespmem:s17+$0x60];
	[tilespmem:s17+$0xF0] =	vst v3  }
0x3ec: {  	v3 =	vadd.f32 v12, v5;
	v5 =	vld [tilespmem:s18+$0x70];
	s18 =	smov.u32 s13  }
0x3ed: {  	[tilespmem:s17+$0xFFFFFF50] =	vst v4;
	v8 =	vld [tilespmem:s17+$0xFFFFFF70];
	v4 =	vadd.f32 v7, v9  }
0x3ee: {  	v7 =	vld [tilespmem:s13+$0xFFFFFF60];
	[tilespmem:s17+$0xFFFFFFD0] =	vst v3  }
0x3ef: {  	v9 =	vld [tilespmem:s13+$0xFFFFFFE0];
	[tilespmem:s17+$0x50] =	vst v4  }
0x3f0: {  	v4 =	vld [tilespmem:s13+$0x60]  }
0x3f1: {  	v11 =	vld [tilespmem:s8+$0xFFFFFF60];
	v3 =	vadd.f32 v5, v0  }
0x3f2: {  	v5 =	vld [tilespmem:s8+$0xFFFFFFE0]  }
0x3f3: {  	v7 =	vadd.f32 v7, v13;
	v13 =	vld [tilespmem:s8+$0x60]  }
0x3f4: {  	v6 =	vadd.f32 v9, v6;
	v9 =	vld [tilespmem:s17+$0xFFFFFFF0]  }
0x3f5: {  	v4 =	vadd.f32 v4, v10;
	v0 =	vld [tilespmem:s17+$0x70]  }
.Ltmp14:
0x3f6: {  	v7 =	vadd.f32 v11, v7;
	v11 =	vld [tilespmem:s15+$0xFFFFFF70];
	(pc) =	sbr.rel @p2 .LBB2_17-.Ltmp14, $4  }
0x3f7: {  	v5 =	vadd.f32 v5, v6;
	v12 =	vld [tilespmem:s15+$0xFFFFFFF0]  }
0x3f8: {  	[tilespmem:s17+$0xFFFFFF60] =	vst v7;
	v6 =	vadd.f32 v13, v4;
	v10 =	vld [tilespmem:s15+$0x70];
	s15 =	smov.u32 s8  }
0x3f9: {  	v7 =	vld [tilespmem:s13+$0xFFFFFF70];
	[tilespmem:s17+$0xFFFFFFE0] =	vst v5  }
0x3fa: {  	s17 =	sadd.s32 $0x200, s17;
	v4 =	vld [tilespmem:s13+$0xFFFFFFF0];
	[tilespmem:s12+$0x60] =	vst v6  }
0x3fb: {  	v5 =	vld [tilespmem:s18+$0x70]  }
0x3fc: {  	v6 =	vld [tilespmem:s15+$0xFFFFFF70]  }
0x3fd: {  	v13 =	vld [tilespmem:s15+$0xFFFFFFF0]  }
0x3fe: {  	v1 =	vadd.f32 v11, v1;
	v59 =	vld [tilespmem:s15+$0x70]  }
0x3ff: {  	v2 =	vadd.f32 v12, v2;
	v7 =	vadd.f32 v7, v8  }
0x400: {  	[tilespmem:s1+$0xFFFFFF70] =	vst v1;
	v60 =	vadd.f32 v10, v3;
	v61 =	vadd.f32 v4, v9  }
0x401: {  	[tilespmem:s1+$0xFFFFFFF0] =	vst v2;
	v0 =	vadd.f32 v5, v0;
	v62 =	vadd.f32 v6, v7  }
0x402: {  	[tilespmem:s1+$0x70] =	vst v60;
	v63 =	vadd.f32 v13, v61  }
0x403: {  	[tilespmem:s12+$0xFFFFFF70] =	vst v62;
	v0 =	vadd.f32 v59, v0  }
0x404: {  	[tilespmem:s12+$0xFFFFFFF0] =	vst v63  }
0x405: {  	[tilespmem:s12+$0x70] =	vst v0  }
.Ltmp15:
0x406: {  	s1 =	rddreg [dreg:$0xa];
	(pc) =	sbr.rel .LBB2_19-.Ltmp15, $4  }
0x407: {  	[hbm4b:s1+s6] =	stream.linear.scatter [tilespmem:s6], [sflag:$0x6], $0x1000, $0x38;
	[tilespmem:$0x1E838] =	vst v63  }
0x408: {  	_ =	swait.ge [sflag:s23], $0x1000  }
0x409: {  	[sflag:s23] =	ssyncset.done $0x0  }
0x40a: {  	[sflag:s23] =	ssyncadd.s32 $0xFFFFF000  }
.LBB2_20:
0x40b: {  	_ =	sfence.sel $0x180000  }
0x40c: {  	[bflag:$0x0] =	sbarrier.arrive $0xFFFF  }
0x40d: {  	_ =	strace $0x90000047  }
0x40e: {  	[bflag:$0x2] =	sbarrier.arrive $0xFFFF  }
0x40f: {  	s0 =	rddreg [dreg:$0x6]  }
0x410: {  	s0 =	sadd.s32 @!p0 $0x100000, s0  }
0x411: {  	[sflag:s0] =	ssyncadd.tile.s32 @!p0 $0x1;
	_ =	shalt  }
.Lfunc_end2:
_tile_overlayer_lowered:
.L_overlay_start_2:
0x412: {  	(tag) =	ssettag $0x2  }
0x413: {  	s0 =	rddreg [dreg:$0x0];
	s2 =	stileid.u32  }
0x414: {  	s1 =	rddreg [dreg:$0x1];
	p0 =	sne.s32 s2, $0x0  }
0x415: {  	s3 =	rddreg [dreg:$0x2];
	[bflag:$0x3] =	sbarrier.arrive $0xFFFF;
	s2 =	simm.s32 @!p0 $0x1C06  }
0x416: {  	[timem:s3], [sflag:s2] =	dma.local @!p0 [hbm:s0], s1  }
0x417: {  	s0 =	simm.s32 @!p0 $0x6  }
0x418: {  	_ =	swait.ge @!p0 [sflag:s0], s1  }
0x419: {  	s1 =	ssub.s32 @!p0 $0x0, s1;
	[sflag:s0] =	ssyncset.done @!p0 $0x0  }
0x41a: {  	[sflag:s0] =	ssyncadd.s32 @!p0 s1  }
0x41b: {  	[bflag:$0x3] =	sbarrier.arrive $0xFFFF  }
0x41c: {  	_ =	shalt  }

</sc_bundles>
